<compile_context>
chip_gen: v7x
topology: tpu7x:2x2x1
jax: 0.10.2.dev20260603
libtpu: 0.0.44.dev20260713+nightly
codegen_flags: <defaults>
</compile_context>

<pallas_src>
import functools

import jax
import jax.numpy as jnp
from jax import lax
from jax.experimental import pallas as pl
from jax.experimental.pallas import tpu as pltpu
from jax.experimental.pallas import tpu_sc as plsc

N = 10000
D = 128
HD = D // 2
E = 320000
NC = 2
NS = 16
CHUNK = 80
NCHUNK = 250
ACC_N = 10240
RPT = ACC_N // NS
ZROWS = 80
DEGW = 16
NB = 7
K = 5
MAIN_LO = NB
MAIN_HI = NB + ((NCHUNK - K - NB) // NB) * NB


def _sc_aggregate(x2, ei):
    mesh = plsc.VectorSubcoreMesh(core_axis_name="c", subcore_axis_name="s")

    @functools.partial(
        pl.kernel,
        out_type=(
            jax.ShapeDtypeStruct((ACC_N, D), jnp.float32),
            jax.ShapeDtypeStruct((NC, ACC_N, DEGW), jnp.float32),
        ),
        mesh=mesh,
        scratch_types=[
            pltpu.VMEM((NCHUNK, CHUNK), jnp.int32),
            pltpu.VMEM((NCHUNK, CHUNK), jnp.int32),
            pltpu.VMEM((CHUNK, DEGW), jnp.float32),
            pltpu.VMEM((ZROWS, DEGW), jnp.float32),
            pltpu.VMEM_SHARED((ACC_N, HD), jnp.float32),
            pltpu.VMEM_SHARED((ACC_N, DEGW), jnp.float32),
            pltpu.SemaphoreType.DMA,
            pltpu.SemaphoreType.DMA,
            pltpu.SemaphoreType.DMA,
        ]
        + [pltpu.VMEM((CHUNK, HD), jnp.float32) for _ in range(NB)],
        compiler_params=pltpu.CompilerParams(use_tc_tiling_on_sc=False),
    )
    def sc_kernel(x_hbm, ei_hbm, part_hbm, degp_hbm,
                  row_v, col_v, ones_v, zdeg, acc_s, deg_s,
                  sem_g, sem_s, sem_d, *gbuf):
        c = lax.axis_index("c")
        s = lax.axis_index("s")

        zeros16 = jnp.zeros((16,), jnp.float32)
        ones16 = jnp.ones((16,), jnp.float32)
        ctile = jnp.full((16,), 0, jnp.int32) + c

        @pl.loop(0, ZROWS)
        def _(i):
            zdeg[i, :] = zeros16
            ones_v[i, :] = ones16

            @pl.loop(0, HD // 16)
            def _(k):
                gbuf[0][i, pl.ds(k * 16, 16)] = zeros16

        @pl.loop(0, RPT // ZROWS)
        def _(q):
            base = s * RPT + q * ZROWS
            pltpu.async_copy(gbuf[0], acc_s.at[pl.ds(base, ZROWS)], sem_s)
            pltpu.async_copy(zdeg, deg_s.at[pl.ds(base, ZROWS)], sem_s)

        pltpu.async_copy(ei_hbm.at[0, s], row_v, sem_g)
        pltpu.async_copy(ei_hbm.at[1, s], col_v, sem_g)
        pltpu.make_async_copy(ei_hbm.at[0, s], row_v, sem_g).wait()
        pltpu.make_async_copy(ei_hbm.at[1, s], col_v, sem_g).wait()

        def rewrite(j):
            for k in range(CHUNK // 16):
                v = row_v[j, pl.ds(k * 16, 16)]
                row_v[j, pl.ds(k * 16, 16)] = v * 2 + ctile

        def gwait(j, b):
            pltpu.make_async_copy(
                x_hbm.at[row_v.at[j]], gbuf[b], sem_g).wait()

        def gfire(j, b):
            pltpu.async_copy(x_hbm.at[row_v.at[j]], gbuf[b], sem_g)

        def sfire(j, b):
            pltpu.async_copy(gbuf[b], acc_s.at[col_v.at[j]], sem_s, add=True)

        def sdrain():
            pltpu.make_async_copy(
                gbuf[0], acc_s.at[col_v.at[0]], sem_s).wait()

        for j in range(K):
            rewrite(j)

        @pl.loop(0, RPT // ZROWS)
        def _(_):
            pltpu.make_async_copy(gbuf[0], acc_s.at[pl.ds(0, ZROWS)],
                                  sem_s).wait()
            pltpu.make_async_copy(zdeg, deg_s.at[pl.ds(0, ZROWS)],
                                  sem_s).wait()

        for b in range(K):
            gfire(b, b)

        plsc.subcore_barrier()

        for j in range(NB):
            rewrite(j + K)
            gwait(j, j % NB)
            sfire(j, j % NB)
            if j >= NB - K:
                sdrain()
            gfire(j + K, (j + K) % NB)

        @pl.loop(MAIN_LO, MAIN_HI, step=NB)
        def _(oj):
            for b in range(NB):
                j = oj + b
                rewrite(j + K)
                gwait(j, b)
                sfire(j, b)
                sdrain()
                pltpu.async_copy(
                    x_hbm.at[row_v.at[j + K]], gbuf[(b + K) % NB], sem_g)

        for jj in range(MAIN_HI, NCHUNK):
            if jj + K < NCHUNK:
                rewrite(jj + K)
            gwait(jj, jj % NB)
            sfire(jj, jj % NB)
            if jj + K < NCHUNK:
                sdrain()
                gfire(jj + K, (jj + K) % NB)

        @pl.loop(0, NB)
        def _(_):
            sdrain()

        dlo = c * (NCHUNK // 2)

        @pl.loop(0, NCHUNK // 2)
        def _(j):
            pltpu.async_copy(ones_v, deg_s.at[col_v.at[dlo + j]], sem_d,
                             add=True)

        @pl.loop(0, NCHUNK // 2)
        def _(_):
            pltpu.make_async_copy(
                ones_v, deg_s.at[col_v.at[0]], sem_d).wait()

        plsc.subcore_barrier()

        pltpu.sync_copy(acc_s.at[pl.ds(s * RPT, RPT)],
                        part_hbm.at[pl.ds(s * RPT, RPT),
                                    pl.ds(c * HD, HD)])
        pltpu.sync_copy(deg_s.at[pl.ds(s * RPT, RPT)],
                        degp_hbm.at[c, pl.ds(s * RPT, RPT)])

    return sc_kernel(x2, ei)


def _tc_combine(x, part, degp, W_self, W_neigh, bias2d):
    R = 2000

    def body(x_ref, part_ref, degp_ref, ws_ref, wn_ref, b_ref, o_ref):
        d = degp_ref[0] + degp_ref[1]
        dcol = jnp.maximum(d[:, 0:1], 1.0)
        agg = part_ref[...] / dcol
        o_ref[...] = (
            jnp.dot(x_ref[...], ws_ref[...], preferred_element_type=jnp.float32)
            + jnp.dot(agg, wn_ref[...], preferred_element_type=jnp.float32)
            + b_ref[...]
        )

    return pl.pallas_call(
        body,
        grid=(N // R,),
        in_specs=[
            pl.BlockSpec((R, D), lambda i: (i, 0)),
            pl.BlockSpec((R, D), lambda i: (i, 0)),
            pl.BlockSpec((NC, R, DEGW), lambda i: (0, i, 0)),
            pl.BlockSpec((D, D), lambda i: (0, 0)),
            pl.BlockSpec((D, D), lambda i: (0, 0)),
            pl.BlockSpec((1, D), lambda i: (0, 0)),
        ],
        out_specs=pl.BlockSpec((R, D), lambda i: (i, 0)),
        out_shape=jax.ShapeDtypeStruct((N, D), jnp.float32),
    )(x, part, degp, W_self, W_neigh, bias2d)


def kernel(x, edge_index, W_self, W_neigh, bias):
    ei = edge_index.astype(jnp.int32).reshape(2, NS, NCHUNK, CHUNK)
    x2 = x.reshape(2 * N, HD)
    part, degp = _sc_aggregate(x2, ei)
    return _tc_combine(x, part, degp, W_self, W_neigh, bias.reshape(1, D))

# --- scband reference (transcript-rebuilt; emitter-appended) ---
"""Pipeline reference for scband-sageconv-1554778161245 (READ-ONLY COPY).

The authoritative reference and input builder live on the scoring server;
editing this copy changes nothing except your own understanding.
"""

import jax, jax.numpy as jnp
import numpy as np

N_NODES = 10000
N_EDGES = 320000
D = 128

def setup_inputs(seed: int = 0) -> dict:
    key = jax.random.key(seed)
    k1, k2, k3, k4 = jax.random.split(key, 4)
    x = jax.random.normal(k1, (N_NODES, D), dtype=jnp.float32)
    edge_index = jax.random.randint(k2, (2, N_EDGES), 0, N_NODES, dtype=jnp.int64)
    # Xavier-uniform init for linear weights, stored as [in, out]
    limit = float(np.sqrt(6.0 / (D + D)))
    W_self = jax.random.uniform(k3, (D, D), dtype=jnp.float32, minval=-limit, maxval=limit)
    W_neigh = jax.random.uniform(k4, (D, D), dtype=jnp.float32, minval=-limit, maxval=limit)
    bias = jnp.zeros((D,), dtype=jnp.float32)
    return {"x": x, "edge_index": edge_index, "W_self": W_self, "W_neigh": W_neigh, "bias": bias}

def reference(x, edge_index, W_self, W_neigh, bias):
    num_nodes = x.shape[0]
    row = edge_index[0]
    col = edge_index[1]
    # scatter-add of gathered neighbor features into destination nodes
    agg = jnp.zeros_like(x).at[col].add(x[row])
    # in-degree of each destination node, clamped to >= 1
    deg = jnp.zeros((num_nodes,), dtype=x.dtype).at[col].add(1.0)
    deg = jnp.clip(deg, 1.0, None)
    agg = agg / deg[:, None]
    out = x @ W_self + agg @ W_neigh + bias
    return out

if __name__ == "__main__":
    import jax
    _d = setup_inputs()
    print(jax.jit(kernel)(*tuple(_d.values())))

</pallas_src>

<mosaic_0001>
#map = affine_map<(d0, d1) -> (0, 0)>
#map1 = affine_map<(d0, d1) -> (0, 0, 0, 0)>
#map2 = affine_map<(d0, d1) -> (0, 0, 0)>
module attributes {stable_mosaic.version = 14 : i64} {
  func.func @sc_kernel(%arg0: i32, %arg1: i32, %arg2: memref<20000x64xf32, #tpu.memory_space<hbm>>, %arg3: memref<2x16x250x80xi32, #tpu.memory_space<hbm>>, %arg4: memref<10240x128xf32, #tpu.memory_space<hbm>>, %arg5: memref<2x10240x16xf32, #tpu.memory_space<hbm>>, %arg6: memref<250x80xi32, #tpu.memory_space<vmem>>, %arg7: memref<250x80xi32, #tpu.memory_space<vmem>>, %arg8: memref<80x16xf32, #tpu.memory_space<vmem>>, %arg9: memref<80x16xf32, #tpu.memory_space<vmem>>, %arg10: memref<10240x64xf32, #tpu.memory_space<vmem_shared>>, %arg11: memref<10240x16xf32, #tpu.memory_space<vmem_shared>>, %arg12: memref<!tpu.dma_semaphore, #tpu.memory_space<semaphore_mem>>, %arg13: memref<!tpu.dma_semaphore, #tpu.memory_space<semaphore_mem>>, %arg14: memref<!tpu.dma_semaphore, #tpu.memory_space<semaphore_mem>>, %arg15: memref<80x64xf32, #tpu.memory_space<vmem>>, %arg16: memref<80x64xf32, #tpu.memory_space<vmem>>, %arg17: memref<80x64xf32, #tpu.memory_space<vmem>>, %arg18: memref<80x64xf32, #tpu.memory_space<vmem>>, %arg19: memref<80x64xf32, #tpu.memory_space<vmem>>, %arg20: memref<80x64xf32, #tpu.memory_space<vmem>>, %arg21: memref<80x64xf32, #tpu.memory_space<vmem>>) attributes {dimension_semantics = [#tpu.dimension_semantics<core_parallel>, #tpu.dimension_semantics<subcore_parallel>], iteration_bounds = array<i64: 2, 16>, scalar_prefetch = 0 : i64, scratch_operands = 16 : i64, tpu.core_type = #tpu.core_type<sc_vector_subcore>, window_params = [{transform_indices = #map}, {transform_indices = #map1}, {transform_indices = #map}, {transform_indices = #map2}]} {
    %broadcast_in_dim3A = arith.constant 0.000000e+00 : f32
    %broadcast_in_dim3A_0 = vector.broadcast %broadcast_in_dim3A : f32 to vector<16xf32>
    %broadcast_in_dim3A_1 = arith.constant 1.000000e+00 : f32
    %broadcast_in_dim3A_2 = vector.broadcast %broadcast_in_dim3A_1 : f32 to vector<16xf32>
    %broadcast_in_dim3A_3 = arith.constant 0 : i32
    %broadcast_in_dim3A_4 = vector.broadcast %broadcast_in_dim3A_3 : i32 to vector<16xi32>
    %add3A = vector.broadcast %arg0 : i32 to vector<16xi32>
    %add3A_5 = arith.addi %broadcast_in_dim3A_4, %add3A : vector<16xi32>
    %scan3A = arith.constant 0 : i32
    %scan3A_6 = arith.constant 80 : i32
    %scan3A_7 = arith.addi %scan3A, %scan3A_6 : i32
    %scan3A_8 = arith.constant 1 : i32
    scf.for %scan3A_1271 = %scan3A to %scan3A_7 step %scan3A_8  : i32 {
      %mul3A_1272 = arith.constant 1 : i32
      %mul3A_1273 = arith.muli %scan3A_1271, %mul3A_1272 : i32
      %add3A_1274 = arith.constant 0 : i32
      %add3A_1275 = arith.addi %add3A_1274, %mul3A_1273 : i32
      %swap3A_1276 = arith.index_cast %add3A_1275 : i32 to index
      %swap3A_1277 = arith.constant 0 : index
      %swap3A_1278 = tpu.vector_load %arg9[%swap3A_1276, %swap3A_1277] {strides = array<i32>} : memref<80x16xf32, #tpu.memory_space<vmem>>, vector<1x16xf32>,
      %swap3A_1279 = vector.shape_cast %swap3A_1278 : vector<1x16xf32> to vector<16xf32>
      %swap3A_1280 = vector.shape_cast %broadcast_in_dim3A_0 : vector<16xf32> to vector<1x16xf32>
      tpu.vector_store %arg9[%swap3A_1276, %swap3A_1277], %swap3A_1280 {strides = array<i32>} : memref<80x16xf32, #tpu.memory_space<vmem>>, vector<1x16xf32>,
      %swap3A_1281 = arith.index_cast %add3A_1275 : i32 to index
      %swap3A_1282 = arith.constant 0 : index
      %swap3A_1283 = tpu.vector_load %arg8[%swap3A_1281, %swap3A_1282] {strides = array<i32>} : memref<80x16xf32, #tpu.memory_space<vmem>>, vector<1x16xf32>,
      %swap3A_1284 = vector.shape_cast %swap3A_1283 : vector<1x16xf32> to vector<16xf32>
      %swap3A_1285 = vector.shape_cast %broadcast_in_dim3A_2 : vector<16xf32> to vector<1x16xf32>
      tpu.vector_store %arg8[%swap3A_1281, %swap3A_1282], %swap3A_1285 {strides = array<i32>} : memref<80x16xf32, #tpu.memory_space<vmem>>, vector<1x16xf32>,
      %scan3A_1286 = arith.constant 0 : i32
      %scan3A_1287 = arith.constant 4 : i32
      %scan3A_1288 = arith.addi %scan3A_1286, %scan3A_1287 : i32
      %scan3A_1289 = arith.constant 1 : i32
      scf.for %scan3A_1291 = %scan3A_1286 to %scan3A_1288 step %scan3A_1289  : i32 {
        %mul3A_1292 = arith.constant 1 : i32
        %mul3A_1293 = arith.muli %scan3A_1291, %mul3A_1292 : i32
        %add3A_1294 = arith.constant 0 : i32
        %add3A_1295 = arith.addi %add3A_1294, %mul3A_1293 : i32
        %mul3A_1296 = arith.constant 16 : i32
        %mul3A_1297 = arith.muli %add3A_1295, %mul3A_1296 : i32
        %swap3A_1298 = arith.index_cast %add3A_1275 : i32 to index
        %swap3A_1299 = arith.index_cast %mul3A_1297 : i32 to index
        %swap3A_1300 = tpu.vector_load %arg15[%swap3A_1298, %swap3A_1299] {strides = array<i32>} : memref<80x64xf32, #tpu.memory_space<vmem>>, vector<1x16xf32>,
        %swap3A_1301 = vector.shape_cast %swap3A_1300 : vector<1x16xf32> to vector<16xf32>
        %swap3A_1302 = vector.shape_cast %broadcast_in_dim3A_0 : vector<16xf32> to vector<1x16xf32>
        tpu.vector_store %arg15[%swap3A_1298, %swap3A_1299], %swap3A_1302 {strides = array<i32>} : memref<80x64xf32, #tpu.memory_space<vmem>>, vector<1x16xf32>,
      }
      %scan3A_1290 = arith.constant 4 : i32
    }
    %scan3A_9 = arith.constant 80 : i32
    %scan3A_10 = arith.constant 0 : i32
    %scan3A_11 = arith.constant 8 : i32
    %scan3A_12 = arith.addi %scan3A_10, %scan3A_11 : i32
    %scan3A_13 = arith.constant 1 : i32
    scf.for %scan3A_1271 = %scan3A_10 to %scan3A_12 step %scan3A_13  : i32 {
      %mul3A_1272 = arith.constant 1 : i32
      %mul3A_1273 = arith.muli %scan3A_1271, %mul3A_1272 : i32
      %add3A_1274 = arith.constant 0 : i32
      %add3A_1275 = arith.addi %add3A_1274, %mul3A_1273 : i32
      %mul3A_1276 = arith.constant 640 : i32
      %mul3A_1277 = arith.muli %arg1, %mul3A_1276 : i32
      %mul3A_1278 = arith.constant 80 : i32
      %mul3A_1279 = arith.muli %add3A_1275, %mul3A_1278 : i32
      %add3A_1280 = arith.addi %mul3A_1277, %mul3A_1279 : i32
      %dma_start3A_1281 = arith.constant 0 : i32
      %dma_start3A_1282 = tpu.memref_slice %arg10[%add3A_1280, %dma_start3A_1281] : memref<10240x64xf32, #tpu.memory_space<vmem_shared>> -> memref<80x64xf32, #tpu.memory_space<vmem_shared>>
      %dma_start3A_1283 = arith.constant 0 : i32
      %dma_start3A_1284 = tpu.memref_slice %arg10[%add3A_1280, %dma_start3A_1283] : memref<10240x64xf32, #tpu.memory_space<vmem_shared>> -> memref<80x64xf32, #tpu.memory_space<vmem_shared>>
      tpu.enqueue_dma source(%arg15 : memref<80x64xf32, #tpu.memory_space<vmem>>) target(%dma_start3A_1284 : memref<80x64xf32, #tpu.memory_space<vmem_shared>>) target_semaphore(%arg13 : memref<!tpu.dma_semaphore, #tpu.memory_space<semaphore_mem>>)
      %dma_start3A_1285 = arith.constant 0 : i32
      %dma_start3A_1286 = tpu.memref_slice %arg11[%add3A_1280, %dma_start3A_1285] : memref<10240x16xf32, #tpu.memory_space<vmem_shared>> -> memref<80x16xf32, #tpu.memory_space<vmem_shared>>
      %dma_start3A_1287 = arith.constant 0 : i32
      %dma_start3A_1288 = tpu.memref_slice %arg11[%add3A_1280, %dma_start3A_1287] : memref<10240x16xf32, #tpu.memory_space<vmem_shared>> -> memref<80x16xf32, #tpu.memory_space<vmem_shared>>
      tpu.enqueue_dma source(%arg9 : memref<80x16xf32, #tpu.memory_space<vmem>>) target(%dma_start3A_1288 : memref<80x16xf32, #tpu.memory_space<vmem_shared>>) target_semaphore(%arg13 : memref<!tpu.dma_semaphore, #tpu.memory_space<semaphore_mem>>)
    }
    %scan3A_14 = arith.constant 8 : i32
    %dma_start3A = arith.constant 0 : i32
    %dma_start3A_15 = arith.constant 0 : i32
    %dma_start3A_16 = arith.constant 0 : i32
    %dma_start3A_17 = tpu.memref_slice %arg3[%dma_start3A, %arg1, %dma_start3A_15, %dma_start3A_16] : memref<2x16x250x80xi32, #tpu.memory_space<hbm>> -> memref<1x1x250x80xi32, #tpu.memory_space<hbm>>
    %dma_start3A_18 = tpu.memref_squeeze %dma_start3A_17 : memref<1x1x250x80xi32, #tpu.memory_space<hbm>> -> memref<250x80xi32, #tpu.memory_space<hbm>>
    %dma_start3A_19 = arith.constant 0 : i32
    %dma_start3A_20 = arith.constant 0 : i32
    %dma_start3A_21 = tpu.memref_slice %arg3[%dma_start3A, %arg1, %dma_start3A_19, %dma_start3A_20] : memref<2x16x250x80xi32, #tpu.memory_space<hbm>> -> memref<1x1x250x80xi32, #tpu.memory_space<hbm>>
    %dma_start3A_22 = tpu.memref_squeeze %dma_start3A_21 : memref<1x1x250x80xi32, #tpu.memory_space<hbm>> -> memref<250x80xi32, #tpu.memory_space<hbm>>
    tpu.enqueue_dma source(%dma_start3A_22 : memref<250x80xi32, #tpu.memory_space<hbm>>) target(%arg6 : memref<250x80xi32, #tpu.memory_space<vmem>>) target_semaphore(%arg12 : memref<!tpu.dma_semaphore, #tpu.memory_space<semaphore_mem>>)
    %dma_start3A_23 = arith.constant 1 : i32
    %dma_start3A_24 = arith.constant 0 : i32
    %dma_start3A_25 = arith.constant 0 : i32
    %dma_start3A_26 = tpu.memref_slice %arg3[%dma_start3A_23, %arg1, %dma_start3A_24, %dma_start3A_25] : memref<2x16x250x80xi32, #tpu.memory_space<hbm>> -> memref<1x1x250x80xi32, #tpu.memory_space<hbm>>
    %dma_start3A_27 = tpu.memref_squeeze %dma_start3A_26 : memref<1x1x250x80xi32, #tpu.memory_space<hbm>> -> memref<250x80xi32, #tpu.memory_space<hbm>>
    %dma_start3A_28 = arith.constant 0 : i32
    %dma_start3A_29 = arith.constant 0 : i32
    %dma_start3A_30 = tpu.memref_slice %arg3[%dma_start3A_23, %arg1, %dma_start3A_28, %dma_start3A_29] : memref<2x16x250x80xi32, #tpu.memory_space<hbm>> -> memref<1x1x250x80xi32, #tpu.memory_space<hbm>>
    %dma_start3A_31 = tpu.memref_squeeze %dma_start3A_30 : memref<1x1x250x80xi32, #tpu.memory_space<hbm>> -> memref<250x80xi32, #tpu.memory_space<hbm>>
    tpu.enqueue_dma source(%dma_start3A_31 : memref<250x80xi32, #tpu.memory_space<hbm>>) target(%arg7 : memref<250x80xi32, #tpu.memory_space<vmem>>) target_semaphore(%arg12 : memref<!tpu.dma_semaphore, #tpu.memory_space<semaphore_mem>>)
    %dma_wait3A = arith.constant 0 : i32
    %dma_wait3A_32 = arith.constant 0 : i32
    %dma_wait3A_33 = arith.constant 0 : i32
    %dma_wait3A_34 = tpu.memref_slice %arg3[%dma_wait3A, %arg1, %dma_wait3A_32, %dma_wait3A_33] : memref<2x16x250x80xi32, #tpu.memory_space<hbm>> -> memref<1x1x250x80xi32, #tpu.memory_space<hbm>>
    %dma_wait3A_35 = tpu.memref_squeeze %dma_wait3A_34 : memref<1x1x250x80xi32, #tpu.memory_space<hbm>> -> memref<250x80xi32, #tpu.memory_space<hbm>>
    %dma_wait3A_36 = arith.constant 0 : i32
    %dma_wait3A_37 = arith.constant 0 : i32
    %dma_wait3A_38 = tpu.memref_slice %arg3[%dma_wait3A, %arg1, %dma_wait3A_36, %dma_wait3A_37] : memref<2x16x250x80xi32, #tpu.memory_space<hbm>> -> memref<1x1x250x80xi32, #tpu.memory_space<hbm>>
    %dma_wait3A_39 = tpu.memref_squeeze %dma_wait3A_38 : memref<1x1x250x80xi32, #tpu.memory_space<hbm>> -> memref<250x80xi32, #tpu.memory_space<hbm>>
    tpu.wait_dma2 semaphore(%arg12 : memref<!tpu.dma_semaphore, #tpu.memory_space<semaphore_mem>>) src(%dma_wait3A_39 : memref<250x80xi32, #tpu.memory_space<hbm>>) dst(%arg6 : memref<250x80xi32, #tpu.memory_space<vmem>>)
    %dma_wait3A_40 = arith.constant 1 : i32
    %dma_wait3A_41 = arith.constant 0 : i32
    %dma_wait3A_42 = arith.constant 0 : i32
    %dma_wait3A_43 = tpu.memref_slice %arg3[%dma_wait3A_40, %arg1, %dma_wait3A_41, %dma_wait3A_42] : memref<2x16x250x80xi32, #tpu.memory_space<hbm>> -> memref<1x1x250x80xi32, #tpu.memory_space<hbm>>
    %dma_wait3A_44 = tpu.memref_squeeze %dma_wait3A_43 : memref<1x1x250x80xi32, #tpu.memory_space<hbm>> -> memref<250x80xi32, #tpu.memory_space<hbm>>
    %dma_wait3A_45 = arith.constant 0 : i32
    %dma_wait3A_46 = arith.constant 0 : i32
    %dma_wait3A_47 = tpu.memref_slice %arg3[%dma_wait3A_40, %arg1, %dma_wait3A_45, %dma_wait3A_46] : memref<2x16x250x80xi32, #tpu.memory_space<hbm>> -> memref<1x1x250x80xi32, #tpu.memory_space<hbm>>
    %dma_wait3A_48 = tpu.memref_squeeze %dma_wait3A_47 : memref<1x1x250x80xi32, #tpu.memory_space<hbm>> -> memref<250x80xi32, #tpu.memory_space<hbm>>
    tpu.wait_dma2 semaphore(%arg12 : memref<!tpu.dma_semaphore, #tpu.memory_space<semaphore_mem>>) src(%dma_wait3A_48 : memref<250x80xi32, #tpu.memory_space<hbm>>) dst(%arg7 : memref<250x80xi32, #tpu.memory_space<vmem>>)
    %get3A = arith.constant 0 : i32
    %get3A_49 = arith.index_cast %get3A : i32 to index
    %get3A_50 = arith.constant 0 : index
    %get3A_51 = tpu.vector_load %arg6[%get3A_49, %get3A_50] {strides = array<i32>} : memref<250x80xi32, #tpu.memory_space<vmem>>, vector<1x16xi32>,
    %get3A_52 = vector.shape_cast %get3A_51 : vector<1x16xi32> to vector<16xi32>
    %mul3A = arith.constant 2 : i32
    %mul3A_53 = vector.broadcast %mul3A : i32 to vector<16xi32>
    %mul3A_54 = arith.muli %get3A_52, %mul3A_53 : vector<16xi32>
    %add3A_55 = arith.addi %mul3A_54, %add3A_5 : vector<16xi32>
    %swap3A = arith.constant 0 : i32
    %swap3A_56 = arith.index_cast %swap3A : i32 to index
    %swap3A_57 = arith.constant 0 : index
    %swap3A_58 = tpu.vector_load %arg6[%swap3A_56, %swap3A_57] {strides = array<i32>} : memref<250x80xi32, #tpu.memory_space<vmem>>, vector<1x16xi32>,
    %swap3A_59 = vector.shape_cast %swap3A_58 : vector<1x16xi32> to vector<16xi32>
    %swap3A_60 = vector.shape_cast %add3A_55 : vector<16xi32> to vector<1x16xi32>
    tpu.vector_store %arg6[%swap3A_56, %swap3A_57], %swap3A_60 {strides = array<i32>} : memref<250x80xi32, #tpu.memory_space<vmem>>, vector<1x16xi32>,
    %get3A_61 = arith.constant 0 : i32
    %get3A_62 = arith.index_cast %get3A_61 : i32 to index
    %get3A_63 = arith.constant 16 : index
    %get3A_64 = tpu.vector_load %arg6[%get3A_62, %get3A_63] {strides = array<i32>} : memref<250x80xi32, #tpu.memory_space<vmem>>, vector<1x16xi32>,
    %get3A_65 = vector.shape_cast %get3A_64 : vector<1x16xi32> to vector<16xi32>
    %mul3A_66 = arith.constant 2 : i32
    %mul3A_67 = vector.broadcast %mul3A_66 : i32 to vector<16xi32>
    %mul3A_68 = arith.muli %get3A_65, %mul3A_67 : vector<16xi32>
    %add3A_69 = arith.addi %mul3A_68, %add3A_5 : vector<16xi32>
    %swap3A_70 = arith.constant 0 : i32
    %swap3A_71 = arith.index_cast %swap3A_70 : i32 to index
    %swap3A_72 = arith.constant 16 : index
    %swap3A_73 = tpu.vector_load %arg6[%swap3A_71, %swap3A_72] {strides = array<i32>} : memref<250x80xi32, #tpu.memory_space<vmem>>, vector<1x16xi32>,
    %swap3A_74 = vector.shape_cast %swap3A_73 : vector<1x16xi32> to vector<16xi32>
    %swap3A_75 = vector.shape_cast %add3A_69 : vector<16xi32> to vector<1x16xi32>
    tpu.vector_store %arg6[%swap3A_71, %swap3A_72], %swap3A_75 {strides = array<i32>} : memref<250x80xi32, #tpu.memory_space<vmem>>, vector<1x16xi32>,
    %get3A_76 = arith.constant 0 : i32
    %get3A_77 = arith.index_cast %get3A_76 : i32 to index
    %get3A_78 = arith.constant 32 : index
    %get3A_79 = tpu.vector_load %arg6[%get3A_77, %get3A_78] {strides = array<i32>} : memref<250x80xi32, #tpu.memory_space<vmem>>, vector<1x16xi32>,
    %get3A_80 = vector.shape_cast %get3A_79 : vector<1x16xi32> to vector<16xi32>
    %mul3A_81 = arith.constant 2 : i32
    %mul3A_82 = vector.broadcast %mul3A_81 : i32 to vector<16xi32>
    %mul3A_83 = arith.muli %get3A_80, %mul3A_82 : vector<16xi32>
    %add3A_84 = arith.addi %mul3A_83, %add3A_5 : vector<16xi32>
    %swap3A_85 = arith.constant 0 : i32
    %swap3A_86 = arith.index_cast %swap3A_85 : i32 to index
    %swap3A_87 = arith.constant 32 : index
    %swap3A_88 = tpu.vector_load %arg6[%swap3A_86, %swap3A_87] {strides = array<i32>} : memref<250x80xi32, #tpu.memory_space<vmem>>, vector<1x16xi32>,
    %swap3A_89 = vector.shape_cast %swap3A_88 : vector<1x16xi32> to vector<16xi32>
    %swap3A_90 = vector.shape_cast %add3A_84 : vector<16xi32> to vector<1x16xi32>
    tpu.vector_store %arg6[%swap3A_86, %swap3A_87], %swap3A_90 {strides = array<i32>} : memref<250x80xi32, #tpu.memory_space<vmem>>, vector<1x16xi32>,
    %get3A_91 = arith.constant 0 : i32
    %get3A_92 = arith.index_cast %get3A_91 : i32 to index
    %get3A_93 = arith.constant 48 : index
    %get3A_94 = tpu.vector_load %arg6[%get3A_92, %get3A_93] {strides = array<i32>} : memref<250x80xi32, #tpu.memory_space<vmem>>, vector<1x16xi32>,
    %get3A_95 = vector.shape_cast %get3A_94 : vector<1x16xi32> to vector<16xi32>
    %mul3A_96 = arith.constant 2 : i32
    %mul3A_97 = vector.broadcast %mul3A_96 : i32 to vector<16xi32>
    %mul3A_98 = arith.muli %get3A_95, %mul3A_97 : vector<16xi32>
    %add3A_99 = arith.addi %mul3A_98, %add3A_5 : vector<16xi32>
    %swap3A_100 = arith.constant 0 : i32
    %swap3A_101 = arith.index_cast %swap3A_100 : i32 to index
    %swap3A_102 = arith.constant 48 : index
    %swap3A_103 = tpu.vector_load %arg6[%swap3A_101, %swap3A_102] {strides = array<i32>} : memref<250x80xi32, #tpu.memory_space<vmem>>, vector<1x16xi32>,
    %swap3A_104 = vector.shape_cast %swap3A_103 : vector<1x16xi32> to vector<16xi32>
    %swap3A_105 = vector.shape_cast %add3A_99 : vector<16xi32> to vector<1x16xi32>
    tpu.vector_store %arg6[%swap3A_101, %swap3A_102], %swap3A_105 {strides = array<i32>} : memref<250x80xi32, #tpu.memory_space<vmem>>, vector<1x16xi32>,
    %get3A_106 = arith.constant 0 : i32
    %get3A_107 = arith.index_cast %get3A_106 : i32 to index
    %get3A_108 = arith.constant 64 : index
    %get3A_109 = tpu.vector_load %arg6[%get3A_107, %get3A_108] {strides = array<i32>} : memref<250x80xi32, #tpu.memory_space<vmem>>, vector<1x16xi32>,
    %get3A_110 = vector.shape_cast %get3A_109 : vector<1x16xi32> to vector<16xi32>
    %mul3A_111 = arith.constant 2 : i32
    %mul3A_112 = vector.broadcast %mul3A_111 : i32 to vector<16xi32>
    %mul3A_113 = arith.muli %get3A_110, %mul3A_112 : vector<16xi32>
    %add3A_114 = arith.addi %mul3A_113, %add3A_5 : vector<16xi32>
    %swap3A_115 = arith.constant 0 : i32
    %swap3A_116 = arith.index_cast %swap3A_115 : i32 to index
    %swap3A_117 = arith.constant 64 : index
    %swap3A_118 = tpu.vector_load %arg6[%swap3A_116, %swap3A_117] {strides = array<i32>} : memref<250x80xi32, #tpu.memory_space<vmem>>, vector<1x16xi32>,
    %swap3A_119 = vector.shape_cast %swap3A_118 : vector<1x16xi32> to vector<16xi32>
    %swap3A_120 = vector.shape_cast %add3A_114 : vector<16xi32> to vector<1x16xi32>
    tpu.vector_store %arg6[%swap3A_116, %swap3A_117], %swap3A_120 {strides = array<i32>} : memref<250x80xi32, #tpu.memory_space<vmem>>, vector<1x16xi32>,
    %get3A_121 = arith.constant 1 : i32
    %get3A_122 = arith.index_cast %get3A_121 : i32 to index
    %get3A_123 = arith.constant 0 : index
    %get3A_124 = tpu.vector_load %arg6[%get3A_122, %get3A_123] {strides = array<i32>} : memref<250x80xi32, #tpu.memory_space<vmem>>, vector<1x16xi32>,
    %get3A_125 = vector.shape_cast %get3A_124 : vector<1x16xi32> to vector<16xi32>
    %mul3A_126 = arith.constant 2 : i32
    %mul3A_127 = vector.broadcast %mul3A_126 : i32 to vector<16xi32>
    %mul3A_128 = arith.muli %get3A_125, %mul3A_127 : vector<16xi32>
    %add3A_129 = arith.addi %mul3A_128, %add3A_5 : vector<16xi32>
    %swap3A_130 = arith.constant 1 : i32
    %swap3A_131 = arith.index_cast %swap3A_130 : i32 to index
    %swap3A_132 = arith.constant 0 : index
    %swap3A_133 = tpu.vector_load %arg6[%swap3A_131, %swap3A_132] {strides = array<i32>} : memref<250x80xi32, #tpu.memory_space<vmem>>, vector<1x16xi32>,
    %swap3A_134 = vector.shape_cast %swap3A_133 : vector<1x16xi32> to vector<16xi32>
    %swap3A_135 = vector.shape_cast %add3A_129 : vector<16xi32> to vector<1x16xi32>
    tpu.vector_store %arg6[%swap3A_131, %swap3A_132], %swap3A_135 {strides = array<i32>} : memref<250x80xi32, #tpu.memory_space<vmem>>, vector<1x16xi32>,
    %get3A_136 = arith.constant 1 : i32
    %get3A_137 = arith.index_cast %get3A_136 : i32 to index
    %get3A_138 = arith.constant 16 : index
    %get3A_139 = tpu.vector_load %arg6[%get3A_137, %get3A_138] {strides = array<i32>} : memref<250x80xi32, #tpu.memory_space<vmem>>, vector<1x16xi32>,
    %get3A_140 = vector.shape_cast %get3A_139 : vector<1x16xi32> to vector<16xi32>
    %mul3A_141 = arith.constant 2 : i32
    %mul3A_142 = vector.broadcast %mul3A_141 : i32 to vector<16xi32>
    %mul3A_143 = arith.muli %get3A_140, %mul3A_142 : vector<16xi32>
    %add3A_144 = arith.addi %mul3A_143, %add3A_5 : vector<16xi32>
    %swap3A_145 = arith.constant 1 : i32
    %swap3A_146 = arith.index_cast %swap3A_145 : i32 to index
    %swap3A_147 = arith.constant 16 : index
    %swap3A_148 = tpu.vector_load %arg6[%swap3A_146, %swap3A_147] {strides = array<i32>} : memref<250x80xi32, #tpu.memory_space<vmem>>, vector<1x16xi32>,
    %swap3A_149 = vector.shape_cast %swap3A_148 : vector<1x16xi32> to vector<16xi32>
    %swap3A_150 = vector.shape_cast %add3A_144 : vector<16xi32> to vector<1x16xi32>
    tpu.vector_store %arg6[%swap3A_146, %swap3A_147], %swap3A_150 {strides = array<i32>} : memref<250x80xi32, #tpu.memory_space<vmem>>, vector<1x16xi32>,
    %get3A_151 = arith.constant 1 : i32
    %get3A_152 = arith.index_cast %get3A_151 : i32 to index
    %get3A_153 = arith.constant 32 : index
    %get3A_154 = tpu.vector_load %arg6[%get3A_152, %get3A_153] {strides = array<i32>} : memref<250x80xi32, #tpu.memory_space<vmem>>, vector<1x16xi32>,
    %get3A_155 = vector.shape_cast %get3A_154 : vector<1x16xi32> to vector<16xi32>
    %mul3A_156 = arith.constant 2 : i32
    %mul3A_157 = vector.broadcast %mul3A_156 : i32 to vector<16xi32>
    %mul3A_158 = arith.muli %get3A_155, %mul3A_157 : vector<16xi32>
    %add3A_159 = arith.addi %mul3A_158, %add3A_5 : vector<16xi32>
    %swap3A_160 = arith.constant 1 : i32
    %swap3A_161 = arith.index_cast %swap3A_160 : i32 to index
    %swap3A_162 = arith.constant 32 : index
    %swap3A_163 = tpu.vector_load %arg6[%swap3A_161, %swap3A_162] {strides = array<i32>} : memref<250x80xi32, #tpu.memory_space<vmem>>, vector<1x16xi32>,
    %swap3A_164 = vector.shape_cast %swap3A_163 : vector<1x16xi32> to vector<16xi32>
    %swap3A_165 = vector.shape_cast %add3A_159 : vector<16xi32> to vector<1x16xi32>
    tpu.vector_store %arg6[%swap3A_161, %swap3A_162], %swap3A_165 {strides = array<i32>} : memref<250x80xi32, #tpu.memory_space<vmem>>, vector<1x16xi32>,
    %get3A_166 = arith.constant 1 : i32
    %get3A_167 = arith.index_cast %get3A_166 : i32 to index
    %get3A_168 = arith.constant 48 : index
    %get3A_169 = tpu.vector_load %arg6[%get3A_167, %get3A_168] {strides = array<i32>} : memref<250x80xi32, #tpu.memory_space<vmem>>, vector<1x16xi32>,
    %get3A_170 = vector.shape_cast %get3A_169 : vector<1x16xi32> to vector<16xi32>
    %mul3A_171 = arith.constant 2 : i32
    %mul3A_172 = vector.broadcast %mul3A_171 : i32 to vector<16xi32>
    %mul3A_173 = arith.muli %get3A_170, %mul3A_172 : vector<16xi32>
    %add3A_174 = arith.addi %mul3A_173, %add3A_5 : vector<16xi32>
    %swap3A_175 = arith.constant 1 : i32
    %swap3A_176 = arith.index_cast %swap3A_175 : i32 to index
    %swap3A_177 = arith.constant 48 : index
    %swap3A_178 = tpu.vector_load %arg6[%swap3A_176, %swap3A_177] {strides = array<i32>} : memref<250x80xi32, #tpu.memory_space<vmem>>, vector<1x16xi32>,
    %swap3A_179 = vector.shape_cast %swap3A_178 : vector<1x16xi32> to vector<16xi32>
    %swap3A_180 = vector.shape_cast %add3A_174 : vector<16xi32> to vector<1x16xi32>
    tpu.vector_store %arg6[%swap3A_176, %swap3A_177], %swap3A_180 {strides = array<i32>} : memref<250x80xi32, #tpu.memory_space<vmem>>, vector<1x16xi32>,
    %get3A_181 = arith.constant 1 : i32
    %get3A_182 = arith.index_cast %get3A_181 : i32 to index
    %get3A_183 = arith.constant 64 : index
    %get3A_184 = tpu.vector_load %arg6[%get3A_182, %get3A_183] {strides = array<i32>} : memref<250x80xi32, #tpu.memory_space<vmem>>, vector<1x16xi32>,
    %get3A_185 = vector.shape_cast %get3A_184 : vector<1x16xi32> to vector<16xi32>
    %mul3A_186 = arith.constant 2 : i32
    %mul3A_187 = vector.broadcast %mul3A_186 : i32 to vector<16xi32>
    %mul3A_188 = arith.muli %get3A_185, %mul3A_187 : vector<16xi32>
    %add3A_189 = arith.addi %mul3A_188, %add3A_5 : vector<16xi32>
    %swap3A_190 = arith.constant 1 : i32
    %swap3A_191 = arith.index_cast %swap3A_190 : i32 to index
    %swap3A_192 = arith.constant 64 : index
    %swap3A_193 = tpu.vector_load %arg6[%swap3A_191, %swap3A_192] {strides = array<i32>} : memref<250x80xi32, #tpu.memory_space<vmem>>, vector<1x16xi32>,
    %swap3A_194 = vector.shape_cast %swap3A_193 : vector<1x16xi32> to vector<16xi32>
    %swap3A_195 = vector.shape_cast %add3A_189 : vector<16xi32> to vector<1x16xi32>
    tpu.vector_store %arg6[%swap3A_191, %swap3A_192], %swap3A_195 {strides = array<i32>} : memref<250x80xi32, #tpu.memory_space<vmem>>, vector<1x16xi32>,
    %get3A_196 = arith.constant 2 : i32
    %get3A_197 = arith.index_cast %get3A_196 : i32 to index
    %get3A_198 = arith.constant 0 : index
    %get3A_199 = tpu.vector_load %arg6[%get3A_197, %get3A_198] {strides = array<i32>} : memref<250x80xi32, #tpu.memory_space<vmem>>, vector<1x16xi32>,
    %get3A_200 = vector.shape_cast %get3A_199 : vector<1x16xi32> to vector<16xi32>
    %mul3A_201 = arith.constant 2 : i32
    %mul3A_202 = vector.broadcast %mul3A_201 : i32 to vector<16xi32>
    %mul3A_203 = arith.muli %get3A_200, %mul3A_202 : vector<16xi32>
    %add3A_204 = arith.addi %mul3A_203, %add3A_5 : vector<16xi32>
    %swap3A_205 = arith.constant 2 : i32
    %swap3A_206 = arith.index_cast %swap3A_205 : i32 to index
    %swap3A_207 = arith.constant 0 : index
    %swap3A_208 = tpu.vector_load %arg6[%swap3A_206, %swap3A_207] {strides = array<i32>} : memref<250x80xi32, #tpu.memory_space<vmem>>, vector<1x16xi32>,
    %swap3A_209 = vector.shape_cast %swap3A_208 : vector<1x16xi32> to vector<16xi32>
    %swap3A_210 = vector.shape_cast %add3A_204 : vector<16xi32> to vector<1x16xi32>
    tpu.vector_store %arg6[%swap3A_206, %swap3A_207], %swap3A_210 {strides = array<i32>} : memref<250x80xi32, #tpu.memory_space<vmem>>, vector<1x16xi32>,
    %get3A_211 = arith.constant 2 : i32
    %get3A_212 = arith.index_cast %get3A_211 : i32 to index
    %get3A_213 = arith.constant 16 : index
    %get3A_214 = tpu.vector_load %arg6[%get3A_212, %get3A_213] {strides = array<i32>} : memref<250x80xi32, #tpu.memory_space<vmem>>, vector<1x16xi32>,
    %get3A_215 = vector.shape_cast %get3A_214 : vector<1x16xi32> to vector<16xi32>
    %mul3A_216 = arith.constant 2 : i32
    %mul3A_217 = vector.broadcast %mul3A_216 : i32 to vector<16xi32>
    %mul3A_218 = arith.muli %get3A_215, %mul3A_217 : vector<16xi32>
    %add3A_219 = arith.addi %mul3A_218, %add3A_5 : vector<16xi32>
    %swap3A_220 = arith.constant 2 : i32
    %swap3A_221 = arith.index_cast %swap3A_220 : i32 to index
    %swap3A_222 = arith.constant 16 : index
    %swap3A_223 = tpu.vector_load %arg6[%swap3A_221, %swap3A_222] {strides = array<i32>} : memref<250x80xi32, #tpu.memory_space<vmem>>, vector<1x16xi32>,
    %swap3A_224 = vector.shape_cast %swap3A_223 : vector<1x16xi32> to vector<16xi32>
    %swap3A_225 = vector.shape_cast %add3A_219 : vector<16xi32> to vector<1x16xi32>
    tpu.vector_store %arg6[%swap3A_221, %swap3A_222], %swap3A_225 {strides = array<i32>} : memref<250x80xi32, #tpu.memory_space<vmem>>, vector<1x16xi32>,
    %get3A_226 = arith.constant 2 : i32
    %get3A_227 = arith.index_cast %get3A_226 : i32 to index
    %get3A_228 = arith.constant 32 : index
    %get3A_229 = tpu.vector_load %arg6[%get3A_227, %get3A_228] {strides = array<i32>} : memref<250x80xi32, #tpu.memory_space<vmem>>, vector<1x16xi32>,
    %get3A_230 = vector.shape_cast %get3A_229 : vector<1x16xi32> to vector<16xi32>
    %mul3A_231 = arith.constant 2 : i32
    %mul3A_232 = vector.broadcast %mul3A_231 : i32 to vector<16xi32>
    %mul3A_233 = arith.muli %get3A_230, %mul3A_232 : vector<16xi32>
    %add3A_234 = arith.addi %mul3A_233, %add3A_5 : vector<16xi32>
    %swap3A_235 = arith.constant 2 : i32
    %swap3A_236 = arith.index_cast %swap3A_235 : i32 to index
    %swap3A_237 = arith.constant 32 : index
    %swap3A_238 = tpu.vector_load %arg6[%swap3A_236, %swap3A_237] {strides = array<i32>} : memref<250x80xi32, #tpu.memory_space<vmem>>, vector<1x16xi32>,
    %swap3A_239 = vector.shape_cast %swap3A_238 : vector<1x16xi32> to vector<16xi32>
    %swap3A_240 = vector.shape_cast %add3A_234 : vector<16xi32> to vector<1x16xi32>
    tpu.vector_store %arg6[%swap3A_236, %swap3A_237], %swap3A_240 {strides = array<i32>} : memref<250x80xi32, #tpu.memory_space<vmem>>, vector<1x16xi32>,
    %get3A_241 = arith.constant 2 : i32
    %get3A_242 = arith.index_cast %get3A_241 : i32 to index
    %get3A_243 = arith.constant 48 : index
    %get3A_244 = tpu.vector_load %arg6[%get3A_242, %get3A_243] {strides = array<i32>} : memref<250x80xi32, #tpu.memory_space<vmem>>, vector<1x16xi32>,
    %get3A_245 = vector.shape_cast %get3A_244 : vector<1x16xi32> to vector<16xi32>
    %mul3A_246 = arith.constant 2 : i32
    %mul3A_247 = vector.broadcast %mul3A_246 : i32 to vector<16xi32>
    %mul3A_248 = arith.muli %get3A_245, %mul3A_247 : vector<16xi32>
    %add3A_249 = arith.addi %mul3A_248, %add3A_5 : vector<16xi32>
    %swap3A_250 = arith.constant 2 : i32
    %swap3A_251 = arith.index_cast %swap3A_250 : i32 to index
    %swap3A_252 = arith.constant 48 : index
    %swap3A_253 = tpu.vector_load %arg6[%swap3A_251, %swap3A_252] {strides = array<i32>} : memref<250x80xi32, #tpu.memory_space<vmem>>, vector<1x16xi32>,
    %swap3A_254 = vector.shape_cast %swap3A_253 : vector<1x16xi32> to vector<16xi32>
    %swap3A_255 = vector.shape_cast %add3A_249 : vector<16xi32> to vector<1x16xi32>
    tpu.vector_store %arg6[%swap3A_251, %swap3A_252], %swap3A_255 {strides = array<i32>} : memref<250x80xi32, #tpu.memory_space<vmem>>, vector<1x16xi32>,
    %get3A_256 = arith.constant 2 : i32
    %get3A_257 = arith.index_cast %get3A_256 : i32 to index
    %get3A_258 = arith.constant 64 : index
    %get3A_259 = tpu.vector_load %arg6[%get3A_257, %get3A_258] {strides = array<i32>} : memref<250x80xi32, #tpu.memory_space<vmem>>, vector<1x16xi32>,
    %get3A_260 = vector.shape_cast %get3A_259 : vector<1x16xi32> to vector<16xi32>
    %mul3A_261 = arith.constant 2 : i32
    %mul3A_262 = vector.broadcast %mul3A_261 : i32 to vector<16xi32>
    %mul3A_263 = arith.muli %get3A_260, %mul3A_262 : vector<16xi32>
    %add3A_264 = arith.addi %mul3A_263, %add3A_5 : vector<16xi32>
    %swap3A_265 = arith.constant 2 : i32
    %swap3A_266 = arith.index_cast %swap3A_265 : i32 to index
    %swap3A_267 = arith.constant 64 : index
    %swap3A_268 = tpu.vector_load %arg6[%swap3A_266, %swap3A_267] {strides = array<i32>} : memref<250x80xi32, #tpu.memory_space<vmem>>, vector<1x16xi32>,
    %swap3A_269 = vector.shape_cast %swap3A_268 : vector<1x16xi32> to vector<16xi32>
    %swap3A_270 = vector.shape_cast %add3A_264 : vector<16xi32> to vector<1x16xi32>
    tpu.vector_store %arg6[%swap3A_266, %swap3A_267], %swap3A_270 {strides = array<i32>} : memref<250x80xi32, #tpu.memory_space<vmem>>, vector<1x16xi32>,
    %get3A_271 = arith.constant 3 : i32
    %get3A_272 = arith.index_cast %get3A_271 : i32 to index
    %get3A_273 = arith.constant 0 : index
    %get3A_274 = tpu.vector_load %arg6[%get3A_272, %get3A_273] {strides = array<i32>} : memref<250x80xi32, #tpu.memory_space<vmem>>, vector<1x16xi32>,
    %get3A_275 = vector.shape_cast %get3A_274 : vector<1x16xi32> to vector<16xi32>
    %mul3A_276 = arith.constant 2 : i32
    %mul3A_277 = vector.broadcast %mul3A_276 : i32 to vector<16xi32>
    %mul3A_278 = arith.muli %get3A_275, %mul3A_277 : vector<16xi32>
    %add3A_279 = arith.addi %mul3A_278, %add3A_5 : vector<16xi32>
    %swap3A_280 = arith.constant 3 : i32
    %swap3A_281 = arith.index_cast %swap3A_280 : i32 to index
    %swap3A_282 = arith.constant 0 : index
    %swap3A_283 = tpu.vector_load %arg6[%swap3A_281, %swap3A_282] {strides = array<i32>} : memref<250x80xi32, #tpu.memory_space<vmem>>, vector<1x16xi32>,
    %swap3A_284 = vector.shape_cast %swap3A_283 : vector<1x16xi32> to vector<16xi32>
    %swap3A_285 = vector.shape_cast %add3A_279 : vector<16xi32> to vector<1x16xi32>
    tpu.vector_store %arg6[%swap3A_281, %swap3A_282], %swap3A_285 {strides = array<i32>} : memref<250x80xi32, #tpu.memory_space<vmem>>, vector<1x16xi32>,
    %get3A_286 = arith.constant 3 : i32
    %get3A_287 = arith.index_cast %get3A_286 : i32 to index
    %get3A_288 = arith.constant 16 : index
    %get3A_289 = tpu.vector_load %arg6[%get3A_287, %get3A_288] {strides = array<i32>} : memref<250x80xi32, #tpu.memory_space<vmem>>, vector<1x16xi32>,
    %get3A_290 = vector.shape_cast %get3A_289 : vector<1x16xi32> to vector<16xi32>
    %mul3A_291 = arith.constant 2 : i32
    %mul3A_292 = vector.broadcast %mul3A_291 : i32 to vector<16xi32>
    %mul3A_293 = arith.muli %get3A_290, %mul3A_292 : vector<16xi32>
    %add3A_294 = arith.addi %mul3A_293, %add3A_5 : vector<16xi32>
    %swap3A_295 = arith.constant 3 : i32
    %swap3A_296 = arith.index_cast %swap3A_295 : i32 to index
    %swap3A_297 = arith.constant 16 : index
    %swap3A_298 = tpu.vector_load %arg6[%swap3A_296, %swap3A_297] {strides = array<i32>} : memref<250x80xi32, #tpu.memory_space<vmem>>, vector<1x16xi32>,
    %swap3A_299 = vector.shape_cast %swap3A_298 : vector<1x16xi32> to vector<16xi32>
    %swap3A_300 = vector.shape_cast %add3A_294 : vector<16xi32> to vector<1x16xi32>
    tpu.vector_store %arg6[%swap3A_296, %swap3A_297], %swap3A_300 {strides = array<i32>} : memref<250x80xi32, #tpu.memory_space<vmem>>, vector<1x16xi32>,
    %get3A_301 = arith.constant 3 : i32
    %get3A_302 = arith.index_cast %get3A_301 : i32 to index
    %get3A_303 = arith.constant 32 : index
    %get3A_304 = tpu.vector_load %arg6[%get3A_302, %get3A_303] {strides = array<i32>} : memref<250x80xi32, #tpu.memory_space<vmem>>, vector<1x16xi32>,
    %get3A_305 = vector.shape_cast %get3A_304 : vector<1x16xi32> to vector<16xi32>
    %mul3A_306 = arith.constant 2 : i32
    %mul3A_307 = vector.broadcast %mul3A_306 : i32 to vector<16xi32>
    %mul3A_308 = arith.muli %get3A_305, %mul3A_307 : vector<16xi32>
    %add3A_309 = arith.addi %mul3A_308, %add3A_5 : vector<16xi32>
    %swap3A_310 = arith.constant 3 : i32
    %swap3A_311 = arith.index_cast %swap3A_310 : i32 to index
    %swap3A_312 = arith.constant 32 : index
    %swap3A_313 = tpu.vector_load %arg6[%swap3A_311, %swap3A_312] {strides = array<i32>} : memref<250x80xi32, #tpu.memory_space<vmem>>, vector<1x16xi32>,
    %swap3A_314 = vector.shape_cast %swap3A_313 : vector<1x16xi32> to vector<16xi32>
    %swap3A_315 = vector.shape_cast %add3A_309 : vector<16xi32> to vector<1x16xi32>
    tpu.vector_store %arg6[%swap3A_311, %swap3A_312], %swap3A_315 {strides = array<i32>} : memref<250x80xi32, #tpu.memory_space<vmem>>, vector<1x16xi32>,
    %get3A_316 = arith.constant 3 : i32
    %get3A_317 = arith.index_cast %get3A_316 : i32 to index
    %get3A_318 = arith.constant 48 : index
    %get3A_319 = tpu.vector_load %arg6[%get3A_317, %get3A_318] {strides = array<i32>} : memref<250x80xi32, #tpu.memory_space<vmem>>, vector<1x16xi32>,
    %get3A_320 = vector.shape_cast %get3A_319 : vector<1x16xi32> to vector<16xi32>
    %mul3A_321 = arith.constant 2 : i32
    %mul3A_322 = vector.broadcast %mul3A_321 : i32 to vector<16xi32>
    %mul3A_323 = arith.muli %get3A_320, %mul3A_322 : vector<16xi32>
    %add3A_324 = arith.addi %mul3A_323, %add3A_5 : vector<16xi32>
    %swap3A_325 = arith.constant 3 : i32
    %swap3A_326 = arith.index_cast %swap3A_325 : i32 to index
    %swap3A_327 = arith.constant 48 : index
    %swap3A_328 = tpu.vector_load %arg6[%swap3A_326, %swap3A_327] {strides = array<i32>} : memref<250x80xi32, #tpu.memory_space<vmem>>, vector<1x16xi32>,
    %swap3A_329 = vector.shape_cast %swap3A_328 : vector<1x16xi32> to vector<16xi32>
    %swap3A_330 = vector.shape_cast %add3A_324 : vector<16xi32> to vector<1x16xi32>
    tpu.vector_store %arg6[%swap3A_326, %swap3A_327], %swap3A_330 {strides = array<i32>} : memref<250x80xi32, #tpu.memory_space<vmem>>, vector<1x16xi32>,
    %get3A_331 = arith.constant 3 : i32
    %get3A_332 = arith.index_cast %get3A_331 : i32 to index
    %get3A_333 = arith.constant 64 : index
    %get3A_334 = tpu.vector_load %arg6[%get3A_332, %get3A_333] {strides = array<i32>} : memref<250x80xi32, #tpu.memory_space<vmem>>, vector<1x16xi32>,
    %get3A_335 = vector.shape_cast %get3A_334 : vector<1x16xi32> to vector<16xi32>
    %mul3A_336 = arith.constant 2 : i32
    %mul3A_337 = vector.broadcast %mul3A_336 : i32 to vector<16xi32>
    %mul3A_338 = arith.muli %get3A_335, %mul3A_337 : vector<16xi32>
    %add3A_339 = arith.addi %mul3A_338, %add3A_5 : vector<16xi32>
    %swap3A_340 = arith.constant 3 : i32
    %swap3A_341 = arith.index_cast %swap3A_340 : i32 to index
    %swap3A_342 = arith.constant 64 : index
    %swap3A_343 = tpu.vector_load %arg6[%swap3A_341, %swap3A_342] {strides = array<i32>} : memref<250x80xi32, #tpu.memory_space<vmem>>, vector<1x16xi32>,
    %swap3A_344 = vector.shape_cast %swap3A_343 : vector<1x16xi32> to vector<16xi32>
    %swap3A_345 = vector.shape_cast %add3A_339 : vector<16xi32> to vector<1x16xi32>
    tpu.vector_store %arg6[%swap3A_341, %swap3A_342], %swap3A_345 {strides = array<i32>} : memref<250x80xi32, #tpu.memory_space<vmem>>, vector<1x16xi32>,
    %get3A_346 = arith.constant 4 : i32
    %get3A_347 = arith.index_cast %get3A_346 : i32 to index
    %get3A_348 = arith.constant 0 : index
    %get3A_349 = tpu.vector_load %arg6[%get3A_347, %get3A_348] {strides = array<i32>} : memref<250x80xi32, #tpu.memory_space<vmem>>, vector<1x16xi32>,
    %get3A_350 = vector.shape_cast %get3A_349 : vector<1x16xi32> to vector<16xi32>
    %mul3A_351 = arith.constant 2 : i32
    %mul3A_352 = vector.broadcast %mul3A_351 : i32 to vector<16xi32>
    %mul3A_353 = arith.muli %get3A_350, %mul3A_352 : vector<16xi32>
    %add3A_354 = arith.addi %mul3A_353, %add3A_5 : vector<16xi32>
    %swap3A_355 = arith.constant 4 : i32
    %swap3A_356 = arith.index_cast %swap3A_355 : i32 to index
    %swap3A_357 = arith.constant 0 : index
    %swap3A_358 = tpu.vector_load %arg6[%swap3A_356, %swap3A_357] {strides = array<i32>} : memref<250x80xi32, #tpu.memory_space<vmem>>, vector<1x16xi32>,
    %swap3A_359 = vector.shape_cast %swap3A_358 : vector<1x16xi32> to vector<16xi32>
    %swap3A_360 = vector.shape_cast %add3A_354 : vector<16xi32> to vector<1x16xi32>
    tpu.vector_store %arg6[%swap3A_356, %swap3A_357], %swap3A_360 {strides = array<i32>} : memref<250x80xi32, #tpu.memory_space<vmem>>, vector<1x16xi32>,
    %get3A_361 = arith.constant 4 : i32
    %get3A_362 = arith.index_cast %get3A_361 : i32 to index
    %get3A_363 = arith.constant 16 : index
    %get3A_364 = tpu.vector_load %arg6[%get3A_362, %get3A_363] {strides = array<i32>} : memref<250x80xi32, #tpu.memory_space<vmem>>, vector<1x16xi32>,
    %get3A_365 = vector.shape_cast %get3A_364 : vector<1x16xi32> to vector<16xi32>
    %mul3A_366 = arith.constant 2 : i32
    %mul3A_367 = vector.broadcast %mul3A_366 : i32 to vector<16xi32>
    %mul3A_368 = arith.muli %get3A_365, %mul3A_367 : vector<16xi32>
    %add3A_369 = arith.addi %mul3A_368, %add3A_5 : vector<16xi32>
    %swap3A_370 = arith.constant 4 : i32
    %swap3A_371 = arith.index_cast %swap3A_370 : i32 to index
    %swap3A_372 = arith.constant 16 : index
    %swap3A_373 = tpu.vector_load %arg6[%swap3A_371, %swap3A_372] {strides = array<i32>} : memref<250x80xi32, #tpu.memory_space<vmem>>, vector<1x16xi32>,
    %swap3A_374 = vector.shape_cast %swap3A_373 : vector<1x16xi32> to vector<16xi32>
    %swap3A_375 = vector.shape_cast %add3A_369 : vector<16xi32> to vector<1x16xi32>
    tpu.vector_store %arg6[%swap3A_371, %swap3A_372], %swap3A_375 {strides = array<i32>} : memref<250x80xi32, #tpu.memory_space<vmem>>, vector<1x16xi32>,
    %get3A_376 = arith.constant 4 : i32
    %get3A_377 = arith.index_cast %get3A_376 : i32 to index
    %get3A_378 = arith.constant 32 : index
    %get3A_379 = tpu.vector_load %arg6[%get3A_377, %get3A_378] {strides = array<i32>} : memref<250x80xi32, #tpu.memory_space<vmem>>, vector<1x16xi32>,
    %get3A_380 = vector.shape_cast %get3A_379 : vector<1x16xi32> to vector<16xi32>
    %mul3A_381 = arith.constant 2 : i32
    %mul3A_382 = vector.broadcast %mul3A_381 : i32 to vector<16xi32>
    %mul3A_383 = arith.muli %get3A_380, %mul3A_382 : vector<16xi32>
    %add3A_384 = arith.addi %mul3A_383, %add3A_5 : vector<16xi32>
    %swap3A_385 = arith.constant 4 : i32
    %swap3A_386 = arith.index_cast %swap3A_385 : i32 to index
    %swap3A_387 = arith.constant 32 : index
    %swap3A_388 = tpu.vector_load %arg6[%swap3A_386, %swap3A_387] {strides = array<i32>} : memref<250x80xi32, #tpu.memory_space<vmem>>, vector<1x16xi32>,
    %swap3A_389 = vector.shape_cast %swap3A_388 : vector<1x16xi32> to vector<16xi32>
    %swap3A_390 = vector.shape_cast %add3A_384 : vector<16xi32> to vector<1x16xi32>
    tpu.vector_store %arg6[%swap3A_386, %swap3A_387], %swap3A_390 {strides = array<i32>} : memref<250x80xi32, #tpu.memory_space<vmem>>, vector<1x16xi32>,
    %get3A_391 = arith.constant 4 : i32
    %get3A_392 = arith.index_cast %get3A_391 : i32 to index
    %get3A_393 = arith.constant 48 : index
    %get3A_394 = tpu.vector_load %arg6[%get3A_392, %get3A_393] {strides = array<i32>} : memref<250x80xi32, #tpu.memory_space<vmem>>, vector<1x16xi32>,
    %get3A_395 = vector.shape_cast %get3A_394 : vector<1x16xi32> to vector<16xi32>
    %mul3A_396 = arith.constant 2 : i32
    %mul3A_397 = vector.broadcast %mul3A_396 : i32 to vector<16xi32>
    %mul3A_398 = arith.muli %get3A_395, %mul3A_397 : vector<16xi32>
    %add3A_399 = arith.addi %mul3A_398, %add3A_5 : vector<16xi32>
    %swap3A_400 = arith.constant 4 : i32
    %swap3A_401 = arith.index_cast %swap3A_400 : i32 to index
    %swap3A_402 = arith.constant 48 : index
    %swap3A_403 = tpu.vector_load %arg6[%swap3A_401, %swap3A_402] {strides = array<i32>} : memref<250x80xi32, #tpu.memory_space<vmem>>, vector<1x16xi32>,
    %swap3A_404 = vector.shape_cast %swap3A_403 : vector<1x16xi32> to vector<16xi32>
    %swap3A_405 = vector.shape_cast %add3A_399 : vector<16xi32> to vector<1x16xi32>
    tpu.vector_store %arg6[%swap3A_401, %swap3A_402], %swap3A_405 {strides = array<i32>} : memref<250x80xi32, #tpu.memory_space<vmem>>, vector<1x16xi32>,
    %get3A_406 = arith.constant 4 : i32
    %get3A_407 = arith.index_cast %get3A_406 : i32 to index
    %get3A_408 = arith.constant 64 : index
    %get3A_409 = tpu.vector_load %arg6[%get3A_407, %get3A_408] {strides = array<i32>} : memref<250x80xi32, #tpu.memory_space<vmem>>, vector<1x16xi32>,
    %get3A_410 = vector.shape_cast %get3A_409 : vector<1x16xi32> to vector<16xi32>
    %mul3A_411 = arith.constant 2 : i32
    %mul3A_412 = vector.broadcast %mul3A_411 : i32 to vector<16xi32>
    %mul3A_413 = arith.muli %get3A_410, %mul3A_412 : vector<16xi32>
    %add3A_414 = arith.addi %mul3A_413, %add3A_5 : vector<16xi32>
    %swap3A_415 = arith.constant 4 : i32
    %swap3A_416 = arith.index_cast %swap3A_415 : i32 to index
    %swap3A_417 = arith.constant 64 : index
    %swap3A_418 = tpu.vector_load %arg6[%swap3A_416, %swap3A_417] {strides = array<i32>} : memref<250x80xi32, #tpu.memory_space<vmem>>, vector<1x16xi32>,
    %swap3A_419 = vector.shape_cast %swap3A_418 : vector<1x16xi32> to vector<16xi32>
    %swap3A_420 = vector.shape_cast %add3A_414 : vector<16xi32> to vector<1x16xi32>
    tpu.vector_store %arg6[%swap3A_416, %swap3A_417], %swap3A_420 {strides = array<i32>} : memref<250x80xi32, #tpu.memory_space<vmem>>, vector<1x16xi32>,
    %scan3A_421 = arith.constant 0 : i32
    %scan3A_422 = arith.constant 8 : i32
    %scan3A_423 = arith.addi %scan3A_421, %scan3A_422 : i32
    %scan3A_424 = arith.constant 1 : i32
    scf.for %scan3A_1271 = %scan3A_421 to %scan3A_423 step %scan3A_424  : i32 {
      %mul3A_1272 = arith.constant 1 : i32
      %mul3A_1273 = arith.muli %scan3A_1271, %mul3A_1272 : i32
      %add3A_1274 = arith.constant 0 : i32
      %add3A_1275 = arith.addi %add3A_1274, %mul3A_1273 : i32
      %dma_wait3A_1276 = arith.constant 0 : i32
      %dma_wait3A_1277 = arith.constant 0 : i32
      %dma_wait3A_1278 = tpu.memref_slice %arg10[%dma_wait3A_1276, %dma_wait3A_1277] : memref<10240x64xf32, #tpu.memory_space<vmem_shared>> -> memref<80x64xf32, #tpu.memory_space<vmem_shared>>
      %dma_wait3A_1279 = arith.constant 0 : i32
      %dma_wait3A_1280 = arith.constant 0 : i32
      %dma_wait3A_1281 = tpu.memref_slice %arg10[%dma_wait3A_1279, %dma_wait3A_1280] : memref<10240x64xf32, #tpu.memory_space<vmem_shared>> -> memref<80x64xf32, #tpu.memory_space<vmem_shared>>
      tpu.wait_dma2 semaphore(%arg13 : memref<!tpu.dma_semaphore, #tpu.memory_space<semaphore_mem>>) src(%arg15 : memref<80x64xf32, #tpu.memory_space<vmem>>) dst(%dma_wait3A_1281 : memref<80x64xf32, #tpu.memory_space<vmem_shared>>)
      %dma_wait3A_1282 = arith.constant 0 : i32
      %dma_wait3A_1283 = arith.constant 0 : i32
      %dma_wait3A_1284 = tpu.memref_slice %arg11[%dma_wait3A_1282, %dma_wait3A_1283] : memref<10240x16xf32, #tpu.memory_space<vmem_shared>> -> memref<80x16xf32, #tpu.memory_space<vmem_shared>>
      %dma_wait3A_1285 = arith.constant 0 : i32
      %dma_wait3A_1286 = arith.constant 0 : i32
      %dma_wait3A_1287 = tpu.memref_slice %arg11[%dma_wait3A_1285, %dma_wait3A_1286] : memref<10240x16xf32, #tpu.memory_space<vmem_shared>> -> memref<80x16xf32, #tpu.memory_space<vmem_shared>>
      tpu.wait_dma2 semaphore(%arg13 : memref<!tpu.dma_semaphore, #tpu.memory_space<semaphore_mem>>) src(%arg9 : memref<80x16xf32, #tpu.memory_space<vmem>>) dst(%dma_wait3A_1287 : memref<80x16xf32, #tpu.memory_space<vmem_shared>>)
    }
    %scan3A_425 = arith.constant 8 : i32
    %dma_start3A_426 = arith.constant 0 : i32
    %dma_start3A_427 = arith.constant 0 : i32
    %dma_start3A_428 = tpu.memref_slice %arg6[%dma_start3A_426, %dma_start3A_427] : memref<250x80xi32, #tpu.memory_space<vmem>> -> memref<1x80xi32, #tpu.memory_space<vmem>>
    %dma_start3A_429 = tpu.memref_squeeze %dma_start3A_428 : memref<1x80xi32, #tpu.memory_space<vmem>> -> memref<80xi32, #tpu.memory_space<vmem>>
    %dma_start3A_430 = arith.constant 0 : i32
    %dma_start3A_431 = arith.constant 0 : i32
    %dma_start3A_432 = tpu.memref_slice %arg2[%dma_start3A_430, %dma_start3A_431] : memref<20000x64xf32, #tpu.memory_space<hbm>> -> memref<20000x64xf32, #tpu.memory_space<hbm>>
    tpu.enqueue_indirect_dma source(%dma_start3A_432 : memref<20000x64xf32, #tpu.memory_space<hbm>>) target(%arg15 : memref<80x64xf32, #tpu.memory_space<vmem>>) offsets(%dma_start3A_429 : memref<80xi32, #tpu.memory_space<vmem>>) semaphore(%arg12 : memref<!tpu.dma_semaphore, #tpu.memory_space<semaphore_mem>>)
    %dma_start3A_433 = arith.constant 1 : i32
    %dma_start3A_434 = arith.constant 0 : i32
    %dma_start3A_435 = tpu.memref_slice %arg6[%dma_start3A_433, %dma_start3A_434] : memref<250x80xi32, #tpu.memory_space<vmem>> -> memref<1x80xi32, #tpu.memory_space<vmem>>
    %dma_start3A_436 = tpu.memref_squeeze %dma_start3A_435 : memref<1x80xi32, #tpu.memory_space<vmem>> -> memref<80xi32, #tpu.memory_space<vmem>>
    %dma_start3A_437 = arith.constant 0 : i32
    %dma_start3A_438 = arith.constant 0 : i32
    %dma_start3A_439 = tpu.memref_slice %arg2[%dma_start3A_437, %dma_start3A_438] : memref<20000x64xf32, #tpu.memory_space<hbm>> -> memref<20000x64xf32, #tpu.memory_space<hbm>>
    tpu.enqueue_indirect_dma source(%dma_start3A_439 : memref<20000x64xf32, #tpu.memory_space<hbm>>) target(%arg16 : memref<80x64xf32, #tpu.memory_space<vmem>>) offsets(%dma_start3A_436 : memref<80xi32, #tpu.memory_space<vmem>>) semaphore(%arg12 : memref<!tpu.dma_semaphore, #tpu.memory_space<semaphore_mem>>)
    %dma_start3A_440 = arith.constant 2 : i32
    %dma_start3A_441 = arith.constant 0 : i32
    %dma_start3A_442 = tpu.memref_slice %arg6[%dma_start3A_440, %dma_start3A_441] : memref<250x80xi32, #tpu.memory_space<vmem>> -> memref<1x80xi32, #tpu.memory_space<vmem>>
    %dma_start3A_443 = tpu.memref_squeeze %dma_start3A_442 : memref<1x80xi32, #tpu.memory_space<vmem>> -> memref<80xi32, #tpu.memory_space<vmem>>
    %dma_start3A_444 = arith.constant 0 : i32
    %dma_start3A_445 = arith.constant 0 : i32
    %dma_start3A_446 = tpu.memref_slice %arg2[%dma_start3A_444, %dma_start3A_445] : memref<20000x64xf32, #tpu.memory_space<hbm>> -> memref<20000x64xf32, #tpu.memory_space<hbm>>
    tpu.enqueue_indirect_dma source(%dma_start3A_446 : memref<20000x64xf32, #tpu.memory_space<hbm>>) target(%arg17 : memref<80x64xf32, #tpu.memory_space<vmem>>) offsets(%dma_start3A_443 : memref<80xi32, #tpu.memory_space<vmem>>) semaphore(%arg12 : memref<!tpu.dma_semaphore, #tpu.memory_space<semaphore_mem>>)
    %dma_start3A_447 = arith.constant 3 : i32
    %dma_start3A_448 = arith.constant 0 : i32
    %dma_start3A_449 = tpu.memref_slice %arg6[%dma_start3A_447, %dma_start3A_448] : memref<250x80xi32, #tpu.memory_space<vmem>> -> memref<1x80xi32, #tpu.memory_space<vmem>>
    %dma_start3A_450 = tpu.memref_squeeze %dma_start3A_449 : memref<1x80xi32, #tpu.memory_space<vmem>> -> memref<80xi32, #tpu.memory_space<vmem>>
    %dma_start3A_451 = arith.constant 0 : i32
    %dma_start3A_452 = arith.constant 0 : i32
    %dma_start3A_453 = tpu.memref_slice %arg2[%dma_start3A_451, %dma_start3A_452] : memref<20000x64xf32, #tpu.memory_space<hbm>> -> memref<20000x64xf32, #tpu.memory_space<hbm>>
    tpu.enqueue_indirect_dma source(%dma_start3A_453 : memref<20000x64xf32, #tpu.memory_space<hbm>>) target(%arg18 : memref<80x64xf32, #tpu.memory_space<vmem>>) offsets(%dma_start3A_450 : memref<80xi32, #tpu.memory_space<vmem>>) semaphore(%arg12 : memref<!tpu.dma_semaphore, #tpu.memory_space<semaphore_mem>>)
    %dma_start3A_454 = arith.constant 4 : i32
    %dma_start3A_455 = arith.constant 0 : i32
    %dma_start3A_456 = tpu.memref_slice %arg6[%dma_start3A_454, %dma_start3A_455] : memref<250x80xi32, #tpu.memory_space<vmem>> -> memref<1x80xi32, #tpu.memory_space<vmem>>
    %dma_start3A_457 = tpu.memref_squeeze %dma_start3A_456 : memref<1x80xi32, #tpu.memory_space<vmem>> -> memref<80xi32, #tpu.memory_space<vmem>>
    %dma_start3A_458 = arith.constant 0 : i32
    %dma_start3A_459 = arith.constant 0 : i32
    %dma_start3A_460 = tpu.memref_slice %arg2[%dma_start3A_458, %dma_start3A_459] : memref<20000x64xf32, #tpu.memory_space<hbm>> -> memref<20000x64xf32, #tpu.memory_space<hbm>>
    tpu.enqueue_indirect_dma source(%dma_start3A_460 : memref<20000x64xf32, #tpu.memory_space<hbm>>) target(%arg19 : memref<80x64xf32, #tpu.memory_space<vmem>>) offsets(%dma_start3A_457 : memref<80xi32, #tpu.memory_space<vmem>>) semaphore(%arg12 : memref<!tpu.dma_semaphore, #tpu.memory_space<semaphore_mem>>)
    %barrier3A = arith.constant 0 : index
    tpu.barrier barrier_id(%barrier3A)
    %get3A_461 = arith.constant 5 : i32
    %get3A_462 = arith.index_cast %get3A_461 : i32 to index
    %get3A_463 = arith.constant 0 : index
    %get3A_464 = tpu.vector_load %arg6[%get3A_462, %get3A_463] {strides = array<i32>} : memref<250x80xi32, #tpu.memory_space<vmem>>, vector<1x16xi32>,
    %get3A_465 = vector.shape_cast %get3A_464 : vector<1x16xi32> to vector<16xi32>
    %mul3A_466 = arith.constant 2 : i32
    %mul3A_467 = vector.broadcast %mul3A_466 : i32 to vector<16xi32>
    %mul3A_468 = arith.muli %get3A_465, %mul3A_467 : vector<16xi32>
    %add3A_469 = arith.addi %mul3A_468, %add3A_5 : vector<16xi32>
    %swap3A_470 = arith.constant 5 : i32
    %swap3A_471 = arith.index_cast %swap3A_470 : i32 to index
    %swap3A_472 = arith.constant 0 : index
    %swap3A_473 = tpu.vector_load %arg6[%swap3A_471, %swap3A_472] {strides = array<i32>} : memref<250x80xi32, #tpu.memory_space<vmem>>, vector<1x16xi32>,
    %swap3A_474 = vector.shape_cast %swap3A_473 : vector<1x16xi32> to vector<16xi32>
    %swap3A_475 = vector.shape_cast %add3A_469 : vector<16xi32> to vector<1x16xi32>
    tpu.vector_store %arg6[%swap3A_471, %swap3A_472], %swap3A_475 {strides = array<i32>} : memref<250x80xi32, #tpu.memory_space<vmem>>, vector<1x16xi32>,
    %get3A_476 = arith.constant 5 : i32
    %get3A_477 = arith.index_cast %get3A_476 : i32 to index
    %get3A_478 = arith.constant 16 : index
    %get3A_479 = tpu.vector_load %arg6[%get3A_477, %get3A_478] {strides = array<i32>} : memref<250x80xi32, #tpu.memory_space<vmem>>, vector<1x16xi32>,
    %get3A_480 = vector.shape_cast %get3A_479 : vector<1x16xi32> to vector<16xi32>
    %mul3A_481 = arith.constant 2 : i32
    %mul3A_482 = vector.broadcast %mul3A_481 : i32 to vector<16xi32>
    %mul3A_483 = arith.muli %get3A_480, %mul3A_482 : vector<16xi32>
    %add3A_484 = arith.addi %mul3A_483, %add3A_5 : vector<16xi32>
    %swap3A_485 = arith.constant 5 : i32
    %swap3A_486 = arith.index_cast %swap3A_485 : i32 to index
    %swap3A_487 = arith.constant 16 : index
    %swap3A_488 = tpu.vector_load %arg6[%swap3A_486, %swap3A_487] {strides = array<i32>} : memref<250x80xi32, #tpu.memory_space<vmem>>, vector<1x16xi32>,
    %swap3A_489 = vector.shape_cast %swap3A_488 : vector<1x16xi32> to vector<16xi32>
    %swap3A_490 = vector.shape_cast %add3A_484 : vector<16xi32> to vector<1x16xi32>
    tpu.vector_store %arg6[%swap3A_486, %swap3A_487], %swap3A_490 {strides = array<i32>} : memref<250x80xi32, #tpu.memory_space<vmem>>, vector<1x16xi32>,
    %get3A_491 = arith.constant 5 : i32
    %get3A_492 = arith.index_cast %get3A_491 : i32 to index
    %get3A_493 = arith.constant 32 : index
    %get3A_494 = tpu.vector_load %arg6[%get3A_492, %get3A_493] {strides = array<i32>} : memref<250x80xi32, #tpu.memory_space<vmem>>, vector<1x16xi32>,
    %get3A_495 = vector.shape_cast %get3A_494 : vector<1x16xi32> to vector<16xi32>
    %mul3A_496 = arith.constant 2 : i32
    %mul3A_497 = vector.broadcast %mul3A_496 : i32 to vector<16xi32>
    %mul3A_498 = arith.muli %get3A_495, %mul3A_497 : vector<16xi32>
    %add3A_499 = arith.addi %mul3A_498, %add3A_5 : vector<16xi32>
    %swap3A_500 = arith.constant 5 : i32
    %swap3A_501 = arith.index_cast %swap3A_500 : i32 to index
    %swap3A_502 = arith.constant 32 : index
    %swap3A_503 = tpu.vector_load %arg6[%swap3A_501, %swap3A_502] {strides = array<i32>} : memref<250x80xi32, #tpu.memory_space<vmem>>, vector<1x16xi32>,
    %swap3A_504 = vector.shape_cast %swap3A_503 : vector<1x16xi32> to vector<16xi32>
    %swap3A_505 = vector.shape_cast %add3A_499 : vector<16xi32> to vector<1x16xi32>
    tpu.vector_store %arg6[%swap3A_501, %swap3A_502], %swap3A_505 {strides = array<i32>} : memref<250x80xi32, #tpu.memory_space<vmem>>, vector<1x16xi32>,
    %get3A_506 = arith.constant 5 : i32
    %get3A_507 = arith.index_cast %get3A_506 : i32 to index
    %get3A_508 = arith.constant 48 : index
    %get3A_509 = tpu.vector_load %arg6[%get3A_507, %get3A_508] {strides = array<i32>} : memref<250x80xi32, #tpu.memory_space<vmem>>, vector<1x16xi32>,
    %get3A_510 = vector.shape_cast %get3A_509 : vector<1x16xi32> to vector<16xi32>
    %mul3A_511 = arith.constant 2 : i32
    %mul3A_512 = vector.broadcast %mul3A_511 : i32 to vector<16xi32>
    %mul3A_513 = arith.muli %get3A_510, %mul3A_512 : vector<16xi32>
    %add3A_514 = arith.addi %mul3A_513, %add3A_5 : vector<16xi32>
    %swap3A_515 = arith.constant 5 : i32
    %swap3A_516 = arith.index_cast %swap3A_515 : i32 to index
    %swap3A_517 = arith.constant 48 : index
    %swap3A_518 = tpu.vector_load %arg6[%swap3A_516, %swap3A_517] {strides = array<i32>} : memref<250x80xi32, #tpu.memory_space<vmem>>, vector<1x16xi32>,
    %swap3A_519 = vector.shape_cast %swap3A_518 : vector<1x16xi32> to vector<16xi32>
    %swap3A_520 = vector.shape_cast %add3A_514 : vector<16xi32> to vector<1x16xi32>
    tpu.vector_store %arg6[%swap3A_516, %swap3A_517], %swap3A_520 {strides = array<i32>} : memref<250x80xi32, #tpu.memory_space<vmem>>, vector<1x16xi32>,
    %get3A_521 = arith.constant 5 : i32
    %get3A_522 = arith.index_cast %get3A_521 : i32 to index
    %get3A_523 = arith.constant 64 : index
    %get3A_524 = tpu.vector_load %arg6[%get3A_522, %get3A_523] {strides = array<i32>} : memref<250x80xi32, #tpu.memory_space<vmem>>, vector<1x16xi32>,
    %get3A_525 = vector.shape_cast %get3A_524 : vector<1x16xi32> to vector<16xi32>
    %mul3A_526 = arith.constant 2 : i32
    %mul3A_527 = vector.broadcast %mul3A_526 : i32 to vector<16xi32>
    %mul3A_528 = arith.muli %get3A_525, %mul3A_527 : vector<16xi32>
    %add3A_529 = arith.addi %mul3A_528, %add3A_5 : vector<16xi32>
    %swap3A_530 = arith.constant 5 : i32
    %swap3A_531 = arith.index_cast %swap3A_530 : i32 to index
    %swap3A_532 = arith.constant 64 : index
    %swap3A_533 = tpu.vector_load %arg6[%swap3A_531, %swap3A_532] {strides = array<i32>} : memref<250x80xi32, #tpu.memory_space<vmem>>, vector<1x16xi32>,
    %swap3A_534 = vector.shape_cast %swap3A_533 : vector<1x16xi32> to vector<16xi32>
    %swap3A_535 = vector.shape_cast %add3A_529 : vector<16xi32> to vector<1x16xi32>
    tpu.vector_store %arg6[%swap3A_531, %swap3A_532], %swap3A_535 {strides = array<i32>} : memref<250x80xi32, #tpu.memory_space<vmem>>, vector<1x16xi32>,
    %dma_wait3A_536 = arith.constant 0 : i32
    %dma_wait3A_537 = arith.constant 0 : i32
    %dma_wait3A_538 = tpu.memref_slice %arg6[%dma_wait3A_536, %dma_wait3A_537] : memref<250x80xi32, #tpu.memory_space<vmem>> -> memref<1x80xi32, #tpu.memory_space<vmem>>
    %dma_wait3A_539 = tpu.memref_squeeze %dma_wait3A_538 : memref<1x80xi32, #tpu.memory_space<vmem>> -> memref<80xi32, #tpu.memory_space<vmem>>
    %dma_wait3A_540 = arith.constant 0 : i32
    %dma_wait3A_541 = arith.constant 0 : i32
    %dma_wait3A_542 = tpu.memref_slice %arg2[%dma_wait3A_540, %dma_wait3A_541] : memref<20000x64xf32, #tpu.memory_space<hbm>> -> memref<20000x64xf32, #tpu.memory_space<hbm>>
    tpu.wait_indirect_dma semaphore(%arg12 : memref<!tpu.dma_semaphore, #tpu.memory_space<semaphore_mem>>) src(%dma_wait3A_542 : memref<20000x64xf32, #tpu.memory_space<hbm>>) dst(%arg15 : memref<80x64xf32, #tpu.memory_space<vmem>>)
    %dma_start3A_543 = arith.constant 0 : i32
    %dma_start3A_544 = arith.constant 0 : i32
    %dma_start3A_545 = tpu.memref_slice %arg7[%dma_start3A_543, %dma_start3A_544] : memref<250x80xi32, #tpu.memory_space<vmem>> -> memref<1x80xi32, #tpu.memory_space<vmem>>
    %dma_start3A_546 = tpu.memref_squeeze %dma_start3A_545 : memref<1x80xi32, #tpu.memory_space<vmem>> -> memref<80xi32, #tpu.memory_space<vmem>>
    %dma_start3A_547 = arith.constant 0 : i32
    %dma_start3A_548 = arith.constant 0 : i32
    %dma_start3A_549 = tpu.memref_slice %arg10[%dma_start3A_547, %dma_start3A_548] : memref<10240x64xf32, #tpu.memory_space<vmem_shared>> -> memref<10240x64xf32, #tpu.memory_space<vmem_shared>>
    tpu.enqueue_indirect_dma source(%arg15 : memref<80x64xf32, #tpu.memory_space<vmem>>) target(%dma_start3A_549 : memref<10240x64xf32, #tpu.memory_space<vmem_shared>>) offsets(%dma_start3A_546 : memref<80xi32, #tpu.memory_space<vmem>>) semaphore(%arg13 : memref<!tpu.dma_semaphore, #tpu.memory_space<semaphore_mem>>) {add = true}
    %dma_start3A_550 = arith.constant 5 : i32
    %dma_start3A_551 = arith.constant 0 : i32
    %dma_start3A_552 = tpu.memref_slice %arg6[%dma_start3A_550, %dma_start3A_551] : memref<250x80xi32, #tpu.memory_space<vmem>> -> memref<1x80xi32, #tpu.memory_space<vmem>>
    %dma_start3A_553 = tpu.memref_squeeze %dma_start3A_552 : memref<1x80xi32, #tpu.memory_space<vmem>> -> memref<80xi32, #tpu.memory_space<vmem>>
    %dma_start3A_554 = arith.constant 0 : i32
    %dma_start3A_555 = arith.constant 0 : i32
    %dma_start3A_556 = tpu.memref_slice %arg2[%dma_start3A_554, %dma_start3A_555] : memref<20000x64xf32, #tpu.memory_space<hbm>> -> memref<20000x64xf32, #tpu.memory_space<hbm>>
    tpu.enqueue_indirect_dma source(%dma_start3A_556 : memref<20000x64xf32, #tpu.memory_space<hbm>>) target(%arg20 : memref<80x64xf32, #tpu.memory_space<vmem>>) offsets(%dma_start3A_553 : memref<80xi32, #tpu.memory_space<vmem>>) semaphore(%arg12 : memref<!tpu.dma_semaphore, #tpu.memory_space<semaphore_mem>>)
    %get3A_557 = arith.constant 6 : i32
    %get3A_558 = arith.index_cast %get3A_557 : i32 to index
    %get3A_559 = arith.constant 0 : index
    %get3A_560 = tpu.vector_load %arg6[%get3A_558, %get3A_559] {strides = array<i32>} : memref<250x80xi32, #tpu.memory_space<vmem>>, vector<1x16xi32>,
    %get3A_561 = vector.shape_cast %get3A_560 : vector<1x16xi32> to vector<16xi32>
    %mul3A_562 = arith.constant 2 : i32
    %mul3A_563 = vector.broadcast %mul3A_562 : i32 to vector<16xi32>
    %mul3A_564 = arith.muli %get3A_561, %mul3A_563 : vector<16xi32>
    %add3A_565 = arith.addi %mul3A_564, %add3A_5 : vector<16xi32>
    %swap3A_566 = arith.constant 6 : i32
    %swap3A_567 = arith.index_cast %swap3A_566 : i32 to index
    %swap3A_568 = arith.constant 0 : index
    %swap3A_569 = tpu.vector_load %arg6[%swap3A_567, %swap3A_568] {strides = array<i32>} : memref<250x80xi32, #tpu.memory_space<vmem>>, vector<1x16xi32>,
    %swap3A_570 = vector.shape_cast %swap3A_569 : vector<1x16xi32> to vector<16xi32>
    %swap3A_571 = vector.shape_cast %add3A_565 : vector<16xi32> to vector<1x16xi32>
    tpu.vector_store %arg6[%swap3A_567, %swap3A_568], %swap3A_571 {strides = array<i32>} : memref<250x80xi32, #tpu.memory_space<vmem>>, vector<1x16xi32>,
    %get3A_572 = arith.constant 6 : i32
    %get3A_573 = arith.index_cast %get3A_572 : i32 to index
    %get3A_574 = arith.constant 16 : index
    %get3A_575 = tpu.vector_load %arg6[%get3A_573, %get3A_574] {strides = array<i32>} : memref<250x80xi32, #tpu.memory_space<vmem>>, vector<1x16xi32>,
    %get3A_576 = vector.shape_cast %get3A_575 : vector<1x16xi32> to vector<16xi32>
    %mul3A_577 = arith.constant 2 : i32
    %mul3A_578 = vector.broadcast %mul3A_577 : i32 to vector<16xi32>
    %mul3A_579 = arith.muli %get3A_576, %mul3A_578 : vector<16xi32>
    %add3A_580 = arith.addi %mul3A_579, %add3A_5 : vector<16xi32>
    %swap3A_581 = arith.constant 6 : i32
    %swap3A_582 = arith.index_cast %swap3A_581 : i32 to index
    %swap3A_583 = arith.constant 16 : index
    %swap3A_584 = tpu.vector_load %arg6[%swap3A_582, %swap3A_583] {strides = array<i32>} : memref<250x80xi32, #tpu.memory_space<vmem>>, vector<1x16xi32>,
    %swap3A_585 = vector.shape_cast %swap3A_584 : vector<1x16xi32> to vector<16xi32>
    %swap3A_586 = vector.shape_cast %add3A_580 : vector<16xi32> to vector<1x16xi32>
    tpu.vector_store %arg6[%swap3A_582, %swap3A_583], %swap3A_586 {strides = array<i32>} : memref<250x80xi32, #tpu.memory_space<vmem>>, vector<1x16xi32>,
    %get3A_587 = arith.constant 6 : i32
    %get3A_588 = arith.index_cast %get3A_587 : i32 to index
    %get3A_589 = arith.constant 32 : index
    %get3A_590 = tpu.vector_load %arg6[%get3A_588, %get3A_589] {strides = array<i32>} : memref<250x80xi32, #tpu.memory_space<vmem>>, vector<1x16xi32>,
    %get3A_591 = vector.shape_cast %get3A_590 : vector<1x16xi32> to vector<16xi32>
    %mul3A_592 = arith.constant 2 : i32
    %mul3A_593 = vector.broadcast %mul3A_592 : i32 to vector<16xi32>
    %mul3A_594 = arith.muli %get3A_591, %mul3A_593 : vector<16xi32>
    %add3A_595 = arith.addi %mul3A_594, %add3A_5 : vector<16xi32>
    %swap3A_596 = arith.constant 6 : i32
    %swap3A_597 = arith.index_cast %swap3A_596 : i32 to index
    %swap3A_598 = arith.constant 32 : index
    %swap3A_599 = tpu.vector_load %arg6[%swap3A_597, %swap3A_598] {strides = array<i32>} : memref<250x80xi32, #tpu.memory_space<vmem>>, vector<1x16xi32>,
    %swap3A_600 = vector.shape_cast %swap3A_599 : vector<1x16xi32> to vector<16xi32>
    %swap3A_601 = vector.shape_cast %add3A_595 : vector<16xi32> to vector<1x16xi32>
    tpu.vector_store %arg6[%swap3A_597, %swap3A_598], %swap3A_601 {strides = array<i32>} : memref<250x80xi32, #tpu.memory_space<vmem>>, vector<1x16xi32>,
    %get3A_602 = arith.constant 6 : i32
    %get3A_603 = arith.index_cast %get3A_602 : i32 to index
    %get3A_604 = arith.constant 48 : index
    %get3A_605 = tpu.vector_load %arg6[%get3A_603, %get3A_604] {strides = array<i32>} : memref<250x80xi32, #tpu.memory_space<vmem>>, vector<1x16xi32>,
    %get3A_606 = vector.shape_cast %get3A_605 : vector<1x16xi32> to vector<16xi32>
    %mul3A_607 = arith.constant 2 : i32
    %mul3A_608 = vector.broadcast %mul3A_607 : i32 to vector<16xi32>
    %mul3A_609 = arith.muli %get3A_606, %mul3A_608 : vector<16xi32>
    %add3A_610 = arith.addi %mul3A_609, %add3A_5 : vector<16xi32>
    %swap3A_611 = arith.constant 6 : i32
    %swap3A_612 = arith.index_cast %swap3A_611 : i32 to index
    %swap3A_613 = arith.constant 48 : index
    %swap3A_614 = tpu.vector_load %arg6[%swap3A_612, %swap3A_613] {strides = array<i32>} : memref<250x80xi32, #tpu.memory_space<vmem>>, vector<1x16xi32>,
    %swap3A_615 = vector.shape_cast %swap3A_614 : vector<1x16xi32> to vector<16xi32>
    %swap3A_616 = vector.shape_cast %add3A_610 : vector<16xi32> to vector<1x16xi32>
    tpu.vector_store %arg6[%swap3A_612, %swap3A_613], %swap3A_616 {strides = array<i32>} : memref<250x80xi32, #tpu.memory_space<vmem>>, vector<1x16xi32>,
    %get3A_617 = arith.constant 6 : i32
    %get3A_618 = arith.index_cast %get3A_617 : i32 to index
    %get3A_619 = arith.constant 64 : index
    %get3A_620 = tpu.vector_load %arg6[%get3A_618, %get3A_619] {strides = array<i32>} : memref<250x80xi32, #tpu.memory_space<vmem>>, vector<1x16xi32>,
    %get3A_621 = vector.shape_cast %get3A_620 : vector<1x16xi32> to vector<16xi32>
    %mul3A_622 = arith.constant 2 : i32
    %mul3A_623 = vector.broadcast %mul3A_622 : i32 to vector<16xi32>
    %mul3A_624 = arith.muli %get3A_621, %mul3A_623 : vector<16xi32>
    %add3A_625 = arith.addi %mul3A_624, %add3A_5 : vector<16xi32>
    %swap3A_626 = arith.constant 6 : i32
    %swap3A_627 = arith.index_cast %swap3A_626 : i32 to index
    %swap3A_628 = arith.constant 64 : index
    %swap3A_629 = tpu.vector_load %arg6[%swap3A_627, %swap3A_628] {strides = array<i32>} : memref<250x80xi32, #tpu.memory_space<vmem>>, vector<1x16xi32>,
    %swap3A_630 = vector.shape_cast %swap3A_629 : vector<1x16xi32> to vector<16xi32>
    %swap3A_631 = vector.shape_cast %add3A_625 : vector<16xi32> to vector<1x16xi32>
    tpu.vector_store %arg6[%swap3A_627, %swap3A_628], %swap3A_631 {strides = array<i32>} : memref<250x80xi32, #tpu.memory_space<vmem>>, vector<1x16xi32>,
    %dma_wait3A_632 = arith.constant 1 : i32
    %dma_wait3A_633 = arith.constant 0 : i32
    %dma_wait3A_634 = tpu.memref_slice %arg6[%dma_wait3A_632, %dma_wait3A_633] : memref<250x80xi32, #tpu.memory_space<vmem>> -> memref<1x80xi32, #tpu.memory_space<vmem>>
    %dma_wait3A_635 = tpu.memref_squeeze %dma_wait3A_634 : memref<1x80xi32, #tpu.memory_space<vmem>> -> memref<80xi32, #tpu.memory_space<vmem>>
    %dma_wait3A_636 = arith.constant 0 : i32
    %dma_wait3A_637 = arith.constant 0 : i32
    %dma_wait3A_638 = tpu.memref_slice %arg2[%dma_wait3A_636, %dma_wait3A_637] : memref<20000x64xf32, #tpu.memory_space<hbm>> -> memref<20000x64xf32, #tpu.memory_space<hbm>>
    tpu.wait_indirect_dma semaphore(%arg12 : memref<!tpu.dma_semaphore, #tpu.memory_space<semaphore_mem>>) src(%dma_wait3A_638 : memref<20000x64xf32, #tpu.memory_space<hbm>>) dst(%arg16 : memref<80x64xf32, #tpu.memory_space<vmem>>)
    %dma_start3A_639 = arith.constant 1 : i32
    %dma_start3A_640 = arith.constant 0 : i32
    %dma_start3A_641 = tpu.memref_slice %arg7[%dma_start3A_639, %dma_start3A_640] : memref<250x80xi32, #tpu.memory_space<vmem>> -> memref<1x80xi32, #tpu.memory_space<vmem>>
    %dma_start3A_642 = tpu.memref_squeeze %dma_start3A_641 : memref<1x80xi32, #tpu.memory_space<vmem>> -> memref<80xi32, #tpu.memory_space<vmem>>
    %dma_start3A_643 = arith.constant 0 : i32
    %dma_start3A_644 = arith.constant 0 : i32
    %dma_start3A_645 = tpu.memref_slice %arg10[%dma_start3A_643, %dma_start3A_644] : memref<10240x64xf32, #tpu.memory_space<vmem_shared>> -> memref<10240x64xf32, #tpu.memory_space<vmem_shared>>
    tpu.enqueue_indirect_dma source(%arg16 : memref<80x64xf32, #tpu.memory_space<vmem>>) target(%dma_start3A_645 : memref<10240x64xf32, #tpu.memory_space<vmem_shared>>) offsets(%dma_start3A_642 : memref<80xi32, #tpu.memory_space<vmem>>) semaphore(%arg13 : memref<!tpu.dma_semaphore, #tpu.memory_space<semaphore_mem>>) {add = true}
    %dma_start3A_646 = arith.constant 6 : i32
    %dma_start3A_647 = arith.constant 0 : i32
    %dma_start3A_648 = tpu.memref_slice %arg6[%dma_start3A_646, %dma_start3A_647] : memref<250x80xi32, #tpu.memory_space<vmem>> -> memref<1x80xi32, #tpu.memory_space<vmem>>
    %dma_start3A_649 = tpu.memref_squeeze %dma_start3A_648 : memref<1x80xi32, #tpu.memory_space<vmem>> -> memref<80xi32, #tpu.memory_space<vmem>>
    %dma_start3A_650 = arith.constant 0 : i32
    %dma_start3A_651 = arith.constant 0 : i32
    %dma_start3A_652 = tpu.memref_slice %arg2[%dma_start3A_650, %dma_start3A_651] : memref<20000x64xf32, #tpu.memory_space<hbm>> -> memref<20000x64xf32, #tpu.memory_space<hbm>>
    tpu.enqueue_indirect_dma source(%dma_start3A_652 : memref<20000x64xf32, #tpu.memory_space<hbm>>) target(%arg21 : memref<80x64xf32, #tpu.memory_space<vmem>>) offsets(%dma_start3A_649 : memref<80xi32, #tpu.memory_space<vmem>>) semaphore(%arg12 : memref<!tpu.dma_semaphore, #tpu.memory_space<semaphore_mem>>)
    %get3A_653 = arith.constant 7 : i32
    %get3A_654 = arith.index_cast %get3A_653 : i32 to index
    %get3A_655 = arith.constant 0 : index
    %get3A_656 = tpu.vector_load %arg6[%get3A_654, %get3A_655] {strides = array<i32>} : memref<250x80xi32, #tpu.memory_space<vmem>>, vector<1x16xi32>,
    %get3A_657 = vector.shape_cast %get3A_656 : vector<1x16xi32> to vector<16xi32>
    %mul3A_658 = arith.constant 2 : i32
    %mul3A_659 = vector.broadcast %mul3A_658 : i32 to vector<16xi32>
    %mul3A_660 = arith.muli %get3A_657, %mul3A_659 : vector<16xi32>
    %add3A_661 = arith.addi %mul3A_660, %add3A_5 : vector<16xi32>
    %swap3A_662 = arith.constant 7 : i32
    %swap3A_663 = arith.index_cast %swap3A_662 : i32 to index
    %swap3A_664 = arith.constant 0 : index
    %swap3A_665 = tpu.vector_load %arg6[%swap3A_663, %swap3A_664] {strides = array<i32>} : memref<250x80xi32, #tpu.memory_space<vmem>>, vector<1x16xi32>,
    %swap3A_666 = vector.shape_cast %swap3A_665 : vector<1x16xi32> to vector<16xi32>
    %swap3A_667 = vector.shape_cast %add3A_661 : vector<16xi32> to vector<1x16xi32>
    tpu.vector_store %arg6[%swap3A_663, %swap3A_664], %swap3A_667 {strides = array<i32>} : memref<250x80xi32, #tpu.memory_space<vmem>>, vector<1x16xi32>,
    %get3A_668 = arith.constant 7 : i32
    %get3A_669 = arith.index_cast %get3A_668 : i32 to index
    %get3A_670 = arith.constant 16 : index
    %get3A_671 = tpu.vector_load %arg6[%get3A_669, %get3A_670] {strides = array<i32>} : memref<250x80xi32, #tpu.memory_space<vmem>>, vector<1x16xi32>,
    %get3A_672 = vector.shape_cast %get3A_671 : vector<1x16xi32> to vector<16xi32>
    %mul3A_673 = arith.constant 2 : i32
    %mul3A_674 = vector.broadcast %mul3A_673 : i32 to vector<16xi32>
    %mul3A_675 = arith.muli %get3A_672, %mul3A_674 : vector<16xi32>
    %add3A_676 = arith.addi %mul3A_675, %add3A_5 : vector<16xi32>
    %swap3A_677 = arith.constant 7 : i32
    %swap3A_678 = arith.index_cast %swap3A_677 : i32 to index
    %swap3A_679 = arith.constant 16 : index
    %swap3A_680 = tpu.vector_load %arg6[%swap3A_678, %swap3A_679] {strides = array<i32>} : memref<250x80xi32, #tpu.memory_space<vmem>>, vector<1x16xi32>,
    %swap3A_681 = vector.shape_cast %swap3A_680 : vector<1x16xi32> to vector<16xi32>
    %swap3A_682 = vector.shape_cast %add3A_676 : vector<16xi32> to vector<1x16xi32>
    tpu.vector_store %arg6[%swap3A_678, %swap3A_679], %swap3A_682 {strides = array<i32>} : memref<250x80xi32, #tpu.memory_space<vmem>>, vector<1x16xi32>,
    %get3A_683 = arith.constant 7 : i32
    %get3A_684 = arith.index_cast %get3A_683 : i32 to index
    %get3A_685 = arith.constant 32 : index
    %get3A_686 = tpu.vector_load %arg6[%get3A_684, %get3A_685] {strides = array<i32>} : memref<250x80xi32, #tpu.memory_space<vmem>>, vector<1x16xi32>,
    %get3A_687 = vector.shape_cast %get3A_686 : vector<1x16xi32> to vector<16xi32>
    %mul3A_688 = arith.constant 2 : i32
    %mul3A_689 = vector.broadcast %mul3A_688 : i32 to vector<16xi32>
    %mul3A_690 = arith.muli %get3A_687, %mul3A_689 : vector<16xi32>
    %add3A_691 = arith.addi %mul3A_690, %add3A_5 : vector<16xi32>
    %swap3A_692 = arith.constant 7 : i32
    %swap3A_693 = arith.index_cast %swap3A_692 : i32 to index
    %swap3A_694 = arith.constant 32 : index
    %swap3A_695 = tpu.vector_load %arg6[%swap3A_693, %swap3A_694] {strides = array<i32>} : memref<250x80xi32, #tpu.memory_space<vmem>>, vector<1x16xi32>,
    %swap3A_696 = vector.shape_cast %swap3A_695 : vector<1x16xi32> to vector<16xi32>
    %swap3A_697 = vector.shape_cast %add3A_691 : vector<16xi32> to vector<1x16xi32>
    tpu.vector_store %arg6[%swap3A_693, %swap3A_694], %swap3A_697 {strides = array<i32>} : memref<250x80xi32, #tpu.memory_space<vmem>>, vector<1x16xi32>,
    %get3A_698 = arith.constant 7 : i32
    %get3A_699 = arith.index_cast %get3A_698 : i32 to index
    %get3A_700 = arith.constant 48 : index
    %get3A_701 = tpu.vector_load %arg6[%get3A_699, %get3A_700] {strides = array<i32>} : memref<250x80xi32, #tpu.memory_space<vmem>>, vector<1x16xi32>,
    %get3A_702 = vector.shape_cast %get3A_701 : vector<1x16xi32> to vector<16xi32>
    %mul3A_703 = arith.constant 2 : i32
    %mul3A_704 = vector.broadcast %mul3A_703 : i32 to vector<16xi32>
    %mul3A_705 = arith.muli %get3A_702, %mul3A_704 : vector<16xi32>
    %add3A_706 = arith.addi %mul3A_705, %add3A_5 : vector<16xi32>
    %swap3A_707 = arith.constant 7 : i32
    %swap3A_708 = arith.index_cast %swap3A_707 : i32 to index
    %swap3A_709 = arith.constant 48 : index
    %swap3A_710 = tpu.vector_load %arg6[%swap3A_708, %swap3A_709] {strides = array<i32>} : memref<250x80xi32, #tpu.memory_space<vmem>>, vector<1x16xi32>,
    %swap3A_711 = vector.shape_cast %swap3A_710 : vector<1x16xi32> to vector<16xi32>
    %swap3A_712 = vector.shape_cast %add3A_706 : vector<16xi32> to vector<1x16xi32>
    tpu.vector_store %arg6[%swap3A_708, %swap3A_709], %swap3A_712 {strides = array<i32>} : memref<250x80xi32, #tpu.memory_space<vmem>>, vector<1x16xi32>,
    %get3A_713 = arith.constant 7 : i32
    %get3A_714 = arith.index_cast %get3A_713 : i32 to index
    %get3A_715 = arith.constant 64 : index
    %get3A_716 = tpu.vector_load %arg6[%get3A_714, %get3A_715] {strides = array<i32>} : memref<250x80xi32, #tpu.memory_space<vmem>>, vector<1x16xi32>,
    %get3A_717 = vector.shape_cast %get3A_716 : vector<1x16xi32> to vector<16xi32>
    %mul3A_718 = arith.constant 2 : i32
    %mul3A_719 = vector.broadcast %mul3A_718 : i32 to vector<16xi32>
    %mul3A_720 = arith.muli %get3A_717, %mul3A_719 : vector<16xi32>
    %add3A_721 = arith.addi %mul3A_720, %add3A_5 : vector<16xi32>
    %swap3A_722 = arith.constant 7 : i32
    %swap3A_723 = arith.index_cast %swap3A_722 : i32 to index
    %swap3A_724 = arith.constant 64 : index
    %swap3A_725 = tpu.vector_load %arg6[%swap3A_723, %swap3A_724] {strides = array<i32>} : memref<250x80xi32, #tpu.memory_space<vmem>>, vector<1x16xi32>,
    %swap3A_726 = vector.shape_cast %swap3A_725 : vector<1x16xi32> to vector<16xi32>
    %swap3A_727 = vector.shape_cast %add3A_721 : vector<16xi32> to vector<1x16xi32>
    tpu.vector_store %arg6[%swap3A_723, %swap3A_724], %swap3A_727 {strides = array<i32>} : memref<250x80xi32, #tpu.memory_space<vmem>>, vector<1x16xi32>,
    %dma_wait3A_728 = arith.constant 2 : i32
    %dma_wait3A_729 = arith.constant 0 : i32
    %dma_wait3A_730 = tpu.memref_slice %arg6[%dma_wait3A_728, %dma_wait3A_729] : memref<250x80xi32, #tpu.memory_space<vmem>> -> memref<1x80xi32, #tpu.memory_space<vmem>>
    %dma_wait3A_731 = tpu.memref_squeeze %dma_wait3A_730 : memref<1x80xi32, #tpu.memory_space<vmem>> -> memref<80xi32, #tpu.memory_space<vmem>>
    %dma_wait3A_732 = arith.constant 0 : i32
    %dma_wait3A_733 = arith.constant 0 : i32
    %dma_wait3A_734 = tpu.memref_slice %arg2[%dma_wait3A_732, %dma_wait3A_733] : memref<20000x64xf32, #tpu.memory_space<hbm>> -> memref<20000x64xf32, #tpu.memory_space<hbm>>
    tpu.wait_indirect_dma semaphore(%arg12 : memref<!tpu.dma_semaphore, #tpu.memory_space<semaphore_mem>>) src(%dma_wait3A_734 : memref<20000x64xf32, #tpu.memory_space<hbm>>) dst(%arg17 : memref<80x64xf32, #tpu.memory_space<vmem>>)
    %dma_start3A_735 = arith.constant 2 : i32
    %dma_start3A_736 = arith.constant 0 : i32
    %dma_start3A_737 = tpu.memref_slice %arg7[%dma_start3A_735, %dma_start3A_736] : memref<250x80xi32, #tpu.memory_space<vmem>> -> memref<1x80xi32, #tpu.memory_space<vmem>>
    %dma_start3A_738 = tpu.memref_squeeze %dma_start3A_737 : memref<1x80xi32, #tpu.memory_space<vmem>> -> memref<80xi32, #tpu.memory_space<vmem>>
    %dma_start3A_739 = arith.constant 0 : i32
    %dma_start3A_740 = arith.constant 0 : i32
    %dma_start3A_741 = tpu.memref_slice %arg10[%dma_start3A_739, %dma_start3A_740] : memref<10240x64xf32, #tpu.memory_space<vmem_shared>> -> memref<10240x64xf32, #tpu.memory_space<vmem_shared>>
    tpu.enqueue_indirect_dma source(%arg17 : memref<80x64xf32, #tpu.memory_space<vmem>>) target(%dma_start3A_741 : memref<10240x64xf32, #tpu.memory_space<vmem_shared>>) offsets(%dma_start3A_738 : memref<80xi32, #tpu.memory_space<vmem>>) semaphore(%arg13 : memref<!tpu.dma_semaphore, #tpu.memory_space<semaphore_mem>>) {add = true}
    %dma_wait3A_742 = arith.constant 0 : i32
    %dma_wait3A_743 = arith.constant 0 : i32
    %dma_wait3A_744 = tpu.memref_slice %arg7[%dma_wait3A_742, %dma_wait3A_743] : memref<250x80xi32, #tpu.memory_space<vmem>> -> memref<1x80xi32, #tpu.memory_space<vmem>>
    %dma_wait3A_745 = tpu.memref_squeeze %dma_wait3A_744 : memref<1x80xi32, #tpu.memory_space<vmem>> -> memref<80xi32, #tpu.memory_space<vmem>>
    %dma_wait3A_746 = arith.constant 0 : i32
    %dma_wait3A_747 = arith.constant 0 : i32
    %dma_wait3A_748 = tpu.memref_slice %arg10[%dma_wait3A_746, %dma_wait3A_747] : memref<10240x64xf32, #tpu.memory_space<vmem_shared>> -> memref<10240x64xf32, #tpu.memory_space<vmem_shared>>
    tpu.wait_indirect_dma semaphore(%arg13 : memref<!tpu.dma_semaphore, #tpu.memory_space<semaphore_mem>>) src(%arg15 : memref<80x64xf32, #tpu.memory_space<vmem>>) dst(%dma_wait3A_748 : memref<10240x64xf32, #tpu.memory_space<vmem_shared>>)
    %dma_start3A_749 = arith.constant 7 : i32
    %dma_start3A_750 = arith.constant 0 : i32
    %dma_start3A_751 = tpu.memref_slice %arg6[%dma_start3A_749, %dma_start3A_750] : memref<250x80xi32, #tpu.memory_space<vmem>> -> memref<1x80xi32, #tpu.memory_space<vmem>>
    %dma_start3A_752 = tpu.memref_squeeze %dma_start3A_751 : memref<1x80xi32, #tpu.memory_space<vmem>> -> memref<80xi32, #tpu.memory_space<vmem>>
    %dma_start3A_753 = arith.constant 0 : i32
    %dma_start3A_754 = arith.constant 0 : i32
    %dma_start3A_755 = tpu.memref_slice %arg2[%dma_start3A_753, %dma_start3A_754] : memref<20000x64xf32, #tpu.memory_space<hbm>> -> memref<20000x64xf32, #tpu.memory_space<hbm>>
    tpu.enqueue_indirect_dma source(%dma_start3A_755 : memref<20000x64xf32, #tpu.memory_space<hbm>>) target(%arg15 : memref<80x64xf32, #tpu.memory_space<vmem>>) offsets(%dma_start3A_752 : memref<80xi32, #tpu.memory_space<vmem>>) semaphore(%arg12 : memref<!tpu.dma_semaphore, #tpu.memory_space<semaphore_mem>>)
    %get3A_756 = arith.constant 8 : i32
    %get3A_757 = arith.index_cast %get3A_756 : i32 to index
    %get3A_758 = arith.constant 0 : index
    %get3A_759 = tpu.vector_load %arg6[%get3A_757, %get3A_758] {strides = array<i32>} : memref<250x80xi32, #tpu.memory_space<vmem>>, vector<1x16xi32>,
    %get3A_760 = vector.shape_cast %get3A_759 : vector<1x16xi32> to vector<16xi32>
    %mul3A_761 = arith.constant 2 : i32
    %mul3A_762 = vector.broadcast %mul3A_761 : i32 to vector<16xi32>
    %mul3A_763 = arith.muli %get3A_760, %mul3A_762 : vector<16xi32>
    %add3A_764 = arith.addi %mul3A_763, %add3A_5 : vector<16xi32>
    %swap3A_765 = arith.constant 8 : i32
    %swap3A_766 = arith.index_cast %swap3A_765 : i32 to index
    %swap3A_767 = arith.constant 0 : index
    %swap3A_768 = tpu.vector_load %arg6[%swap3A_766, %swap3A_767] {strides = array<i32>} : memref<250x80xi32, #tpu.memory_space<vmem>>, vector<1x16xi32>,
    %swap3A_769 = vector.shape_cast %swap3A_768 : vector<1x16xi32> to vector<16xi32>
    %swap3A_770 = vector.shape_cast %add3A_764 : vector<16xi32> to vector<1x16xi32>
    tpu.vector_store %arg6[%swap3A_766, %swap3A_767], %swap3A_770 {strides = array<i32>} : memref<250x80xi32, #tpu.memory_space<vmem>>, vector<1x16xi32>,
    %get3A_771 = arith.constant 8 : i32
    %get3A_772 = arith.index_cast %get3A_771 : i32 to index
    %get3A_773 = arith.constant 16 : index
    %get3A_774 = tpu.vector_load %arg6[%get3A_772, %get3A_773] {strides = array<i32>} : memref<250x80xi32, #tpu.memory_space<vmem>>, vector<1x16xi32>,
    %get3A_775 = vector.shape_cast %get3A_774 : vector<1x16xi32> to vector<16xi32>
    %mul3A_776 = arith.constant 2 : i32
    %mul3A_777 = vector.broadcast %mul3A_776 : i32 to vector<16xi32>
    %mul3A_778 = arith.muli %get3A_775, %mul3A_777 : vector<16xi32>
    %add3A_779 = arith.addi %mul3A_778, %add3A_5 : vector<16xi32>
    %swap3A_780 = arith.constant 8 : i32
    %swap3A_781 = arith.index_cast %swap3A_780 : i32 to index
    %swap3A_782 = arith.constant 16 : index
    %swap3A_783 = tpu.vector_load %arg6[%swap3A_781, %swap3A_782] {strides = array<i32>} : memref<250x80xi32, #tpu.memory_space<vmem>>, vector<1x16xi32>,
    %swap3A_784 = vector.shape_cast %swap3A_783 : vector<1x16xi32> to vector<16xi32>
    %swap3A_785 = vector.shape_cast %add3A_779 : vector<16xi32> to vector<1x16xi32>
    tpu.vector_store %arg6[%swap3A_781, %swap3A_782], %swap3A_785 {strides = array<i32>} : memref<250x80xi32, #tpu.memory_space<vmem>>, vector<1x16xi32>,
    %get3A_786 = arith.constant 8 : i32
    %get3A_787 = arith.index_cast %get3A_786 : i32 to index
    %get3A_788 = arith.constant 32 : index
    %get3A_789 = tpu.vector_load %arg6[%get3A_787, %get3A_788] {strides = array<i32>} : memref<250x80xi32, #tpu.memory_space<vmem>>, vector<1x16xi32>,
    %get3A_790 = vector.shape_cast %get3A_789 : vector<1x16xi32> to vector<16xi32>
    %mul3A_791 = arith.constant 2 : i32
    %mul3A_792 = vector.broadcast %mul3A_791 : i32 to vector<16xi32>
    %mul3A_793 = arith.muli %get3A_790, %mul3A_792 : vector<16xi32>
    %add3A_794 = arith.addi %mul3A_793, %add3A_5 : vector<16xi32>
    %swap3A_795 = arith.constant 8 : i32
    %swap3A_796 = arith.index_cast %swap3A_795 : i32 to index
    %swap3A_797 = arith.constant 32 : index
    %swap3A_798 = tpu.vector_load %arg6[%swap3A_796, %swap3A_797] {strides = array<i32>} : memref<250x80xi32, #tpu.memory_space<vmem>>, vector<1x16xi32>,
    %swap3A_799 = vector.shape_cast %swap3A_798 : vector<1x16xi32> to vector<16xi32>
    %swap3A_800 = vector.shape_cast %add3A_794 : vector<16xi32> to vector<1x16xi32>
    tpu.vector_store %arg6[%swap3A_796, %swap3A_797], %swap3A_800 {strides = array<i32>} : memref<250x80xi32, #tpu.memory_space<vmem>>, vector<1x16xi32>,
    %get3A_801 = arith.constant 8 : i32
    %get3A_802 = arith.index_cast %get3A_801 : i32 to index
    %get3A_803 = arith.constant 48 : index
    %get3A_804 = tpu.vector_load %arg6[%get3A_802, %get3A_803] {strides = array<i32>} : memref<250x80xi32, #tpu.memory_space<vmem>>, vector<1x16xi32>,
    %get3A_805 = vector.shape_cast %get3A_804 : vector<1x16xi32> to vector<16xi32>
    %mul3A_806 = arith.constant 2 : i32
    %mul3A_807 = vector.broadcast %mul3A_806 : i32 to vector<16xi32>
    %mul3A_808 = arith.muli %get3A_805, %mul3A_807 : vector<16xi32>
    %add3A_809 = arith.addi %mul3A_808, %add3A_5 : vector<16xi32>
    %swap3A_810 = arith.constant 8 : i32
    %swap3A_811 = arith.index_cast %swap3A_810 : i32 to index
    %swap3A_812 = arith.constant 48 : index
    %swap3A_813 = tpu.vector_load %arg6[%swap3A_811, %swap3A_812] {strides = array<i32>} : memref<250x80xi32, #tpu.memory_space<vmem>>, vector<1x16xi32>,
    %swap3A_814 = vector.shape_cast %swap3A_813 : vector<1x16xi32> to vector<16xi32>
    %swap3A_815 = vector.shape_cast %add3A_809 : vector<16xi32> to vector<1x16xi32>
    tpu.vector_store %arg6[%swap3A_811, %swap3A_812], %swap3A_815 {strides = array<i32>} : memref<250x80xi32, #tpu.memory_space<vmem>>, vector<1x16xi32>,
    %get3A_816 = arith.constant 8 : i32
    %get3A_817 = arith.index_cast %get3A_816 : i32 to index
    %get3A_818 = arith.constant 64 : index
    %get3A_819 = tpu.vector_load %arg6[%get3A_817, %get3A_818] {strides = array<i32>} : memref<250x80xi32, #tpu.memory_space<vmem>>, vector<1x16xi32>,
    %get3A_820 = vector.shape_cast %get3A_819 : vector<1x16xi32> to vector<16xi32>
    %mul3A_821 = arith.constant 2 : i32
    %mul3A_822 = vector.broadcast %mul3A_821 : i32 to vector<16xi32>
    %mul3A_823 = arith.muli %get3A_820, %mul3A_822 : vector<16xi32>
    %add3A_824 = arith.addi %mul3A_823, %add3A_5 : vector<16xi32>
    %swap3A_825 = arith.constant 8 : i32
    %swap3A_826 = arith.index_cast %swap3A_825 : i32 to index
    %swap3A_827 = arith.constant 64 : index
    %swap3A_828 = tpu.vector_load %arg6[%swap3A_826, %swap3A_827] {strides = array<i32>} : memref<250x80xi32, #tpu.memory_space<vmem>>, vector<1x16xi32>,
    %swap3A_829 = vector.shape_cast %swap3A_828 : vector<1x16xi32> to vector<16xi32>
    %swap3A_830 = vector.shape_cast %add3A_824 : vector<16xi32> to vector<1x16xi32>
    tpu.vector_store %arg6[%swap3A_826, %swap3A_827], %swap3A_830 {strides = array<i32>} : memref<250x80xi32, #tpu.memory_space<vmem>>, vector<1x16xi32>,
    %dma_wait3A_831 = arith.constant 3 : i32
    %dma_wait3A_832 = arith.constant 0 : i32
    %dma_wait3A_833 = tpu.memref_slice %arg6[%dma_wait3A_831, %dma_wait3A_832] : memref<250x80xi32, #tpu.memory_space<vmem>> -> memref<1x80xi32, #tpu.memory_space<vmem>>
    %dma_wait3A_834 = tpu.memref_squeeze %dma_wait3A_833 : memref<1x80xi32, #tpu.memory_space<vmem>> -> memref<80xi32, #tpu.memory_space<vmem>>
    %dma_wait3A_835 = arith.constant 0 : i32
    %dma_wait3A_836 = arith.constant 0 : i32
    %dma_wait3A_837 = tpu.memref_slice %arg2[%dma_wait3A_835, %dma_wait3A_836] : memref<20000x64xf32, #tpu.memory_space<hbm>> -> memref<20000x64xf32, #tpu.memory_space<hbm>>
    tpu.wait_indirect_dma semaphore(%arg12 : memref<!tpu.dma_semaphore, #tpu.memory_space<semaphore_mem>>) src(%dma_wait3A_837 : memref<20000x64xf32, #tpu.memory_space<hbm>>) dst(%arg18 : memref<80x64xf32, #tpu.memory_space<vmem>>)
    %dma_start3A_838 = arith.constant 3 : i32
    %dma_start3A_839 = arith.constant 0 : i32
    %dma_start3A_840 = tpu.memref_slice %arg7[%dma_start3A_838, %dma_start3A_839] : memref<250x80xi32, #tpu.memory_space<vmem>> -> memref<1x80xi32, #tpu.memory_space<vmem>>
    %dma_start3A_841 = tpu.memref_squeeze %dma_start3A_840 : memref<1x80xi32, #tpu.memory_space<vmem>> -> memref<80xi32, #tpu.memory_space<vmem>>
    %dma_start3A_842 = arith.constant 0 : i32
    %dma_start3A_843 = arith.constant 0 : i32
    %dma_start3A_844 = tpu.memref_slice %arg10[%dma_start3A_842, %dma_start3A_843] : memref<10240x64xf32, #tpu.memory_space<vmem_shared>> -> memref<10240x64xf32, #tpu.memory_space<vmem_shared>>
    tpu.enqueue_indirect_dma source(%arg18 : memref<80x64xf32, #tpu.memory_space<vmem>>) target(%dma_start3A_844 : memref<10240x64xf32, #tpu.memory_space<vmem_shared>>) offsets(%dma_start3A_841 : memref<80xi32, #tpu.memory_space<vmem>>) semaphore(%arg13 : memref<!tpu.dma_semaphore, #tpu.memory_space<semaphore_mem>>) {add = true}
    %dma_wait3A_845 = arith.constant 0 : i32
    %dma_wait3A_846 = arith.constant 0 : i32
    %dma_wait3A_847 = tpu.memref_slice %arg7[%dma_wait3A_845, %dma_wait3A_846] : memref<250x80xi32, #tpu.memory_space<vmem>> -> memref<1x80xi32, #tpu.memory_space<vmem>>
    %dma_wait3A_848 = tpu.memref_squeeze %dma_wait3A_847 : memref<1x80xi32, #tpu.memory_space<vmem>> -> memref<80xi32, #tpu.memory_space<vmem>>
    %dma_wait3A_849 = arith.constant 0 : i32
    %dma_wait3A_850 = arith.constant 0 : i32
    %dma_wait3A_851 = tpu.memref_slice %arg10[%dma_wait3A_849, %dma_wait3A_850] : memref<10240x64xf32, #tpu.memory_space<vmem_shared>> -> memref<10240x64xf32, #tpu.memory_space<vmem_shared>>
    tpu.wait_indirect_dma semaphore(%arg13 : memref<!tpu.dma_semaphore, #tpu.memory_space<semaphore_mem>>) src(%arg15 : memref<80x64xf32, #tpu.memory_space<vmem>>) dst(%dma_wait3A_851 : memref<10240x64xf32, #tpu.memory_space<vmem_shared>>)
    %dma_start3A_852 = arith.constant 8 : i32
    %dma_start3A_853 = arith.constant 0 : i32
    %dma_start3A_854 = tpu.memref_slice %arg6[%dma_start3A_852, %dma_start3A_853] : memref<250x80xi32, #tpu.memory_space<vmem>> -> memref<1x80xi32, #tpu.memory_space<vmem>>
    %dma_start3A_855 = tpu.memref_squeeze %dma_start3A_854 : memref<1x80xi32, #tpu.memory_space<vmem>> -> memref<80xi32, #tpu.memory_space<vmem>>
    %dma_start3A_856 = arith.constant 0 : i32
    %dma_start3A_857 = arith.constant 0 : i32
    %dma_start3A_858 = tpu.memref_slice %arg2[%dma_start3A_856, %dma_start3A_857] : memref<20000x64xf32, #tpu.memory_space<hbm>> -> memref<20000x64xf32, #tpu.memory_space<hbm>>
    tpu.enqueue_indirect_dma source(%dma_start3A_858 : memref<20000x64xf32, #tpu.memory_space<hbm>>) target(%arg16 : memref<80x64xf32, #tpu.memory_space<vmem>>) offsets(%dma_start3A_855 : memref<80xi32, #tpu.memory_space<vmem>>) semaphore(%arg12 : memref<!tpu.dma_semaphore, #tpu.memory_space<semaphore_mem>>)
    %get3A_859 = arith.constant 9 : i32
    %get3A_860 = arith.index_cast %get3A_859 : i32 to index
    %get3A_861 = arith.constant 0 : index
    %get3A_862 = tpu.vector_load %arg6[%get3A_860, %get3A_861] {strides = array<i32>} : memref<250x80xi32, #tpu.memory_space<vmem>>, vector<1x16xi32>,
    %get3A_863 = vector.shape_cast %get3A_862 : vector<1x16xi32> to vector<16xi32>
    %mul3A_864 = arith.constant 2 : i32
    %mul3A_865 = vector.broadcast %mul3A_864 : i32 to vector<16xi32>
    %mul3A_866 = arith.muli %get3A_863, %mul3A_865 : vector<16xi32>
    %add3A_867 = arith.addi %mul3A_866, %add3A_5 : vector<16xi32>
    %swap3A_868 = arith.constant 9 : i32
    %swap3A_869 = arith.index_cast %swap3A_868 : i32 to index
    %swap3A_870 = arith.constant 0 : index
    %swap3A_871 = tpu.vector_load %arg6[%swap3A_869, %swap3A_870] {strides = array<i32>} : memref<250x80xi32, #tpu.memory_space<vmem>>, vector<1x16xi32>,
    %swap3A_872 = vector.shape_cast %swap3A_871 : vector<1x16xi32> to vector<16xi32>
    %swap3A_873 = vector.shape_cast %add3A_867 : vector<16xi32> to vector<1x16xi32>
    tpu.vector_store %arg6[%swap3A_869, %swap3A_870], %swap3A_873 {strides = array<i32>} : memref<250x80xi32, #tpu.memory_space<vmem>>, vector<1x16xi32>,
    %get3A_874 = arith.constant 9 : i32
    %get3A_875 = arith.index_cast %get3A_874 : i32 to index
    %get3A_876 = arith.constant 16 : index
    %get3A_877 = tpu.vector_load %arg6[%get3A_875, %get3A_876] {strides = array<i32>} : memref<250x80xi32, #tpu.memory_space<vmem>>, vector<1x16xi32>,
    %get3A_878 = vector.shape_cast %get3A_877 : vector<1x16xi32> to vector<16xi32>
    %mul3A_879 = arith.constant 2 : i32
    %mul3A_880 = vector.broadcast %mul3A_879 : i32 to vector<16xi32>
    %mul3A_881 = arith.muli %get3A_878, %mul3A_880 : vector<16xi32>
    %add3A_882 = arith.addi %mul3A_881, %add3A_5 : vector<16xi32>
    %swap3A_883 = arith.constant 9 : i32
    %swap3A_884 = arith.index_cast %swap3A_883 : i32 to index
    %swap3A_885 = arith.constant 16 : index
    %swap3A_886 = tpu.vector_load %arg6[%swap3A_884, %swap3A_885] {strides = array<i32>} : memref<250x80xi32, #tpu.memory_space<vmem>>, vector<1x16xi32>,
    %swap3A_887 = vector.shape_cast %swap3A_886 : vector<1x16xi32> to vector<16xi32>
    %swap3A_888 = vector.shape_cast %add3A_882 : vector<16xi32> to vector<1x16xi32>
    tpu.vector_store %arg6[%swap3A_884, %swap3A_885], %swap3A_888 {strides = array<i32>} : memref<250x80xi32, #tpu.memory_space<vmem>>, vector<1x16xi32>,
    %get3A_889 = arith.constant 9 : i32
    %get3A_890 = arith.index_cast %get3A_889 : i32 to index
    %get3A_891 = arith.constant 32 : index
    %get3A_892 = tpu.vector_load %arg6[%get3A_890, %get3A_891] {strides = array<i32>} : memref<250x80xi32, #tpu.memory_space<vmem>>, vector<1x16xi32>,
    %get3A_893 = vector.shape_cast %get3A_892 : vector<1x16xi32> to vector<16xi32>
    %mul3A_894 = arith.constant 2 : i32
    %mul3A_895 = vector.broadcast %mul3A_894 : i32 to vector<16xi32>
    %mul3A_896 = arith.muli %get3A_893, %mul3A_895 : vector<16xi32>
    %add3A_897 = arith.addi %mul3A_896, %add3A_5 : vector<16xi32>
    %swap3A_898 = arith.constant 9 : i32
    %swap3A_899 = arith.index_cast %swap3A_898 : i32 to index
    %swap3A_900 = arith.constant 32 : index
    %swap3A_901 = tpu.vector_load %arg6[%swap3A_899, %swap3A_900] {strides = array<i32>} : memref<250x80xi32, #tpu.memory_space<vmem>>, vector<1x16xi32>,
    %swap3A_902 = vector.shape_cast %swap3A_901 : vector<1x16xi32> to vector<16xi32>
    %swap3A_903 = vector.shape_cast %add3A_897 : vector<16xi32> to vector<1x16xi32>
    tpu.vector_store %arg6[%swap3A_899, %swap3A_900], %swap3A_903 {strides = array<i32>} : memref<250x80xi32, #tpu.memory_space<vmem>>, vector<1x16xi32>,
    %get3A_904 = arith.constant 9 : i32
    %get3A_905 = arith.index_cast %get3A_904 : i32 to index
    %get3A_906 = arith.constant 48 : index
    %get3A_907 = tpu.vector_load %arg6[%get3A_905, %get3A_906] {strides = array<i32>} : memref<250x80xi32, #tpu.memory_space<vmem>>, vector<1x16xi32>,
    %get3A_908 = vector.shape_cast %get3A_907 : vector<1x16xi32> to vector<16xi32>
    %mul3A_909 = arith.constant 2 : i32
    %mul3A_910 = vector.broadcast %mul3A_909 : i32 to vector<16xi32>
    %mul3A_911 = arith.muli %get3A_908, %mul3A_910 : vector<16xi32>
    %add3A_912 = arith.addi %mul3A_911, %add3A_5 : vector<16xi32>
    %swap3A_913 = arith.constant 9 : i32
    %swap3A_914 = arith.index_cast %swap3A_913 : i32 to index
    %swap3A_915 = arith.constant 48 : index
    %swap3A_916 = tpu.vector_load %arg6[%swap3A_914, %swap3A_915] {strides = array<i32>} : memref<250x80xi32, #tpu.memory_space<vmem>>, vector<1x16xi32>,
    %swap3A_917 = vector.shape_cast %swap3A_916 : vector<1x16xi32> to vector<16xi32>
    %swap3A_918 = vector.shape_cast %add3A_912 : vector<16xi32> to vector<1x16xi32>
    tpu.vector_store %arg6[%swap3A_914, %swap3A_915], %swap3A_918 {strides = array<i32>} : memref<250x80xi32, #tpu.memory_space<vmem>>, vector<1x16xi32>,
    %get3A_919 = arith.constant 9 : i32
    %get3A_920 = arith.index_cast %get3A_919 : i32 to index
    %get3A_921 = arith.constant 64 : index
    %get3A_922 = tpu.vector_load %arg6[%get3A_920, %get3A_921] {strides = array<i32>} : memref<250x80xi32, #tpu.memory_space<vmem>>, vector<1x16xi32>,
    %get3A_923 = vector.shape_cast %get3A_922 : vector<1x16xi32> to vector<16xi32>
    %mul3A_924 = arith.constant 2 : i32
    %mul3A_925 = vector.broadcast %mul3A_924 : i32 to vector<16xi32>
    %mul3A_926 = arith.muli %get3A_923, %mul3A_925 : vector<16xi32>
    %add3A_927 = arith.addi %mul3A_926, %add3A_5 : vector<16xi32>
    %swap3A_928 = arith.constant 9 : i32
    %swap3A_929 = arith.index_cast %swap3A_928 : i32 to index
    %swap3A_930 = arith.constant 64 : index
    %swap3A_931 = tpu.vector_load %arg6[%swap3A_929, %swap3A_930] {strides = array<i32>} : memref<250x80xi32, #tpu.memory_space<vmem>>, vector<1x16xi32>,
    %swap3A_932 = vector.shape_cast %swap3A_931 : vector<1x16xi32> to vector<16xi32>
    %swap3A_933 = vector.shape_cast %add3A_927 : vector<16xi32> to vector<1x16xi32>
    tpu.vector_store %arg6[%swap3A_929, %swap3A_930], %swap3A_933 {strides = array<i32>} : memref<250x80xi32, #tpu.memory_space<vmem>>, vector<1x16xi32>,
    %dma_wait3A_934 = arith.constant 4 : i32
    %dma_wait3A_935 = arith.constant 0 : i32
    %dma_wait3A_936 = tpu.memref_slice %arg6[%dma_wait3A_934, %dma_wait3A_935] : memref<250x80xi32, #tpu.memory_space<vmem>> -> memref<1x80xi32, #tpu.memory_space<vmem>>
    %dma_wait3A_937 = tpu.memref_squeeze %dma_wait3A_936 : memref<1x80xi32, #tpu.memory_space<vmem>> -> memref<80xi32, #tpu.memory_space<vmem>>
    %dma_wait3A_938 = arith.constant 0 : i32
    %dma_wait3A_939 = arith.constant 0 : i32
    %dma_wait3A_940 = tpu.memref_slice %arg2[%dma_wait3A_938, %dma_wait3A_939] : memref<20000x64xf32, #tpu.memory_space<hbm>> -> memref<20000x64xf32, #tpu.memory_space<hbm>>
    tpu.wait_indirect_dma semaphore(%arg12 : memref<!tpu.dma_semaphore, #tpu.memory_space<semaphore_mem>>) src(%dma_wait3A_940 : memref<20000x64xf32, #tpu.memory_space<hbm>>) dst(%arg19 : memref<80x64xf32, #tpu.memory_space<vmem>>)
    %dma_start3A_941 = arith.constant 4 : i32
    %dma_start3A_942 = arith.constant 0 : i32
    %dma_start3A_943 = tpu.memref_slice %arg7[%dma_start3A_941, %dma_start3A_942] : memref<250x80xi32, #tpu.memory_space<vmem>> -> memref<1x80xi32, #tpu.memory_space<vmem>>
    %dma_start3A_944 = tpu.memref_squeeze %dma_start3A_943 : memref<1x80xi32, #tpu.memory_space<vmem>> -> memref<80xi32, #tpu.memory_space<vmem>>
    %dma_start3A_945 = arith.constant 0 : i32
    %dma_start3A_946 = arith.constant 0 : i32
    %dma_start3A_947 = tpu.memref_slice %arg10[%dma_start3A_945, %dma_start3A_946] : memref<10240x64xf32, #tpu.memory_space<vmem_shared>> -> memref<10240x64xf32, #tpu.memory_space<vmem_shared>>
    tpu.enqueue_indirect_dma source(%arg19 : memref<80x64xf32, #tpu.memory_space<vmem>>) target(%dma_start3A_947 : memref<10240x64xf32, #tpu.memory_space<vmem_shared>>) offsets(%dma_start3A_944 : memref<80xi32, #tpu.memory_space<vmem>>) semaphore(%arg13 : memref<!tpu.dma_semaphore, #tpu.memory_space<semaphore_mem>>) {add = true}
    %dma_wait3A_948 = arith.constant 0 : i32
    %dma_wait3A_949 = arith.constant 0 : i32
    %dma_wait3A_950 = tpu.memref_slice %arg7[%dma_wait3A_948, %dma_wait3A_949] : memref<250x80xi32, #tpu.memory_space<vmem>> -> memref<1x80xi32, #tpu.memory_space<vmem>>
    %dma_wait3A_951 = tpu.memref_squeeze %dma_wait3A_950 : memref<1x80xi32, #tpu.memory_space<vmem>> -> memref<80xi32, #tpu.memory_space<vmem>>
    %dma_wait3A_952 = arith.constant 0 : i32
    %dma_wait3A_953 = arith.constant 0 : i32
    %dma_wait3A_954 = tpu.memref_slice %arg10[%dma_wait3A_952, %dma_wait3A_953] : memref<10240x64xf32, #tpu.memory_space<vmem_shared>> -> memref<10240x64xf32, #tpu.memory_space<vmem_shared>>
    tpu.wait_indirect_dma semaphore(%arg13 : memref<!tpu.dma_semaphore, #tpu.memory_space<semaphore_mem>>) src(%arg15 : memref<80x64xf32, #tpu.memory_space<vmem>>) dst(%dma_wait3A_954 : memref<10240x64xf32, #tpu.memory_space<vmem_shared>>)
    %dma_start3A_955 = arith.constant 9 : i32
    %dma_start3A_956 = arith.constant 0 : i32
    %dma_start3A_957 = tpu.memref_slice %arg6[%dma_start3A_955, %dma_start3A_956] : memref<250x80xi32, #tpu.memory_space<vmem>> -> memref<1x80xi32, #tpu.memory_space<vmem>>
    %dma_start3A_958 = tpu.memref_squeeze %dma_start3A_957 : memref<1x80xi32, #tpu.memory_space<vmem>> -> memref<80xi32, #tpu.memory_space<vmem>>
    %dma_start3A_959 = arith.constant 0 : i32
    %dma_start3A_960 = arith.constant 0 : i32
    %dma_start3A_961 = tpu.memref_slice %arg2[%dma_start3A_959, %dma_start3A_960] : memref<20000x64xf32, #tpu.memory_space<hbm>> -> memref<20000x64xf32, #tpu.memory_space<hbm>>
    tpu.enqueue_indirect_dma source(%dma_start3A_961 : memref<20000x64xf32, #tpu.memory_space<hbm>>) target(%arg17 : memref<80x64xf32, #tpu.memory_space<vmem>>) offsets(%dma_start3A_958 : memref<80xi32, #tpu.memory_space<vmem>>) semaphore(%arg12 : memref<!tpu.dma_semaphore, #tpu.memory_space<semaphore_mem>>)
    %get3A_962 = arith.constant 10 : i32
    %get3A_963 = arith.index_cast %get3A_962 : i32 to index
    %get3A_964 = arith.constant 0 : index
    %get3A_965 = tpu.vector_load %arg6[%get3A_963, %get3A_964] {strides = array<i32>} : memref<250x80xi32, #tpu.memory_space<vmem>>, vector<1x16xi32>,
    %get3A_966 = vector.shape_cast %get3A_965 : vector<1x16xi32> to vector<16xi32>
    %mul3A_967 = arith.constant 2 : i32
    %mul3A_968 = vector.broadcast %mul3A_967 : i32 to vector<16xi32>
    %mul3A_969 = arith.muli %get3A_966, %mul3A_968 : vector<16xi32>
    %add3A_970 = arith.addi %mul3A_969, %add3A_5 : vector<16xi32>
    %swap3A_971 = arith.constant 10 : i32
    %swap3A_972 = arith.index_cast %swap3A_971 : i32 to index
    %swap3A_973 = arith.constant 0 : index
    %swap3A_974 = tpu.vector_load %arg6[%swap3A_972, %swap3A_973] {strides = array<i32>} : memref<250x80xi32, #tpu.memory_space<vmem>>, vector<1x16xi32>,
    %swap3A_975 = vector.shape_cast %swap3A_974 : vector<1x16xi32> to vector<16xi32>
    %swap3A_976 = vector.shape_cast %add3A_970 : vector<16xi32> to vector<1x16xi32>
    tpu.vector_store %arg6[%swap3A_972, %swap3A_973], %swap3A_976 {strides = array<i32>} : memref<250x80xi32, #tpu.memory_space<vmem>>, vector<1x16xi32>,
    %get3A_977 = arith.constant 10 : i32
    %get3A_978 = arith.index_cast %get3A_977 : i32 to index
    %get3A_979 = arith.constant 16 : index
    %get3A_980 = tpu.vector_load %arg6[%get3A_978, %get3A_979] {strides = array<i32>} : memref<250x80xi32, #tpu.memory_space<vmem>>, vector<1x16xi32>,
    %get3A_981 = vector.shape_cast %get3A_980 : vector<1x16xi32> to vector<16xi32>
    %mul3A_982 = arith.constant 2 : i32
    %mul3A_983 = vector.broadcast %mul3A_982 : i32 to vector<16xi32>
    %mul3A_984 = arith.muli %get3A_981, %mul3A_983 : vector<16xi32>
    %add3A_985 = arith.addi %mul3A_984, %add3A_5 : vector<16xi32>
    %swap3A_986 = arith.constant 10 : i32
    %swap3A_987 = arith.index_cast %swap3A_986 : i32 to index
    %swap3A_988 = arith.constant 16 : index
    %swap3A_989 = tpu.vector_load %arg6[%swap3A_987, %swap3A_988] {strides = array<i32>} : memref<250x80xi32, #tpu.memory_space<vmem>>, vector<1x16xi32>,
    %swap3A_990 = vector.shape_cast %swap3A_989 : vector<1x16xi32> to vector<16xi32>
    %swap3A_991 = vector.shape_cast %add3A_985 : vector<16xi32> to vector<1x16xi32>
    tpu.vector_store %arg6[%swap3A_987, %swap3A_988], %swap3A_991 {strides = array<i32>} : memref<250x80xi32, #tpu.memory_space<vmem>>, vector<1x16xi32>,
    %get3A_992 = arith.constant 10 : i32
    %get3A_993 = arith.index_cast %get3A_992 : i32 to index
    %get3A_994 = arith.constant 32 : index
    %get3A_995 = tpu.vector_load %arg6[%get3A_993, %get3A_994] {strides = array<i32>} : memref<250x80xi32, #tpu.memory_space<vmem>>, vector<1x16xi32>,
    %get3A_996 = vector.shape_cast %get3A_995 : vector<1x16xi32> to vector<16xi32>
    %mul3A_997 = arith.constant 2 : i32
    %mul3A_998 = vector.broadcast %mul3A_997 : i32 to vector<16xi32>
    %mul3A_999 = arith.muli %get3A_996, %mul3A_998 : vector<16xi32>
    %add3A_1000 = arith.addi %mul3A_999, %add3A_5 : vector<16xi32>
    %swap3A_1001 = arith.constant 10 : i32
    %swap3A_1002 = arith.index_cast %swap3A_1001 : i32 to index
    %swap3A_1003 = arith.constant 32 : index
    %swap3A_1004 = tpu.vector_load %arg6[%swap3A_1002, %swap3A_1003] {strides = array<i32>} : memref<250x80xi32, #tpu.memory_space<vmem>>, vector<1x16xi32>,
    %swap3A_1005 = vector.shape_cast %swap3A_1004 : vector<1x16xi32> to vector<16xi32>
    %swap3A_1006 = vector.shape_cast %add3A_1000 : vector<16xi32> to vector<1x16xi32>
    tpu.vector_store %arg6[%swap3A_1002, %swap3A_1003], %swap3A_1006 {strides = array<i32>} : memref<250x80xi32, #tpu.memory_space<vmem>>, vector<1x16xi32>,
    %get3A_1007 = arith.constant 10 : i32
    %get3A_1008 = arith.index_cast %get3A_1007 : i32 to index
    %get3A_1009 = arith.constant 48 : index
    %get3A_1010 = tpu.vector_load %arg6[%get3A_1008, %get3A_1009] {strides = array<i32>} : memref<250x80xi32, #tpu.memory_space<vmem>>, vector<1x16xi32>,
    %get3A_1011 = vector.shape_cast %get3A_1010 : vector<1x16xi32> to vector<16xi32>
    %mul3A_1012 = arith.constant 2 : i32
    %mul3A_1013 = vector.broadcast %mul3A_1012 : i32 to vector<16xi32>
    %mul3A_1014 = arith.muli %get3A_1011, %mul3A_1013 : vector<16xi32>
    %add3A_1015 = arith.addi %mul3A_1014, %add3A_5 : vector<16xi32>
    %swap3A_1016 = arith.constant 10 : i32
    %swap3A_1017 = arith.index_cast %swap3A_1016 : i32 to index
    %swap3A_1018 = arith.constant 48 : index
    %swap3A_1019 = tpu.vector_load %arg6[%swap3A_1017, %swap3A_1018] {strides = array<i32>} : memref<250x80xi32, #tpu.memory_space<vmem>>, vector<1x16xi32>,
    %swap3A_1020 = vector.shape_cast %swap3A_1019 : vector<1x16xi32> to vector<16xi32>
    %swap3A_1021 = vector.shape_cast %add3A_1015 : vector<16xi32> to vector<1x16xi32>
    tpu.vector_store %arg6[%swap3A_1017, %swap3A_1018], %swap3A_1021 {strides = array<i32>} : memref<250x80xi32, #tpu.memory_space<vmem>>, vector<1x16xi32>,
    %get3A_1022 = arith.constant 10 : i32
    %get3A_1023 = arith.index_cast %get3A_1022 : i32 to index
    %get3A_1024 = arith.constant 64 : index
    %get3A_1025 = tpu.vector_load %arg6[%get3A_1023, %get3A_1024] {strides = array<i32>} : memref<250x80xi32, #tpu.memory_space<vmem>>, vector<1x16xi32>,
    %get3A_1026 = vector.shape_cast %get3A_1025 : vector<1x16xi32> to vector<16xi32>
    %mul3A_1027 = arith.constant 2 : i32
    %mul3A_1028 = vector.broadcast %mul3A_1027 : i32 to vector<16xi32>
    %mul3A_1029 = arith.muli %get3A_1026, %mul3A_1028 : vector<16xi32>
    %add3A_1030 = arith.addi %mul3A_1029, %add3A_5 : vector<16xi32>
    %swap3A_1031 = arith.constant 10 : i32
    %swap3A_1032 = arith.index_cast %swap3A_1031 : i32 to index
    %swap3A_1033 = arith.constant 64 : index
    %swap3A_1034 = tpu.vector_load %arg6[%swap3A_1032, %swap3A_1033] {strides = array<i32>} : memref<250x80xi32, #tpu.memory_space<vmem>>, vector<1x16xi32>,
    %swap3A_1035 = vector.shape_cast %swap3A_1034 : vector<1x16xi32> to vector<16xi32>
    %swap3A_1036 = vector.shape_cast %add3A_1030 : vector<16xi32> to vector<1x16xi32>
    tpu.vector_store %arg6[%swap3A_1032, %swap3A_1033], %swap3A_1036 {strides = array<i32>} : memref<250x80xi32, #tpu.memory_space<vmem>>, vector<1x16xi32>,
    %dma_wait3A_1037 = arith.constant 5 : i32
    %dma_wait3A_1038 = arith.constant 0 : i32
    %dma_wait3A_1039 = tpu.memref_slice %arg6[%dma_wait3A_1037, %dma_wait3A_1038] : memref<250x80xi32, #tpu.memory_space<vmem>> -> memref<1x80xi32, #tpu.memory_space<vmem>>
    %dma_wait3A_1040 = tpu.memref_squeeze %dma_wait3A_1039 : memref<1x80xi32, #tpu.memory_space<vmem>> -> memref<80xi32, #tpu.memory_space<vmem>>
    %dma_wait3A_1041 = arith.constant 0 : i32
    %dma_wait3A_1042 = arith.constant 0 : i32
    %dma_wait3A_1043 = tpu.memref_slice %arg2[%dma_wait3A_1041, %dma_wait3A_1042] : memref<20000x64xf32, #tpu.memory_space<hbm>> -> memref<20000x64xf32, #tpu.memory_space<hbm>>
    tpu.wait_indirect_dma semaphore(%arg12 : memref<!tpu.dma_semaphore, #tpu.memory_space<semaphore_mem>>) src(%dma_wait3A_1043 : memref<20000x64xf32, #tpu.memory_space<hbm>>) dst(%arg20 : memref<80x64xf32, #tpu.memory_space<vmem>>)
    %dma_start3A_1044 = arith.constant 5 : i32
    %dma_start3A_1045 = arith.constant 0 : i32
    %dma_start3A_1046 = tpu.memref_slice %arg7[%dma_start3A_1044, %dma_start3A_1045] : memref<250x80xi32, #tpu.memory_space<vmem>> -> memref<1x80xi32, #tpu.memory_space<vmem>>
    %dma_start3A_1047 = tpu.memref_squeeze %dma_start3A_1046 : memref<1x80xi32, #tpu.memory_space<vmem>> -> memref<80xi32, #tpu.memory_space<vmem>>
    %dma_start3A_1048 = arith.constant 0 : i32
    %dma_start3A_1049 = arith.constant 0 : i32
    %dma_start3A_1050 = tpu.memref_slice %arg10[%dma_start3A_1048, %dma_start3A_1049] : memref<10240x64xf32, #tpu.memory_space<vmem_shared>> -> memref<10240x64xf32, #tpu.memory_space<vmem_shared>>
    tpu.enqueue_indirect_dma source(%arg20 : memref<80x64xf32, #tpu.memory_space<vmem>>) target(%dma_start3A_1050 : memref<10240x64xf32, #tpu.memory_space<vmem_shared>>) offsets(%dma_start3A_1047 : memref<80xi32, #tpu.memory_space<vmem>>) semaphore(%arg13 : memref<!tpu.dma_semaphore, #tpu.memory_space<semaphore_mem>>) {add = true}
    %dma_wait3A_1051 = arith.constant 0 : i32
    %dma_wait3A_1052 = arith.constant 0 : i32
    %dma_wait3A_1053 = tpu.memref_slice %arg7[%dma_wait3A_1051, %dma_wait3A_1052] : memref<250x80xi32, #tpu.memory_space<vmem>> -> memref<1x80xi32, #tpu.memory_space<vmem>>
    %dma_wait3A_1054 = tpu.memref_squeeze %dma_wait3A_1053 : memref<1x80xi32, #tpu.memory_space<vmem>> -> memref<80xi32, #tpu.memory_space<vmem>>
    %dma_wait3A_1055 = arith.constant 0 : i32
    %dma_wait3A_1056 = arith.constant 0 : i32
    %dma_wait3A_1057 = tpu.memref_slice %arg10[%dma_wait3A_1055, %dma_wait3A_1056] : memref<10240x64xf32, #tpu.memory_space<vmem_shared>> -> memref<10240x64xf32, #tpu.memory_space<vmem_shared>>
    tpu.wait_indirect_dma semaphore(%arg13 : memref<!tpu.dma_semaphore, #tpu.memory_space<semaphore_mem>>) src(%arg15 : memref<80x64xf32, #tpu.memory_space<vmem>>) dst(%dma_wait3A_1057 : memref<10240x64xf32, #tpu.memory_space<vmem_shared>>)
    %dma_start3A_1058 = arith.constant 10 : i32
    %dma_start3A_1059 = arith.constant 0 : i32
    %dma_start3A_1060 = tpu.memref_slice %arg6[%dma_start3A_1058, %dma_start3A_1059] : memref<250x80xi32, #tpu.memory_space<vmem>> -> memref<1x80xi32, #tpu.memory_space<vmem>>
    %dma_start3A_1061 = tpu.memref_squeeze %dma_start3A_1060 : memref<1x80xi32, #tpu.memory_space<vmem>> -> memref<80xi32, #tpu.memory_space<vmem>>
    %dma_start3A_1062 = arith.constant 0 : i32
    %dma_start3A_1063 = arith.constant 0 : i32
    %dma_start3A_1064 = tpu.memref_slice %arg2[%dma_start3A_1062, %dma_start3A_1063] : memref<20000x64xf32, #tpu.memory_space<hbm>> -> memref<20000x64xf32, #tpu.memory_space<hbm>>
    tpu.enqueue_indirect_dma source(%dma_start3A_1064 : memref<20000x64xf32, #tpu.memory_space<hbm>>) target(%arg18 : memref<80x64xf32, #tpu.memory_space<vmem>>) offsets(%dma_start3A_1061 : memref<80xi32, #tpu.memory_space<vmem>>) semaphore(%arg12 : memref<!tpu.dma_semaphore, #tpu.memory_space<semaphore_mem>>)
    %get3A_1065 = arith.constant 11 : i32
    %get3A_1066 = arith.index_cast %get3A_1065 : i32 to index
    %get3A_1067 = arith.constant 0 : index
    %get3A_1068 = tpu.vector_load %arg6[%get3A_1066, %get3A_1067] {strides = array<i32>} : memref<250x80xi32, #tpu.memory_space<vmem>>, vector<1x16xi32>,
    %get3A_1069 = vector.shape_cast %get3A_1068 : vector<1x16xi32> to vector<16xi32>
    %mul3A_1070 = arith.constant 2 : i32
    %mul3A_1071 = vector.broadcast %mul3A_1070 : i32 to vector<16xi32>
    %mul3A_1072 = arith.muli %get3A_1069, %mul3A_1071 : vector<16xi32>
    %add3A_1073 = arith.addi %mul3A_1072, %add3A_5 : vector<16xi32>
    %swap3A_1074 = arith.constant 11 : i32
    %swap3A_1075 = arith.index_cast %swap3A_1074 : i32 to index
    %swap3A_1076 = arith.constant 0 : index
    %swap3A_1077 = tpu.vector_load %arg6[%swap3A_1075, %swap3A_1076] {strides = array<i32>} : memref<250x80xi32, #tpu.memory_space<vmem>>, vector<1x16xi32>,
    %swap3A_1078 = vector.shape_cast %swap3A_1077 : vector<1x16xi32> to vector<16xi32>
    %swap3A_1079 = vector.shape_cast %add3A_1073 : vector<16xi32> to vector<1x16xi32>
    tpu.vector_store %arg6[%swap3A_1075, %swap3A_1076], %swap3A_1079 {strides = array<i32>} : memref<250x80xi32, #tpu.memory_space<vmem>>, vector<1x16xi32>,
    %get3A_1080 = arith.constant 11 : i32
    %get3A_1081 = arith.index_cast %get3A_1080 : i32 to index
    %get3A_1082 = arith.constant 16 : index
    %get3A_1083 = tpu.vector_load %arg6[%get3A_1081, %get3A_1082] {strides = array<i32>} : memref<250x80xi32, #tpu.memory_space<vmem>>, vector<1x16xi32>,
    %get3A_1084 = vector.shape_cast %get3A_1083 : vector<1x16xi32> to vector<16xi32>
    %mul3A_1085 = arith.constant 2 : i32
    %mul3A_1086 = vector.broadcast %mul3A_1085 : i32 to vector<16xi32>
    %mul3A_1087 = arith.muli %get3A_1084, %mul3A_1086 : vector<16xi32>
    %add3A_1088 = arith.addi %mul3A_1087, %add3A_5 : vector<16xi32>
    %swap3A_1089 = arith.constant 11 : i32
    %swap3A_1090 = arith.index_cast %swap3A_1089 : i32 to index
    %swap3A_1091 = arith.constant 16 : index
    %swap3A_1092 = tpu.vector_load %arg6[%swap3A_1090, %swap3A_1091] {strides = array<i32>} : memref<250x80xi32, #tpu.memory_space<vmem>>, vector<1x16xi32>,
    %swap3A_1093 = vector.shape_cast %swap3A_1092 : vector<1x16xi32> to vector<16xi32>
    %swap3A_1094 = vector.shape_cast %add3A_1088 : vector<16xi32> to vector<1x16xi32>
    tpu.vector_store %arg6[%swap3A_1090, %swap3A_1091], %swap3A_1094 {strides = array<i32>} : memref<250x80xi32, #tpu.memory_space<vmem>>, vector<1x16xi32>,
    %get3A_1095 = arith.constant 11 : i32
    %get3A_1096 = arith.index_cast %get3A_1095 : i32 to index
    %get3A_1097 = arith.constant 32 : index
    %get3A_1098 = tpu.vector_load %arg6[%get3A_1096, %get3A_1097] {strides = array<i32>} : memref<250x80xi32, #tpu.memory_space<vmem>>, vector<1x16xi32>,
    %get3A_1099 = vector.shape_cast %get3A_1098 : vector<1x16xi32> to vector<16xi32>
    %mul3A_1100 = arith.constant 2 : i32
    %mul3A_1101 = vector.broadcast %mul3A_1100 : i32 to vector<16xi32>
    %mul3A_1102 = arith.muli %get3A_1099, %mul3A_1101 : vector<16xi32>
    %add3A_1103 = arith.addi %mul3A_1102, %add3A_5 : vector<16xi32>
    %swap3A_1104 = arith.constant 11 : i32
    %swap3A_1105 = arith.index_cast %swap3A_1104 : i32 to index
    %swap3A_1106 = arith.constant 32 : index
    %swap3A_1107 = tpu.vector_load %arg6[%swap3A_1105, %swap3A_1106] {strides = array<i32>} : memref<250x80xi32, #tpu.memory_space<vmem>>, vector<1x16xi32>,
    %swap3A_1108 = vector.shape_cast %swap3A_1107 : vector<1x16xi32> to vector<16xi32>
    %swap3A_1109 = vector.shape_cast %add3A_1103 : vector<16xi32> to vector<1x16xi32>
    tpu.vector_store %arg6[%swap3A_1105, %swap3A_1106], %swap3A_1109 {strides = array<i32>} : memref<250x80xi32, #tpu.memory_space<vmem>>, vector<1x16xi32>,
    %get3A_1110 = arith.constant 11 : i32
    %get3A_1111 = arith.index_cast %get3A_1110 : i32 to index
    %get3A_1112 = arith.constant 48 : index
    %get3A_1113 = tpu.vector_load %arg6[%get3A_1111, %get3A_1112] {strides = array<i32>} : memref<250x80xi32, #tpu.memory_space<vmem>>, vector<1x16xi32>,
    %get3A_1114 = vector.shape_cast %get3A_1113 : vector<1x16xi32> to vector<16xi32>
    %mul3A_1115 = arith.constant 2 : i32
    %mul3A_1116 = vector.broadcast %mul3A_1115 : i32 to vector<16xi32>
    %mul3A_1117 = arith.muli %get3A_1114, %mul3A_1116 : vector<16xi32>
    %add3A_1118 = arith.addi %mul3A_1117, %add3A_5 : vector<16xi32>
    %swap3A_1119 = arith.constant 11 : i32
    %swap3A_1120 = arith.index_cast %swap3A_1119 : i32 to index
    %swap3A_1121 = arith.constant 48 : index
    %swap3A_1122 = tpu.vector_load %arg6[%swap3A_1120, %swap3A_1121] {strides = array<i32>} : memref<250x80xi32, #tpu.memory_space<vmem>>, vector<1x16xi32>,
    %swap3A_1123 = vector.shape_cast %swap3A_1122 : vector<1x16xi32> to vector<16xi32>
    %swap3A_1124 = vector.shape_cast %add3A_1118 : vector<16xi32> to vector<1x16xi32>
    tpu.vector_store %arg6[%swap3A_1120, %swap3A_1121], %swap3A_1124 {strides = array<i32>} : memref<250x80xi32, #tpu.memory_space<vmem>>, vector<1x16xi32>,
    %get3A_1125 = arith.constant 11 : i32
    %get3A_1126 = arith.index_cast %get3A_1125 : i32 to index
    %get3A_1127 = arith.constant 64 : index
    %get3A_1128 = tpu.vector_load %arg6[%get3A_1126, %get3A_1127] {strides = array<i32>} : memref<250x80xi32, #tpu.memory_space<vmem>>, vector<1x16xi32>,
    %get3A_1129 = vector.shape_cast %get3A_1128 : vector<1x16xi32> to vector<16xi32>
    %mul3A_1130 = arith.constant 2 : i32
    %mul3A_1131 = vector.broadcast %mul3A_1130 : i32 to vector<16xi32>
    %mul3A_1132 = arith.muli %get3A_1129, %mul3A_1131 : vector<16xi32>
    %add3A_1133 = arith.addi %mul3A_1132, %add3A_5 : vector<16xi32>
    %swap3A_1134 = arith.constant 11 : i32
    %swap3A_1135 = arith.index_cast %swap3A_1134 : i32 to index
    %swap3A_1136 = arith.constant 64 : index
    %swap3A_1137 = tpu.vector_load %arg6[%swap3A_1135, %swap3A_1136] {strides = array<i32>} : memref<250x80xi32, #tpu.memory_space<vmem>>, vector<1x16xi32>,
    %swap3A_1138 = vector.shape_cast %swap3A_1137 : vector<1x16xi32> to vector<16xi32>
    %swap3A_1139 = vector.shape_cast %add3A_1133 : vector<16xi32> to vector<1x16xi32>
    tpu.vector_store %arg6[%swap3A_1135, %swap3A_1136], %swap3A_1139 {strides = array<i32>} : memref<250x80xi32, #tpu.memory_space<vmem>>, vector<1x16xi32>,
    %dma_wait3A_1140 = arith.constant 6 : i32
    %dma_wait3A_1141 = arith.constant 0 : i32
    %dma_wait3A_1142 = tpu.memref_slice %arg6[%dma_wait3A_1140, %dma_wait3A_1141] : memref<250x80xi32, #tpu.memory_space<vmem>> -> memref<1x80xi32, #tpu.memory_space<vmem>>
    %dma_wait3A_1143 = tpu.memref_squeeze %dma_wait3A_1142 : memref<1x80xi32, #tpu.memory_space<vmem>> -> memref<80xi32, #tpu.memory_space<vmem>>
    %dma_wait3A_1144 = arith.constant 0 : i32
    %dma_wait3A_1145 = arith.constant 0 : i32
    %dma_wait3A_1146 = tpu.memref_slice %arg2[%dma_wait3A_1144, %dma_wait3A_1145] : memref<20000x64xf32, #tpu.memory_space<hbm>> -> memref<20000x64xf32, #tpu.memory_space<hbm>>
    tpu.wait_indirect_dma semaphore(%arg12 : memref<!tpu.dma_semaphore, #tpu.memory_space<semaphore_mem>>) src(%dma_wait3A_1146 : memref<20000x64xf32, #tpu.memory_space<hbm>>) dst(%arg21 : memref<80x64xf32, #tpu.memory_space<vmem>>)
    %dma_start3A_1147 = arith.constant 6 : i32
    %dma_start3A_1148 = arith.constant 0 : i32
    %dma_start3A_1149 = tpu.memref_slice %arg7[%dma_start3A_1147, %dma_start3A_1148] : memref<250x80xi32, #tpu.memory_space<vmem>> -> memref<1x80xi32, #tpu.memory_space<vmem>>
    %dma_start3A_1150 = tpu.memref_squeeze %dma_start3A_1149 : memref<1x80xi32, #tpu.memory_space<vmem>> -> memref<80xi32, #tpu.memory_space<vmem>>
    %dma_start3A_1151 = arith.constant 0 : i32
    %dma_start3A_1152 = arith.constant 0 : i32
    %dma_start3A_1153 = tpu.memref_slice %arg10[%dma_start3A_1151, %dma_start3A_1152] : memref<10240x64xf32, #tpu.memory_space<vmem_shared>> -> memref<10240x64xf32, #tpu.memory_space<vmem_shared>>
    tpu.enqueue_indirect_dma source(%arg21 : memref<80x64xf32, #tpu.memory_space<vmem>>) target(%dma_start3A_1153 : memref<10240x64xf32, #tpu.memory_space<vmem_shared>>) offsets(%dma_start3A_1150 : memref<80xi32, #tpu.memory_space<vmem>>) semaphore(%arg13 : memref<!tpu.dma_semaphore, #tpu.memory_space<semaphore_mem>>) {add = true}
    %dma_wait3A_1154 = arith.constant 0 : i32
    %dma_wait3A_1155 = arith.constant 0 : i32
    %dma_wait3A_1156 = tpu.memref_slice %arg7[%dma_wait3A_1154, %dma_wait3A_1155] : memref<250x80xi32, #tpu.memory_space<vmem>> -> memref<1x80xi32, #tpu.memory_space<vmem>>
    %dma_wait3A_1157 = tpu.memref_squeeze %dma_wait3A_1156 : memref<1x80xi32, #tpu.memory_space<vmem>> -> memref<80xi32, #tpu.memory_space<vmem>>
    %dma_wait3A_1158 = arith.constant 0 : i32
    %dma_wait3A_1159 = arith.constant 0 : i32
    %dma_wait3A_1160 = tpu.memref_slice %arg10[%dma_wait3A_1158, %dma_wait3A_1159] : memref<10240x64xf32, #tpu.memory_space<vmem_shared>> -> memref<10240x64xf32, #tpu.memory_space<vmem_shared>>
    tpu.wait_indirect_dma semaphore(%arg13 : memref<!tpu.dma_semaphore, #tpu.memory_space<semaphore_mem>>) src(%arg15 : memref<80x64xf32, #tpu.memory_space<vmem>>) dst(%dma_wait3A_1160 : memref<10240x64xf32, #tpu.memory_space<vmem_shared>>)
    %dma_start3A_1161 = arith.constant 11 : i32
    %dma_start3A_1162 = arith.constant 0 : i32
    %dma_start3A_1163 = tpu.memref_slice %arg6[%dma_start3A_1161, %dma_start3A_1162] : memref<250x80xi32, #tpu.memory_space<vmem>> -> memref<1x80xi32, #tpu.memory_space<vmem>>
    %dma_start3A_1164 = tpu.memref_squeeze %dma_start3A_1163 : memref<1x80xi32, #tpu.memory_space<vmem>> -> memref<80xi32, #tpu.memory_space<vmem>>
    %dma_start3A_1165 = arith.constant 0 : i32
    %dma_start3A_1166 = arith.constant 0 : i32
    %dma_start3A_1167 = tpu.memref_slice %arg2[%dma_start3A_1165, %dma_start3A_1166] : memref<20000x64xf32, #tpu.memory_space<hbm>> -> memref<20000x64xf32, #tpu.memory_space<hbm>>
    tpu.enqueue_indirect_dma source(%dma_start3A_1167 : memref<20000x64xf32, #tpu.memory_space<hbm>>) target(%arg19 : memref<80x64xf32, #tpu.memory_space<vmem>>) offsets(%dma_start3A_1164 : memref<80xi32, #tpu.memory_space<vmem>>) semaphore(%arg12 : memref<!tpu.dma_semaphore, #tpu.memory_space<semaphore_mem>>)
    %scan3A_1168 = arith.constant 0 : i32
    %scan3A_1169 = arith.constant 34 : i32
    %scan3A_1170 = arith.addi %scan3A_1168, %scan3A_1169 : i32
    %scan3A_1171 = arith.constant 1 : i32
    scf.for %scan3A_1271 = %scan3A_1168 to %scan3A_1170 step %scan3A_1171  : i32 {
      %mul3A_1272 = arith.constant 7 : i32
      %mul3A_1273 = arith.muli %scan3A_1271, %mul3A_1272 : i32
      %add3A_1274 = arith.constant 7 : i32
      %add3A_1275 = arith.addi %add3A_1274, %mul3A_1273 : i32
      %add3A_1276 = arith.constant 0 : i32
      %add3A_1277 = arith.addi %add3A_1275, %add3A_1276 : i32
      %add3A_1278 = arith.constant 5 : i32
      %add3A_1279 = arith.addi %add3A_1277, %add3A_1278 : i32
      %get3A_1280 = arith.index_cast %add3A_1279 : i32 to index
      %get3A_1281 = arith.constant 0 : index
      %get3A_1282 = tpu.vector_load %arg6[%get3A_1280, %get3A_1281] {strides = array<i32>} : memref<250x80xi32, #tpu.memory_space<vmem>>, vector<1x16xi32>,
      %get3A_1283 = vector.shape_cast %get3A_1282 : vector<1x16xi32> to vector<16xi32>
      %mul3A_1284 = arith.constant 2 : i32
      %mul3A_1285 = vector.broadcast %mul3A_1284 : i32 to vector<16xi32>
      %mul3A_1286 = arith.muli %get3A_1283, %mul3A_1285 : vector<16xi32>
      %add3A_1287 = arith.addi %mul3A_1286, %add3A_5 : vector<16xi32>
      %swap3A_1288 = arith.index_cast %add3A_1279 : i32 to index
      %swap3A_1289 = arith.constant 0 : index
      %swap3A_1290 = tpu.vector_load %arg6[%swap3A_1288, %swap3A_1289] {strides = array<i32>} : memref<250x80xi32, #tpu.memory_space<vmem>>, vector<1x16xi32>,
      %swap3A_1291 = vector.shape_cast %swap3A_1290 : vector<1x16xi32> to vector<16xi32>
      %swap3A_1292 = vector.shape_cast %add3A_1287 : vector<16xi32> to vector<1x16xi32>
      tpu.vector_store %arg6[%swap3A_1288, %swap3A_1289], %swap3A_1292 {strides = array<i32>} : memref<250x80xi32, #tpu.memory_space<vmem>>, vector<1x16xi32>,
      %get3A_1293 = arith.index_cast %add3A_1279 : i32 to index
      %get3A_1294 = arith.constant 16 : index
      %get3A_1295 = tpu.vector_load %arg6[%get3A_1293, %get3A_1294] {strides = array<i32>} : memref<250x80xi32, #tpu.memory_space<vmem>>, vector<1x16xi32>,
      %get3A_1296 = vector.shape_cast %get3A_1295 : vector<1x16xi32> to vector<16xi32>
      %mul3A_1297 = arith.constant 2 : i32
      %mul3A_1298 = vector.broadcast %mul3A_1297 : i32 to vector<16xi32>
      %mul3A_1299 = arith.muli %get3A_1296, %mul3A_1298 : vector<16xi32>
      %add3A_1300 = arith.addi %mul3A_1299, %add3A_5 : vector<16xi32>
      %swap3A_1301 = arith.index_cast %add3A_1279 : i32 to index
      %swap3A_1302 = arith.constant 16 : index
      %swap3A_1303 = tpu.vector_load %arg6[%swap3A_1301, %swap3A_1302] {strides = array<i32>} : memref<250x80xi32, #tpu.memory_space<vmem>>, vector<1x16xi32>,
      %swap3A_1304 = vector.shape_cast %swap3A_1303 : vector<1x16xi32> to vector<16xi32>
      %swap3A_1305 = vector.shape_cast %add3A_1300 : vector<16xi32> to vector<1x16xi32>
      tpu.vector_store %arg6[%swap3A_1301, %swap3A_1302], %swap3A_1305 {strides = array<i32>} : memref<250x80xi32, #tpu.memory_space<vmem>>, vector<1x16xi32>,
      %get3A_1306 = arith.index_cast %add3A_1279 : i32 to index
      %get3A_1307 = arith.constant 32 : index
      %get3A_1308 = tpu.vector_load %arg6[%get3A_1306, %get3A_1307] {strides = array<i32>} : memref<250x80xi32, #tpu.memory_space<vmem>>, vector<1x16xi32>,
      %get3A_1309 = vector.shape_cast %get3A_1308 : vector<1x16xi32> to vector<16xi32>
      %mul3A_1310 = arith.constant 2 : i32
      %mul3A_1311 = vector.broadcast %mul3A_1310 : i32 to vector<16xi32>
      %mul3A_1312 = arith.muli %get3A_1309, %mul3A_1311 : vector<16xi32>
      %add3A_1313 = arith.addi %mul3A_1312, %add3A_5 : vector<16xi32>
      %swap3A_1314 = arith.index_cast %add3A_1279 : i32 to index
      %swap3A_1315 = arith.constant 32 : index
      %swap3A_1316 = tpu.vector_load %arg6[%swap3A_1314, %swap3A_1315] {strides = array<i32>} : memref<250x80xi32, #tpu.memory_space<vmem>>, vector<1x16xi32>,
      %swap3A_1317 = vector.shape_cast %swap3A_1316 : vector<1x16xi32> to vector<16xi32>
      %swap3A_1318 = vector.shape_cast %add3A_1313 : vector<16xi32> to vector<1x16xi32>
      tpu.vector_store %arg6[%swap3A_1314, %swap3A_1315], %swap3A_1318 {strides = array<i32>} : memref<250x80xi32, #tpu.memory_space<vmem>>, vector<1x16xi32>,
      %get3A_1319 = arith.index_cast %add3A_1279 : i32 to index
      %get3A_1320 = arith.constant 48 : index
      %get3A_1321 = tpu.vector_load %arg6[%get3A_1319, %get3A_1320] {strides = array<i32>} : memref<250x80xi32, #tpu.memory_space<vmem>>, vector<1x16xi32>,
      %get3A_1322 = vector.shape_cast %get3A_1321 : vector<1x16xi32> to vector<16xi32>
      %mul3A_1323 = arith.constant 2 : i32
      %mul3A_1324 = vector.broadcast %mul3A_1323 : i32 to vector<16xi32>
      %mul3A_1325 = arith.muli %get3A_1322, %mul3A_1324 : vector<16xi32>
      %add3A_1326 = arith.addi %mul3A_1325, %add3A_5 : vector<16xi32>
      %swap3A_1327 = arith.index_cast %add3A_1279 : i32 to index
      %swap3A_1328 = arith.constant 48 : index
      %swap3A_1329 = tpu.vector_load %arg6[%swap3A_1327, %swap3A_1328] {strides = array<i32>} : memref<250x80xi32, #tpu.memory_space<vmem>>, vector<1x16xi32>,
      %swap3A_1330 = vector.shape_cast %swap3A_1329 : vector<1x16xi32> to vector<16xi32>
      %swap3A_1331 = vector.shape_cast %add3A_1326 : vector<16xi32> to vector<1x16xi32>
      tpu.vector_store %arg6[%swap3A_1327, %swap3A_1328], %swap3A_1331 {strides = array<i32>} : memref<250x80xi32, #tpu.memory_space<vmem>>, vector<1x16xi32>,
      %get3A_1332 = arith.index_cast %add3A_1279 : i32 to index
      %get3A_1333 = arith.constant 64 : index
      %get3A_1334 = tpu.vector_load %arg6[%get3A_1332, %get3A_1333] {strides = array<i32>} : memref<250x80xi32, #tpu.memory_space<vmem>>, vector<1x16xi32>,
      %get3A_1335 = vector.shape_cast %get3A_1334 : vector<1x16xi32> to vector<16xi32>
      %mul3A_1336 = arith.constant 2 : i32
      %mul3A_1337 = vector.broadcast %mul3A_1336 : i32 to vector<16xi32>
      %mul3A_1338 = arith.muli %get3A_1335, %mul3A_1337 : vector<16xi32>
      %add3A_1339 = arith.addi %mul3A_1338, %add3A_5 : vector<16xi32>
      %swap3A_1340 = arith.index_cast %add3A_1279 : i32 to index
      %swap3A_1341 = arith.constant 64 : index
      %swap3A_1342 = tpu.vector_load %arg6[%swap3A_1340, %swap3A_1341] {strides = array<i32>} : memref<250x80xi32, #tpu.memory_space<vmem>>, vector<1x16xi32>,
      %swap3A_1343 = vector.shape_cast %swap3A_1342 : vector<1x16xi32> to vector<16xi32>
      %swap3A_1344 = vector.shape_cast %add3A_1339 : vector<16xi32> to vector<1x16xi32>
      tpu.vector_store %arg6[%swap3A_1340, %swap3A_1341], %swap3A_1344 {strides = array<i32>} : memref<250x80xi32, #tpu.memory_space<vmem>>, vector<1x16xi32>,
      %dma_wait3A_1345 = arith.constant 0 : i32
      %dma_wait3A_1346 = tpu.memref_slice %arg6[%add3A_1277, %dma_wait3A_1345] : memref<250x80xi32, #tpu.memory_space<vmem>> -> memref<1x80xi32, #tpu.memory_space<vmem>>
      %dma_wait3A_1347 = tpu.memref_squeeze %dma_wait3A_1346 : memref<1x80xi32, #tpu.memory_space<vmem>> -> memref<80xi32, #tpu.memory_space<vmem>>
      %dma_wait3A_1348 = arith.constant 0 : i32
      %dma_wait3A_1349 = arith.constant 0 : i32
      %dma_wait3A_1350 = tpu.memref_slice %arg2[%dma_wait3A_1348, %dma_wait3A_1349] : memref<20000x64xf32, #tpu.memory_space<hbm>> -> memref<20000x64xf32, #tpu.memory_space<hbm>>
      tpu.wait_indirect_dma semaphore(%arg12 : memref<!tpu.dma_semaphore, #tpu.memory_space<semaphore_mem>>) src(%dma_wait3A_1350 : memref<20000x64xf32, #tpu.memory_space<hbm>>) dst(%arg15 : memref<80x64xf32, #tpu.memory_space<vmem>>)
      %dma_start3A_1351 = arith.constant 0 : i32
      %dma_start3A_1352 = tpu.memref_slice %arg7[%add3A_1277, %dma_start3A_1351] : memref<250x80xi32, #tpu.memory_space<vmem>> -> memref<1x80xi32, #tpu.memory_space<vmem>>
      %dma_start3A_1353 = tpu.memref_squeeze %dma_start3A_1352 : memref<1x80xi32, #tpu.memory_space<vmem>> -> memref<80xi32, #tpu.memory_space<vmem>>
      %dma_start3A_1354 = arith.constant 0 : i32
      %dma_start3A_1355 = arith.constant 0 : i32
      %dma_start3A_1356 = tpu.memref_slice %arg10[%dma_start3A_1354, %dma_start3A_1355] : memref<10240x64xf32, #tpu.memory_space<vmem_shared>> -> memref<10240x64xf32, #tpu.memory_space<vmem_shared>>
      tpu.enqueue_indirect_dma source(%arg15 : memref<80x64xf32, #tpu.memory_space<vmem>>) target(%dma_start3A_1356 : memref<10240x64xf32, #tpu.memory_space<vmem_shared>>) offsets(%dma_start3A_1353 : memref<80xi32, #tpu.memory_space<vmem>>) semaphore(%arg13 : memref<!tpu.dma_semaphore, #tpu.memory_space<semaphore_mem>>) {add = true}
      %dma_wait3A_1357 = arith.constant 0 : i32
      %dma_wait3A_1358 = arith.constant 0 : i32
      %dma_wait3A_1359 = tpu.memref_slice %arg7[%dma_wait3A_1357, %dma_wait3A_1358] : memref<250x80xi32, #tpu.memory_space<vmem>> -> memref<1x80xi32, #tpu.memory_space<vmem>>
      %dma_wait3A_1360 = tpu.memref_squeeze %dma_wait3A_1359 : memref<1x80xi32, #tpu.memory_space<vmem>> -> memref<80xi32, #tpu.memory_space<vmem>>
      %dma_wait3A_1361 = arith.constant 0 : i32
      %dma_wait3A_1362 = arith.constant 0 : i32
      %dma_wait3A_1363 = tpu.memref_slice %arg10[%dma_wait3A_1361, %dma_wait3A_1362] : memref<10240x64xf32, #tpu.memory_space<vmem_shared>> -> memref<10240x64xf32, #tpu.memory_space<vmem_shared>>
      tpu.wait_indirect_dma semaphore(%arg13 : memref<!tpu.dma_semaphore, #tpu.memory_space<semaphore_mem>>) src(%arg15 : memref<80x64xf32, #tpu.memory_space<vmem>>) dst(%dma_wait3A_1363 : memref<10240x64xf32, #tpu.memory_space<vmem_shared>>)
      %add3A_1364 = arith.constant 5 : i32
      %add3A_1365 = arith.addi %add3A_1277, %add3A_1364 : i32
      %dma_start3A_1366 = arith.constant 0 : i32
      %dma_start3A_1367 = tpu.memref_slice %arg6[%add3A_1365, %dma_start3A_1366] : memref<250x80xi32, #tpu.memory_space<vmem>> -> memref<1x80xi32, #tpu.memory_space<vmem>>
      %dma_start3A_1368 = tpu.memref_squeeze %dma_start3A_1367 : memref<1x80xi32, #tpu.memory_space<vmem>> -> memref<80xi32, #tpu.memory_space<vmem>>
      %dma_start3A_1369 = arith.constant 0 : i32
      %dma_start3A_1370 = arith.constant 0 : i32
      %dma_start3A_1371 = tpu.memref_slice %arg2[%dma_start3A_1369, %dma_start3A_1370] : memref<20000x64xf32, #tpu.memory_space<hbm>> -> memref<20000x64xf32, #tpu.memory_space<hbm>>
      tpu.enqueue_indirect_dma source(%dma_start3A_1371 : memref<20000x64xf32, #tpu.memory_space<hbm>>) target(%arg20 : memref<80x64xf32, #tpu.memory_space<vmem>>) offsets(%dma_start3A_1368 : memref<80xi32, #tpu.memory_space<vmem>>) semaphore(%arg12 : memref<!tpu.dma_semaphore, #tpu.memory_space<semaphore_mem>>)
      %add3A_1372 = arith.constant 1 : i32
      %add3A_1373 = arith.addi %add3A_1275, %add3A_1372 : i32
      %add3A_1374 = arith.constant 5 : i32
      %add3A_1375 = arith.addi %add3A_1373, %add3A_1374 : i32
      %get3A_1376 = arith.index_cast %add3A_1375 : i32 to index
      %get3A_1377 = arith.constant 0 : index
      %get3A_1378 = tpu.vector_load %arg6[%get3A_1376, %get3A_1377] {strides = array<i32>} : memref<250x80xi32, #tpu.memory_space<vmem>>, vector<1x16xi32>,
      %get3A_1379 = vector.shape_cast %get3A_1378 : vector<1x16xi32> to vector<16xi32>
      %mul3A_1380 = arith.constant 2 : i32
      %mul3A_1381 = vector.broadcast %mul3A_1380 : i32 to vector<16xi32>
      %mul3A_1382 = arith.muli %get3A_1379, %mul3A_1381 : vector<16xi32>
      %add3A_1383 = arith.addi %mul3A_1382, %add3A_5 : vector<16xi32>
      %swap3A_1384 = arith.index_cast %add3A_1375 : i32 to index
      %swap3A_1385 = arith.constant 0 : index
      %swap3A_1386 = tpu.vector_load %arg6[%swap3A_1384, %swap3A_1385] {strides = array<i32>} : memref<250x80xi32, #tpu.memory_space<vmem>>, vector<1x16xi32>,
      %swap3A_1387 = vector.shape_cast %swap3A_1386 : vector<1x16xi32> to vector<16xi32>
      %swap3A_1388 = vector.shape_cast %add3A_1383 : vector<16xi32> to vector<1x16xi32>
      tpu.vector_store %arg6[%swap3A_1384, %swap3A_1385], %swap3A_1388 {strides = array<i32>} : memref<250x80xi32, #tpu.memory_space<vmem>>, vector<1x16xi32>,
      %get3A_1389 = arith.index_cast %add3A_1375 : i32 to index
      %get3A_1390 = arith.constant 16 : index
      %get3A_1391 = tpu.vector_load %arg6[%get3A_1389, %get3A_1390] {strides = array<i32>} : memref<250x80xi32, #tpu.memory_space<vmem>>, vector<1x16xi32>,
      %get3A_1392 = vector.shape_cast %get3A_1391 : vector<1x16xi32> to vector<16xi32>
      %mul3A_1393 = arith.constant 2 : i32
      %mul3A_1394 = vector.broadcast %mul3A_1393 : i32 to vector<16xi32>
      %mul3A_1395 = arith.muli %get3A_1392, %mul3A_1394 : vector<16xi32>
      %add3A_1396 = arith.addi %mul3A_1395, %add3A_5 : vector<16xi32>
      %swap3A_1397 = arith.index_cast %add3A_1375 : i32 to index
      %swap3A_1398 = arith.constant 16 : index
      %swap3A_1399 = tpu.vector_load %arg6[%swap3A_1397, %swap3A_1398] {strides = array<i32>} : memref<250x80xi32, #tpu.memory_space<vmem>>, vector<1x16xi32>,
      %swap3A_1400 = vector.shape_cast %swap3A_1399 : vector<1x16xi32> to vector<16xi32>
      %swap3A_1401 = vector.shape_cast %add3A_1396 : vector<16xi32> to vector<1x16xi32>
      tpu.vector_store %arg6[%swap3A_1397, %swap3A_1398], %swap3A_1401 {strides = array<i32>} : memref<250x80xi32, #tpu.memory_space<vmem>>, vector<1x16xi32>,
      %get3A_1402 = arith.index_cast %add3A_1375 : i32 to index
      %get3A_1403 = arith.constant 32 : index
      %get3A_1404 = tpu.vector_load %arg6[%get3A_1402, %get3A_1403] {strides = array<i32>} : memref<250x80xi32, #tpu.memory_space<vmem>>, vector<1x16xi32>,
      %get3A_1405 = vector.shape_cast %get3A_1404 : vector<1x16xi32> to vector<16xi32>
      %mul3A_1406 = arith.constant 2 : i32
      %mul3A_1407 = vector.broadcast %mul3A_1406 : i32 to vector<16xi32>
      %mul3A_1408 = arith.muli %get3A_1405, %mul3A_1407 : vector<16xi32>
      %add3A_1409 = arith.addi %mul3A_1408, %add3A_5 : vector<16xi32>
      %swap3A_1410 = arith.index_cast %add3A_1375 : i32 to index
      %swap3A_1411 = arith.constant 32 : index
      %swap3A_1412 = tpu.vector_load %arg6[%swap3A_1410, %swap3A_1411] {strides = array<i32>} : memref<250x80xi32, #tpu.memory_space<vmem>>, vector<1x16xi32>,
      %swap3A_1413 = vector.shape_cast %swap3A_1412 : vector<1x16xi32> to vector<16xi32>
      %swap3A_1414 = vector.shape_cast %add3A_1409 : vector<16xi32> to vector<1x16xi32>
      tpu.vector_store %arg6[%swap3A_1410, %swap3A_1411], %swap3A_1414 {strides = array<i32>} : memref<250x80xi32, #tpu.memory_space<vmem>>, vector<1x16xi32>,
      %get3A_1415 = arith.index_cast %add3A_1375 : i32 to index
      %get3A_1416 = arith.constant 48 : index
      %get3A_1417 = tpu.vector_load %arg6[%get3A_1415, %get3A_1416] {strides = array<i32>} : memref<250x80xi32, #tpu.memory_space<vmem>>, vector<1x16xi32>,
      %get3A_1418 = vector.shape_cast %get3A_1417 : vector<1x16xi32> to vector<16xi32>
      %mul3A_1419 = arith.constant 2 : i32
      %mul3A_1420 = vector.broadcast %mul3A_1419 : i32 to vector<16xi32>
      %mul3A_1421 = arith.muli %get3A_1418, %mul3A_1420 : vector<16xi32>
      %add3A_1422 = arith.addi %mul3A_1421, %add3A_5 : vector<16xi32>
      %swap3A_1423 = arith.index_cast %add3A_1375 : i32 to index
      %swap3A_1424 = arith.constant 48 : index
      %swap3A_1425 = tpu.vector_load %arg6[%swap3A_1423, %swap3A_1424] {strides = array<i32>} : memref<250x80xi32, #tpu.memory_space<vmem>>, vector<1x16xi32>,
      %swap3A_1426 = vector.shape_cast %swap3A_1425 : vector<1x16xi32> to vector<16xi32>
      %swap3A_1427 = vector.shape_cast %add3A_1422 : vector<16xi32> to vector<1x16xi32>
      tpu.vector_store %arg6[%swap3A_1423, %swap3A_1424], %swap3A_1427 {strides = array<i32>} : memref<250x80xi32, #tpu.memory_space<vmem>>, vector<1x16xi32>,
      %get3A_1428 = arith.index_cast %add3A_1375 : i32 to index
      %get3A_1429 = arith.constant 64 : index
      %get3A_1430 = tpu.vector_load %arg6[%get3A_1428, %get3A_1429] {strides = array<i32>} : memref<250x80xi32, #tpu.memory_space<vmem>>, vector<1x16xi32>,
      %get3A_1431 = vector.shape_cast %get3A_1430 : vector<1x16xi32> to vector<16xi32>
      %mul3A_1432 = arith.constant 2 : i32
      %mul3A_1433 = vector.broadcast %mul3A_1432 : i32 to vector<16xi32>
      %mul3A_1434 = arith.muli %get3A_1431, %mul3A_1433 : vector<16xi32>
      %add3A_1435 = arith.addi %mul3A_1434, %add3A_5 : vector<16xi32>
      %swap3A_1436 = arith.index_cast %add3A_1375 : i32 to index
      %swap3A_1437 = arith.constant 64 : index
      %swap3A_1438 = tpu.vector_load %arg6[%swap3A_1436, %swap3A_1437] {strides = array<i32>} : memref<250x80xi32, #tpu.memory_space<vmem>>, vector<1x16xi32>,
      %swap3A_1439 = vector.shape_cast %swap3A_1438 : vector<1x16xi32> to vector<16xi32>
      %swap3A_1440 = vector.shape_cast %add3A_1435 : vector<16xi32> to vector<1x16xi32>
      tpu.vector_store %arg6[%swap3A_1436, %swap3A_1437], %swap3A_1440 {strides = array<i32>} : memref<250x80xi32, #tpu.memory_space<vmem>>, vector<1x16xi32>,
      %dma_wait3A_1441 = arith.constant 0 : i32
      %dma_wait3A_1442 = tpu.memref_slice %arg6[%add3A_1373, %dma_wait3A_1441] : memref<250x80xi32, #tpu.memory_space<vmem>> -> memref<1x80xi32, #tpu.memory_space<vmem>>
      %dma_wait3A_1443 = tpu.memref_squeeze %dma_wait3A_1442 : memref<1x80xi32, #tpu.memory_space<vmem>> -> memref<80xi32, #tpu.memory_space<vmem>>
      %dma_wait3A_1444 = arith.constant 0 : i32
      %dma_wait3A_1445 = arith.constant 0 : i32
      %dma_wait3A_1446 = tpu.memref_slice %arg2[%dma_wait3A_1444, %dma_wait3A_1445] : memref<20000x64xf32, #tpu.memory_space<hbm>> -> memref<20000x64xf32, #tpu.memory_space<hbm>>
      tpu.wait_indirect_dma semaphore(%arg12 : memref<!tpu.dma_semaphore, #tpu.memory_space<semaphore_mem>>) src(%dma_wait3A_1446 : memref<20000x64xf32, #tpu.memory_space<hbm>>) dst(%arg16 : memref<80x64xf32, #tpu.memory_space<vmem>>)
      %dma_start3A_1447 = arith.constant 0 : i32
      %dma_start3A_1448 = tpu.memref_slice %arg7[%add3A_1373, %dma_start3A_1447] : memref<250x80xi32, #tpu.memory_space<vmem>> -> memref<1x80xi32, #tpu.memory_space<vmem>>
      %dma_start3A_1449 = tpu.memref_squeeze %dma_start3A_1448 : memref<1x80xi32, #tpu.memory_space<vmem>> -> memref<80xi32, #tpu.memory_space<vmem>>
      %dma_start3A_1450 = arith.constant 0 : i32
      %dma_start3A_1451 = arith.constant 0 : i32
      %dma_start3A_1452 = tpu.memref_slice %arg10[%dma_start3A_1450, %dma_start3A_1451] : memref<10240x64xf32, #tpu.memory_space<vmem_shared>> -> memref<10240x64xf32, #tpu.memory_space<vmem_shared>>
      tpu.enqueue_indirect_dma source(%arg16 : memref<80x64xf32, #tpu.memory_space<vmem>>) target(%dma_start3A_1452 : memref<10240x64xf32, #tpu.memory_space<vmem_shared>>) offsets(%dma_start3A_1449 : memref<80xi32, #tpu.memory_space<vmem>>) semaphore(%arg13 : memref<!tpu.dma_semaphore, #tpu.memory_space<semaphore_mem>>) {add = true}
      %dma_wait3A_1453 = arith.constant 0 : i32
      %dma_wait3A_1454 = arith.constant 0 : i32
      %dma_wait3A_1455 = tpu.memref_slice %arg7[%dma_wait3A_1453, %dma_wait3A_1454] : memref<250x80xi32, #tpu.memory_space<vmem>> -> memref<1x80xi32, #tpu.memory_space<vmem>>
      %dma_wait3A_1456 = tpu.memref_squeeze %dma_wait3A_1455 : memref<1x80xi32, #tpu.memory_space<vmem>> -> memref<80xi32, #tpu.memory_space<vmem>>
      %dma_wait3A_1457 = arith.constant 0 : i32
      %dma_wait3A_1458 = arith.constant 0 : i32
      %dma_wait3A_1459 = tpu.memref_slice %arg10[%dma_wait3A_1457, %dma_wait3A_1458] : memref<10240x64xf32, #tpu.memory_space<vmem_shared>> -> memref<10240x64xf32, #tpu.memory_space<vmem_shared>>
      tpu.wait_indirect_dma semaphore(%arg13 : memref<!tpu.dma_semaphore, #tpu.memory_space<semaphore_mem>>) src(%arg15 : memref<80x64xf32, #tpu.memory_space<vmem>>) dst(%dma_wait3A_1459 : memref<10240x64xf32, #tpu.memory_space<vmem_shared>>)
      %add3A_1460 = arith.constant 5 : i32
      %add3A_1461 = arith.addi %add3A_1373, %add3A_1460 : i32
      %dma_start3A_1462 = arith.constant 0 : i32
      %dma_start3A_1463 = tpu.memref_slice %arg6[%add3A_1461, %dma_start3A_1462] : memref<250x80xi32, #tpu.memory_space<vmem>> -> memref<1x80xi32, #tpu.memory_space<vmem>>
      %dma_start3A_1464 = tpu.memref_squeeze %dma_start3A_1463 : memref<1x80xi32, #tpu.memory_space<vmem>> -> memref<80xi32, #tpu.memory_space<vmem>>
      %dma_start3A_1465 = arith.constant 0 : i32
      %dma_start3A_1466 = arith.constant 0 : i32
      %dma_start3A_1467 = tpu.memref_slice %arg2[%dma_start3A_1465, %dma_start3A_1466] : memref<20000x64xf32, #tpu.memory_space<hbm>> -> memref<20000x64xf32, #tpu.memory_space<hbm>>
      tpu.enqueue_indirect_dma source(%dma_start3A_1467 : memref<20000x64xf32, #tpu.memory_space<hbm>>) target(%arg21 : memref<80x64xf32, #tpu.memory_space<vmem>>) offsets(%dma_start3A_1464 : memref<80xi32, #tpu.memory_space<vmem>>) semaphore(%arg12 : memref<!tpu.dma_semaphore, #tpu.memory_space<semaphore_mem>>)
      %add3A_1468 = arith.constant 2 : i32
      %add3A_1469 = arith.addi %add3A_1275, %add3A_1468 : i32
      %add3A_1470 = arith.constant 5 : i32
      %add3A_1471 = arith.addi %add3A_1469, %add3A_1470 : i32
      %get3A_1472 = arith.index_cast %add3A_1471 : i32 to index
      %get3A_1473 = arith.constant 0 : index
      %get3A_1474 = tpu.vector_load %arg6[%get3A_1472, %get3A_1473] {strides = array<i32>} : memref<250x80xi32, #tpu.memory_space<vmem>>, vector<1x16xi32>,
      %get3A_1475 = vector.shape_cast %get3A_1474 : vector<1x16xi32> to vector<16xi32>
      %mul3A_1476 = arith.constant 2 : i32
      %mul3A_1477 = vector.broadcast %mul3A_1476 : i32 to vector<16xi32>
      %mul3A_1478 = arith.muli %get3A_1475, %mul3A_1477 : vector<16xi32>
      %add3A_1479 = arith.addi %mul3A_1478, %add3A_5 : vector<16xi32>
      %swap3A_1480 = arith.index_cast %add3A_1471 : i32 to index
      %swap3A_1481 = arith.constant 0 : index
      %swap3A_1482 = tpu.vector_load %arg6[%swap3A_1480, %swap3A_1481] {strides = array<i32>} : memref<250x80xi32, #tpu.memory_space<vmem>>, vector<1x16xi32>,
      %swap3A_1483 = vector.shape_cast %swap3A_1482 : vector<1x16xi32> to vector<16xi32>
      %swap3A_1484 = vector.shape_cast %add3A_1479 : vector<16xi32> to vector<1x16xi32>
      tpu.vector_store %arg6[%swap3A_1480, %swap3A_1481], %swap3A_1484 {strides = array<i32>} : memref<250x80xi32, #tpu.memory_space<vmem>>, vector<1x16xi32>,
      %get3A_1485 = arith.index_cast %add3A_1471 : i32 to index
      %get3A_1486 = arith.constant 16 : index
      %get3A_1487 = tpu.vector_load %arg6[%get3A_1485, %get3A_1486] {strides = array<i32>} : memref<250x80xi32, #tpu.memory_space<vmem>>, vector<1x16xi32>,
      %get3A_1488 = vector.shape_cast %get3A_1487 : vector<1x16xi32> to vector<16xi32>
      %mul3A_1489 = arith.constant 2 : i32
      %mul3A_1490 = vector.broadcast %mul3A_1489 : i32 to vector<16xi32>
      %mul3A_1491 = arith.muli %get3A_1488, %mul3A_1490 : vector<16xi32>
      %add3A_1492 = arith.addi %mul3A_1491, %add3A_5 : vector<16xi32>
      %swap3A_1493 = arith.index_cast %add3A_1471 : i32 to index
      %swap3A_1494 = arith.constant 16 : index
      %swap3A_1495 = tpu.vector_load %arg6[%swap3A_1493, %swap3A_1494] {strides = array<i32>} : memref<250x80xi32, #tpu.memory_space<vmem>>, vector<1x16xi32>,
      %swap3A_1496 = vector.shape_cast %swap3A_1495 : vector<1x16xi32> to vector<16xi32>
      %swap3A_1497 = vector.shape_cast %add3A_1492 : vector<16xi32> to vector<1x16xi32>
      tpu.vector_store %arg6[%swap3A_1493, %swap3A_1494], %swap3A_1497 {strides = array<i32>} : memref<250x80xi32, #tpu.memory_space<vmem>>, vector<1x16xi32>,
      %get3A_1498 = arith.index_cast %add3A_1471 : i32 to index
      %get3A_1499 = arith.constant 32 : index
      %get3A_1500 = tpu.vector_load %arg6[%get3A_1498, %get3A_1499] {strides = array<i32>} : memref<250x80xi32, #tpu.memory_space<vmem>>, vector<1x16xi32>,
      %get3A_1501 = vector.shape_cast %get3A_1500 : vector<1x16xi32> to vector<16xi32>
      %mul3A_1502 = arith.constant 2 : i32
      %mul3A_1503 = vector.broadcast %mul3A_1502 : i32 to vector<16xi32>
      %mul3A_1504 = arith.muli %get3A_1501, %mul3A_1503 : vector<16xi32>
      %add3A_1505 = arith.addi %mul3A_1504, %add3A_5 : vector<16xi32>
      %swap3A_1506 = arith.index_cast %add3A_1471 : i32 to index
      %swap3A_1507 = arith.constant 32 : index
      %swap3A_1508 = tpu.vector_load %arg6[%swap3A_1506, %swap3A_1507] {strides = array<i32>} : memref<250x80xi32, #tpu.memory_space<vmem>>, vector<1x16xi32>,
      %swap3A_1509 = vector.shape_cast %swap3A_1508 : vector<1x16xi32> to vector<16xi32>
      %swap3A_1510 = vector.shape_cast %add3A_1505 : vector<16xi32> to vector<1x16xi32>
      tpu.vector_store %arg6[%swap3A_1506, %swap3A_1507], %swap3A_1510 {strides = array<i32>} : memref<250x80xi32, #tpu.memory_space<vmem>>, vector<1x16xi32>,
      %get3A_1511 = arith.index_cast %add3A_1471 : i32 to index
      %get3A_1512 = arith.constant 48 : index
      %get3A_1513 = tpu.vector_load %arg6[%get3A_1511, %get3A_1512] {strides = array<i32>} : memref<250x80xi32, #tpu.memory_space<vmem>>, vector<1x16xi32>,
      %get3A_1514 = vector.shape_cast %get3A_1513 : vector<1x16xi32> to vector<16xi32>
      %mul3A_1515 = arith.constant 2 : i32
      %mul3A_1516 = vector.broadcast %mul3A_1515 : i32 to vector<16xi32>
      %mul3A_1517 = arith.muli %get3A_1514, %mul3A_1516 : vector<16xi32>
      %add3A_1518 = arith.addi %mul3A_1517, %add3A_5 : vector<16xi32>
      %swap3A_1519 = arith.index_cast %add3A_1471 : i32 to index
      %swap3A_1520 = arith.constant 48 : index
      %swap3A_1521 = tpu.vector_load %arg6[%swap3A_1519, %swap3A_1520] {strides = array<i32>} : memref<250x80xi32, #tpu.memory_space<vmem>>, vector<1x16xi32>,
      %swap3A_1522 = vector.shape_cast %swap3A_1521 : vector<1x16xi32> to vector<16xi32>
      %swap3A_1523 = vector.shape_cast %add3A_1518 : vector<16xi32> to vector<1x16xi32>
      tpu.vector_store %arg6[%swap3A_1519, %swap3A_1520], %swap3A_1523 {strides = array<i32>} : memref<250x80xi32, #tpu.memory_space<vmem>>, vector<1x16xi32>,
      %get3A_1524 = arith.index_cast %add3A_1471 : i32 to index
      %get3A_1525 = arith.constant 64 : index
      %get3A_1526 = tpu.vector_load %arg6[%get3A_1524, %get3A_1525] {strides = array<i32>} : memref<250x80xi32, #tpu.memory_space<vmem>>, vector<1x16xi32>,
      %get3A_1527 = vector.shape_cast %get3A_1526 : vector<1x16xi32> to vector<16xi32>
      %mul3A_1528 = arith.constant 2 : i32
      %mul3A_1529 = vector.broadcast %mul3A_1528 : i32 to vector<16xi32>
      %mul3A_1530 = arith.muli %get3A_1527, %mul3A_1529 : vector<16xi32>
      %add3A_1531 = arith.addi %mul3A_1530, %add3A_5 : vector<16xi32>
      %swap3A_1532 = arith.index_cast %add3A_1471 : i32 to index
      %swap3A_1533 = arith.constant 64 : index
      %swap3A_1534 = tpu.vector_load %arg6[%swap3A_1532, %swap3A_1533] {strides = array<i32>} : memref<250x80xi32, #tpu.memory_space<vmem>>, vector<1x16xi32>,
      %swap3A_1535 = vector.shape_cast %swap3A_1534 : vector<1x16xi32> to vector<16xi32>
      %swap3A_1536 = vector.shape_cast %add3A_1531 : vector<16xi32> to vector<1x16xi32>
      tpu.vector_store %arg6[%swap3A_1532, %swap3A_1533], %swap3A_1536 {strides = array<i32>} : memref<250x80xi32, #tpu.memory_space<vmem>>, vector<1x16xi32>,
      %dma_wait3A_1537 = arith.constant 0 : i32
      %dma_wait3A_1538 = tpu.memref_slice %arg6[%add3A_1469, %dma_wait3A_1537] : memref<250x80xi32, #tpu.memory_space<vmem>> -> memref<1x80xi32, #tpu.memory_space<vmem>>
      %dma_wait3A_1539 = tpu.memref_squeeze %dma_wait3A_1538 : memref<1x80xi32, #tpu.memory_space<vmem>> -> memref<80xi32, #tpu.memory_space<vmem>>
      %dma_wait3A_1540 = arith.constant 0 : i32
      %dma_wait3A_1541 = arith.constant 0 : i32
      %dma_wait3A_1542 = tpu.memref_slice %arg2[%dma_wait3A_1540, %dma_wait3A_1541] : memref<20000x64xf32, #tpu.memory_space<hbm>> -> memref<20000x64xf32, #tpu.memory_space<hbm>>
      tpu.wait_indirect_dma semaphore(%arg12 : memref<!tpu.dma_semaphore, #tpu.memory_space<semaphore_mem>>) src(%dma_wait3A_1542 : memref<20000x64xf32, #tpu.memory_space<hbm>>) dst(%arg17 : memref<80x64xf32, #tpu.memory_space<vmem>>)
      %dma_start3A_1543 = arith.constant 0 : i32
      %dma_start3A_1544 = tpu.memref_slice %arg7[%add3A_1469, %dma_start3A_1543] : memref<250x80xi32, #tpu.memory_space<vmem>> -> memref<1x80xi32, #tpu.memory_space<vmem>>
      %dma_start3A_1545 = tpu.memref_squeeze %dma_start3A_1544 : memref<1x80xi32, #tpu.memory_space<vmem>> -> memref<80xi32, #tpu.memory_space<vmem>>
      %dma_start3A_1546 = arith.constant 0 : i32
      %dma_start3A_1547 = arith.constant 0 : i32
      %dma_start3A_1548 = tpu.memref_slice %arg10[%dma_start3A_1546, %dma_start3A_1547] : memref<10240x64xf32, #tpu.memory_space<vmem_shared>> -> memref<10240x64xf32, #tpu.memory_space<vmem_shared>>
      tpu.enqueue_indirect_dma source(%arg17 : memref<80x64xf32, #tpu.memory_space<vmem>>) target(%dma_start3A_1548 : memref<10240x64xf32, #tpu.memory_space<vmem_shared>>) offsets(%dma_start3A_1545 : memref<80xi32, #tpu.memory_space<vmem>>) semaphore(%arg13 : memref<!tpu.dma_semaphore, #tpu.memory_space<semaphore_mem>>) {add = true}
      %dma_wait3A_1549 = arith.constant 0 : i32
      %dma_wait3A_1550 = arith.constant 0 : i32
      %dma_wait3A_1551 = tpu.memref_slice %arg7[%dma_wait3A_1549, %dma_wait3A_1550] : memref<250x80xi32, #tpu.memory_space<vmem>> -> memref<1x80xi32, #tpu.memory_space<vmem>>
      %dma_wait3A_1552 = tpu.memref_squeeze %dma_wait3A_1551 : memref<1x80xi32, #tpu.memory_space<vmem>> -> memref<80xi32, #tpu.memory_space<vmem>>
      %dma_wait3A_1553 = arith.constant 0 : i32
      %dma_wait3A_1554 = arith.constant 0 : i32
      %dma_wait3A_1555 = tpu.memref_slice %arg10[%dma_wait3A_1553, %dma_wait3A_1554] : memref<10240x64xf32, #tpu.memory_space<vmem_shared>> -> memref<10240x64xf32, #tpu.memory_space<vmem_shared>>
      tpu.wait_indirect_dma semaphore(%arg13 : memref<!tpu.dma_semaphore, #tpu.memory_space<semaphore_mem>>) src(%arg15 : memref<80x64xf32, #tpu.memory_space<vmem>>) dst(%dma_wait3A_1555 : memref<10240x64xf32, #tpu.memory_space<vmem_shared>>)
      %add3A_1556 = arith.constant 5 : i32
      %add3A_1557 = arith.addi %add3A_1469, %add3A_1556 : i32
      %dma_start3A_1558 = arith.constant 0 : i32
      %dma_start3A_1559 = tpu.memref_slice %arg6[%add3A_1557, %dma_start3A_1558] : memref<250x80xi32, #tpu.memory_space<vmem>> -> memref<1x80xi32, #tpu.memory_space<vmem>>
      %dma_start3A_1560 = tpu.memref_squeeze %dma_start3A_1559 : memref<1x80xi32, #tpu.memory_space<vmem>> -> memref<80xi32, #tpu.memory_space<vmem>>
      %dma_start3A_1561 = arith.constant 0 : i32
      %dma_start3A_1562 = arith.constant 0 : i32
      %dma_start3A_1563 = tpu.memref_slice %arg2[%dma_start3A_1561, %dma_start3A_1562] : memref<20000x64xf32, #tpu.memory_space<hbm>> -> memref<20000x64xf32, #tpu.memory_space<hbm>>
      tpu.enqueue_indirect_dma source(%dma_start3A_1563 : memref<20000x64xf32, #tpu.memory_space<hbm>>) target(%arg15 : memref<80x64xf32, #tpu.memory_space<vmem>>) offsets(%dma_start3A_1560 : memref<80xi32, #tpu.memory_space<vmem>>) semaphore(%arg12 : memref<!tpu.dma_semaphore, #tpu.memory_space<semaphore_mem>>)
      %add3A_1564 = arith.constant 3 : i32
      %add3A_1565 = arith.addi %add3A_1275, %add3A_1564 : i32
      %add3A_1566 = arith.constant 5 : i32
      %add3A_1567 = arith.addi %add3A_1565, %add3A_1566 : i32
      %get3A_1568 = arith.index_cast %add3A_1567 : i32 to index
      %get3A_1569 = arith.constant 0 : index
      %get3A_1570 = tpu.vector_load %arg6[%get3A_1568, %get3A_1569] {strides = array<i32>} : memref<250x80xi32, #tpu.memory_space<vmem>>, vector<1x16xi32>,
      %get3A_1571 = vector.shape_cast %get3A_1570 : vector<1x16xi32> to vector<16xi32>
      %mul3A_1572 = arith.constant 2 : i32
      %mul3A_1573 = vector.broadcast %mul3A_1572 : i32 to vector<16xi32>
      %mul3A_1574 = arith.muli %get3A_1571, %mul3A_1573 : vector<16xi32>
      %add3A_1575 = arith.addi %mul3A_1574, %add3A_5 : vector<16xi32>
      %swap3A_1576 = arith.index_cast %add3A_1567 : i32 to index
      %swap3A_1577 = arith.constant 0 : index
      %swap3A_1578 = tpu.vector_load %arg6[%swap3A_1576, %swap3A_1577] {strides = array<i32>} : memref<250x80xi32, #tpu.memory_space<vmem>>, vector<1x16xi32>,
      %swap3A_1579 = vector.shape_cast %swap3A_1578 : vector<1x16xi32> to vector<16xi32>
      %swap3A_1580 = vector.shape_cast %add3A_1575 : vector<16xi32> to vector<1x16xi32>
      tpu.vector_store %arg6[%swap3A_1576, %swap3A_1577], %swap3A_1580 {strides = array<i32>} : memref<250x80xi32, #tpu.memory_space<vmem>>, vector<1x16xi32>,
      %get3A_1581 = arith.index_cast %add3A_1567 : i32 to index
      %get3A_1582 = arith.constant 16 : index
      %get3A_1583 = tpu.vector_load %arg6[%get3A_1581, %get3A_1582] {strides = array<i32>} : memref<250x80xi32, #tpu.memory_space<vmem>>, vector<1x16xi32>,
      %get3A_1584 = vector.shape_cast %get3A_1583 : vector<1x16xi32> to vector<16xi32>
      %mul3A_1585 = arith.constant 2 : i32
      %mul3A_1586 = vector.broadcast %mul3A_1585 : i32 to vector<16xi32>
      %mul3A_1587 = arith.muli %get3A_1584, %mul3A_1586 : vector<16xi32>
      %add3A_1588 = arith.addi %mul3A_1587, %add3A_5 : vector<16xi32>
      %swap3A_1589 = arith.index_cast %add3A_1567 : i32 to index
      %swap3A_1590 = arith.constant 16 : index
      %swap3A_1591 = tpu.vector_load %arg6[%swap3A_1589, %swap3A_1590] {strides = array<i32>} : memref<250x80xi32, #tpu.memory_space<vmem>>, vector<1x16xi32>,
      %swap3A_1592 = vector.shape_cast %swap3A_1591 : vector<1x16xi32> to vector<16xi32>
      %swap3A_1593 = vector.shape_cast %add3A_1588 : vector<16xi32> to vector<1x16xi32>
      tpu.vector_store %arg6[%swap3A_1589, %swap3A_1590], %swap3A_1593 {strides = array<i32>} : memref<250x80xi32, #tpu.memory_space<vmem>>, vector<1x16xi32>,
      %get3A_1594 = arith.index_cast %add3A_1567 : i32 to index
      %get3A_1595 = arith.constant 32 : index
      %get3A_1596 = tpu.vector_load %arg6[%get3A_1594, %get3A_1595] {strides = array<i32>} : memref<250x80xi32, #tpu.memory_space<vmem>>, vector<1x16xi32>,
      %get3A_1597 = vector.shape_cast %get3A_1596 : vector<1x16xi32> to vector<16xi32>
      %mul3A_1598 = arith.constant 2 : i32
      %mul3A_1599 = vector.broadcast %mul3A_1598 : i32 to vector<16xi32>
      %mul3A_1600 = arith.muli %get3A_1597, %mul3A_1599 : vector<16xi32>
      %add3A_1601 = arith.addi %mul3A_1600, %add3A_5 : vector<16xi32>
      %swap3A_1602 = arith.index_cast %add3A_1567 : i32 to index
      %swap3A_1603 = arith.constant 32 : index
      %swap3A_1604 = tpu.vector_load %arg6[%swap3A_1602, %swap3A_1603] {strides = array<i32>} : memref<250x80xi32, #tpu.memory_space<vmem>>, vector<1x16xi32>,
      %swap3A_1605 = vector.shape_cast %swap3A_1604 : vector<1x16xi32> to vector<16xi32>
      %swap3A_1606 = vector.shape_cast %add3A_1601 : vector<16xi32> to vector<1x16xi32>
      tpu.vector_store %arg6[%swap3A_1602, %swap3A_1603], %swap3A_1606 {strides = array<i32>} : memref<250x80xi32, #tpu.memory_space<vmem>>, vector<1x16xi32>,
      %get3A_1607 = arith.index_cast %add3A_1567 : i32 to index
      %get3A_1608 = arith.constant 48 : index
      %get3A_1609 = tpu.vector_load %arg6[%get3A_1607, %get3A_1608] {strides = array<i32>} : memref<250x80xi32, #tpu.memory_space<vmem>>, vector<1x16xi32>,
      %get3A_1610 = vector.shape_cast %get3A_1609 : vector<1x16xi32> to vector<16xi32>
      %mul3A_1611 = arith.constant 2 : i32
      %mul3A_1612 = vector.broadcast %mul3A_1611 : i32 to vector<16xi32>
      %mul3A_1613 = arith.muli %get3A_1610, %mul3A_1612 : vector<16xi32>
      %add3A_1614 = arith.addi %mul3A_1613, %add3A_5 : vector<16xi32>
      %swap3A_1615 = arith.index_cast %add3A_1567 : i32 to index
      %swap3A_1616 = arith.constant 48 : index
      %swap3A_1617 = tpu.vector_load %arg6[%swap3A_1615, %swap3A_1616] {strides = array<i32>} : memref<250x80xi32, #tpu.memory_space<vmem>>, vector<1x16xi32>,
      %swap3A_1618 = vector.shape_cast %swap3A_1617 : vector<1x16xi32> to vector<16xi32>
      %swap3A_1619 = vector.shape_cast %add3A_1614 : vector<16xi32> to vector<1x16xi32>
      tpu.vector_store %arg6[%swap3A_1615, %swap3A_1616], %swap3A_1619 {strides = array<i32>} : memref<250x80xi32, #tpu.memory_space<vmem>>, vector<1x16xi32>,
      %get3A_1620 = arith.index_cast %add3A_1567 : i32 to index
      %get3A_1621 = arith.constant 64 : index
      %get3A_1622 = tpu.vector_load %arg6[%get3A_1620, %get3A_1621] {strides = array<i32>} : memref<250x80xi32, #tpu.memory_space<vmem>>, vector<1x16xi32>,
      %get3A_1623 = vector.shape_cast %get3A_1622 : vector<1x16xi32> to vector<16xi32>
      %mul3A_1624 = arith.constant 2 : i32
      %mul3A_1625 = vector.broadcast %mul3A_1624 : i32 to vector<16xi32>
      %mul3A_1626 = arith.muli %get3A_1623, %mul3A_1625 : vector<16xi32>
      %add3A_1627 = arith.addi %mul3A_1626, %add3A_5 : vector<16xi32>
      %swap3A_1628 = arith.index_cast %add3A_1567 : i32 to index
      %swap3A_1629 = arith.constant 64 : index
      %swap3A_1630 = tpu.vector_load %arg6[%swap3A_1628, %swap3A_1629] {strides = array<i32>} : memref<250x80xi32, #tpu.memory_space<vmem>>, vector<1x16xi32>,
      %swap3A_1631 = vector.shape_cast %swap3A_1630 : vector<1x16xi32> to vector<16xi32>
      %swap3A_1632 = vector.shape_cast %add3A_1627 : vector<16xi32> to vector<1x16xi32>
      tpu.vector_store %arg6[%swap3A_1628, %swap3A_1629], %swap3A_1632 {strides = array<i32>} : memref<250x80xi32, #tpu.memory_space<vmem>>, vector<1x16xi32>,
      %dma_wait3A_1633 = arith.constant 0 : i32
      %dma_wait3A_1634 = tpu.memref_slice %arg6[%add3A_1565, %dma_wait3A_1633] : memref<250x80xi32, #tpu.memory_space<vmem>> -> memref<1x80xi32, #tpu.memory_space<vmem>>
      %dma_wait3A_1635 = tpu.memref_squeeze %dma_wait3A_1634 : memref<1x80xi32, #tpu.memory_space<vmem>> -> memref<80xi32, #tpu.memory_space<vmem>>
      %dma_wait3A_1636 = arith.constant 0 : i32
      %dma_wait3A_1637 = arith.constant 0 : i32
      %dma_wait3A_1638 = tpu.memref_slice %arg2[%dma_wait3A_1636, %dma_wait3A_1637] : memref<20000x64xf32, #tpu.memory_space<hbm>> -> memref<20000x64xf32, #tpu.memory_space<hbm>>
      tpu.wait_indirect_dma semaphore(%arg12 : memref<!tpu.dma_semaphore, #tpu.memory_space<semaphore_mem>>) src(%dma_wait3A_1638 : memref<20000x64xf32, #tpu.memory_space<hbm>>) dst(%arg18 : memref<80x64xf32, #tpu.memory_space<vmem>>)
      %dma_start3A_1639 = arith.constant 0 : i32
      %dma_start3A_1640 = tpu.memref_slice %arg7[%add3A_1565, %dma_start3A_1639] : memref<250x80xi32, #tpu.memory_space<vmem>> -> memref<1x80xi32, #tpu.memory_space<vmem>>
      %dma_start3A_1641 = tpu.memref_squeeze %dma_start3A_1640 : memref<1x80xi32, #tpu.memory_space<vmem>> -> memref<80xi32, #tpu.memory_space<vmem>>
      %dma_start3A_1642 = arith.constant 0 : i32
      %dma_start3A_1643 = arith.constant 0 : i32
      %dma_start3A_1644 = tpu.memref_slice %arg10[%dma_start3A_1642, %dma_start3A_1643] : memref<10240x64xf32, #tpu.memory_space<vmem_shared>> -> memref<10240x64xf32, #tpu.memory_space<vmem_shared>>
      tpu.enqueue_indirect_dma source(%arg18 : memref<80x64xf32, #tpu.memory_space<vmem>>) target(%dma_start3A_1644 : memref<10240x64xf32, #tpu.memory_space<vmem_shared>>) offsets(%dma_start3A_1641 : memref<80xi32, #tpu.memory_space<vmem>>) semaphore(%arg13 : memref<!tpu.dma_semaphore, #tpu.memory_space<semaphore_mem>>) {add = true}
      %dma_wait3A_1645 = arith.constant 0 : i32
      %dma_wait3A_1646 = arith.constant 0 : i32
      %dma_wait3A_1647 = tpu.memref_slice %arg7[%dma_wait3A_1645, %dma_wait3A_1646] : memref<250x80xi32, #tpu.memory_space<vmem>> -> memref<1x80xi32, #tpu.memory_space<vmem>>
      %dma_wait3A_1648 = tpu.memref_squeeze %dma_wait3A_1647 : memref<1x80xi32, #tpu.memory_space<vmem>> -> memref<80xi32, #tpu.memory_space<vmem>>
      %dma_wait3A_1649 = arith.constant 0 : i32
      %dma_wait3A_1650 = arith.constant 0 : i32
      %dma_wait3A_1651 = tpu.memref_slice %arg10[%dma_wait3A_1649, %dma_wait3A_1650] : memref<10240x64xf32, #tpu.memory_space<vmem_shared>> -> memref<10240x64xf32, #tpu.memory_space<vmem_shared>>
      tpu.wait_indirect_dma semaphore(%arg13 : memref<!tpu.dma_semaphore, #tpu.memory_space<semaphore_mem>>) src(%arg15 : memref<80x64xf32, #tpu.memory_space<vmem>>) dst(%dma_wait3A_1651 : memref<10240x64xf32, #tpu.memory_space<vmem_shared>>)
      %add3A_1652 = arith.constant 5 : i32
      %add3A_1653 = arith.addi %add3A_1565, %add3A_1652 : i32
      %dma_start3A_1654 = arith.constant 0 : i32
      %dma_start3A_1655 = tpu.memref_slice %arg6[%add3A_1653, %dma_start3A_1654] : memref<250x80xi32, #tpu.memory_space<vmem>> -> memref<1x80xi32, #tpu.memory_space<vmem>>
      %dma_start3A_1656 = tpu.memref_squeeze %dma_start3A_1655 : memref<1x80xi32, #tpu.memory_space<vmem>> -> memref<80xi32, #tpu.memory_space<vmem>>
      %dma_start3A_1657 = arith.constant 0 : i32
      %dma_start3A_1658 = arith.constant 0 : i32
      %dma_start3A_1659 = tpu.memref_slice %arg2[%dma_start3A_1657, %dma_start3A_1658] : memref<20000x64xf32, #tpu.memory_space<hbm>> -> memref<20000x64xf32, #tpu.memory_space<hbm>>
      tpu.enqueue_indirect_dma source(%dma_start3A_1659 : memref<20000x64xf32, #tpu.memory_space<hbm>>) target(%arg16 : memref<80x64xf32, #tpu.memory_space<vmem>>) offsets(%dma_start3A_1656 : memref<80xi32, #tpu.memory_space<vmem>>) semaphore(%arg12 : memref<!tpu.dma_semaphore, #tpu.memory_space<semaphore_mem>>)
      %add3A_1660 = arith.constant 4 : i32
      %add3A_1661 = arith.addi %add3A_1275, %add3A_1660 : i32
      %add3A_1662 = arith.constant 5 : i32
      %add3A_1663 = arith.addi %add3A_1661, %add3A_1662 : i32
      %get3A_1664 = arith.index_cast %add3A_1663 : i32 to index
      %get3A_1665 = arith.constant 0 : index
      %get3A_1666 = tpu.vector_load %arg6[%get3A_1664, %get3A_1665] {strides = array<i32>} : memref<250x80xi32, #tpu.memory_space<vmem>>, vector<1x16xi32>,
      %get3A_1667 = vector.shape_cast %get3A_1666 : vector<1x16xi32> to vector<16xi32>
      %mul3A_1668 = arith.constant 2 : i32
      %mul3A_1669 = vector.broadcast %mul3A_1668 : i32 to vector<16xi32>
      %mul3A_1670 = arith.muli %get3A_1667, %mul3A_1669 : vector<16xi32>
      %add3A_1671 = arith.addi %mul3A_1670, %add3A_5 : vector<16xi32>
      %swap3A_1672 = arith.index_cast %add3A_1663 : i32 to index
      %swap3A_1673 = arith.constant 0 : index
      %swap3A_1674 = tpu.vector_load %arg6[%swap3A_1672, %swap3A_1673] {strides = array<i32>} : memref<250x80xi32, #tpu.memory_space<vmem>>, vector<1x16xi32>,
      %swap3A_1675 = vector.shape_cast %swap3A_1674 : vector<1x16xi32> to vector<16xi32>
      %swap3A_1676 = vector.shape_cast %add3A_1671 : vector<16xi32> to vector<1x16xi32>
      tpu.vector_store %arg6[%swap3A_1672, %swap3A_1673], %swap3A_1676 {strides = array<i32>} : memref<250x80xi32, #tpu.memory_space<vmem>>, vector<1x16xi32>,
      %get3A_1677 = arith.index_cast %add3A_1663 : i32 to index
      %get3A_1678 = arith.constant 16 : index
      %get3A_1679 = tpu.vector_load %arg6[%get3A_1677, %get3A_1678] {strides = array<i32>} : memref<250x80xi32, #tpu.memory_space<vmem>>, vector<1x16xi32>,
      %get3A_1680 = vector.shape_cast %get3A_1679 : vector<1x16xi32> to vector<16xi32>
      %mul3A_1681 = arith.constant 2 : i32
      %mul3A_1682 = vector.broadcast %mul3A_1681 : i32 to vector<16xi32>
      %mul3A_1683 = arith.muli %get3A_1680, %mul3A_1682 : vector<16xi32>
      %add3A_1684 = arith.addi %mul3A_1683, %add3A_5 : vector<16xi32>
      %swap3A_1685 = arith.index_cast %add3A_1663 : i32 to index
      %swap3A_1686 = arith.constant 16 : index
      %swap3A_1687 = tpu.vector_load %arg6[%swap3A_1685, %swap3A_1686] {strides = array<i32>} : memref<250x80xi32, #tpu.memory_space<vmem>>, vector<1x16xi32>,
      %swap3A_1688 = vector.shape_cast %swap3A_1687 : vector<1x16xi32> to vector<16xi32>
      %swap3A_1689 = vector.shape_cast %add3A_1684 : vector<16xi32> to vector<1x16xi32>
      tpu.vector_store %arg6[%swap3A_1685, %swap3A_1686], %swap3A_1689 {strides = array<i32>} : memref<250x80xi32, #tpu.memory_space<vmem>>, vector<1x16xi32>,
      %get3A_1690 = arith.index_cast %add3A_1663 : i32 to index
      %get3A_1691 = arith.constant 32 : index
      %get3A_1692 = tpu.vector_load %arg6[%get3A_1690, %get3A_1691] {strides = array<i32>} : memref<250x80xi32, #tpu.memory_space<vmem>>, vector<1x16xi32>,
      %get3A_1693 = vector.shape_cast %get3A_1692 : vector<1x16xi32> to vector<16xi32>
      %mul3A_1694 = arith.constant 2 : i32
      %mul3A_1695 = vector.broadcast %mul3A_1694 : i32 to vector<16xi32>
      %mul3A_1696 = arith.muli %get3A_1693, %mul3A_1695 : vector<16xi32>
      %add3A_1697 = arith.addi %mul3A_1696, %add3A_5 : vector<16xi32>
      %swap3A_1698 = arith.index_cast %add3A_1663 : i32 to index
      %swap3A_1699 = arith.constant 32 : index
      %swap3A_1700 = tpu.vector_load %arg6[%swap3A_1698, %swap3A_1699] {strides = array<i32>} : memref<250x80xi32, #tpu.memory_space<vmem>>, vector<1x16xi32>,
      %swap3A_1701 = vector.shape_cast %swap3A_1700 : vector<1x16xi32> to vector<16xi32>
      %swap3A_1702 = vector.shape_cast %add3A_1697 : vector<16xi32> to vector<1x16xi32>
      tpu.vector_store %arg6[%swap3A_1698, %swap3A_1699], %swap3A_1702 {strides = array<i32>} : memref<250x80xi32, #tpu.memory_space<vmem>>, vector<1x16xi32>,
      %get3A_1703 = arith.index_cast %add3A_1663 : i32 to index
      %get3A_1704 = arith.constant 48 : index
      %get3A_1705 = tpu.vector_load %arg6[%get3A_1703, %get3A_1704] {strides = array<i32>} : memref<250x80xi32, #tpu.memory_space<vmem>>, vector<1x16xi32>,
      %get3A_1706 = vector.shape_cast %get3A_1705 : vector<1x16xi32> to vector<16xi32>
      %mul3A_1707 = arith.constant 2 : i32
      %mul3A_1708 = vector.broadcast %mul3A_1707 : i32 to vector<16xi32>
      %mul3A_1709 = arith.muli %get3A_1706, %mul3A_1708 : vector<16xi32>
      %add3A_1710 = arith.addi %mul3A_1709, %add3A_5 : vector<16xi32>
      %swap3A_1711 = arith.index_cast %add3A_1663 : i32 to index
      %swap3A_1712 = arith.constant 48 : index
      %swap3A_1713 = tpu.vector_load %arg6[%swap3A_1711, %swap3A_1712] {strides = array<i32>} : memref<250x80xi32, #tpu.memory_space<vmem>>, vector<1x16xi32>,
      %swap3A_1714 = vector.shape_cast %swap3A_1713 : vector<1x16xi32> to vector<16xi32>
      %swap3A_1715 = vector.shape_cast %add3A_1710 : vector<16xi32> to vector<1x16xi32>
      tpu.vector_store %arg6[%swap3A_1711, %swap3A_1712], %swap3A_1715 {strides = array<i32>} : memref<250x80xi32, #tpu.memory_space<vmem>>, vector<1x16xi32>,
      %get3A_1716 = arith.index_cast %add3A_1663 : i32 to index
      %get3A_1717 = arith.constant 64 : index
      %get3A_1718 = tpu.vector_load %arg6[%get3A_1716, %get3A_1717] {strides = array<i32>} : memref<250x80xi32, #tpu.memory_space<vmem>>, vector<1x16xi32>,
      %get3A_1719 = vector.shape_cast %get3A_1718 : vector<1x16xi32> to vector<16xi32>
      %mul3A_1720 = arith.constant 2 : i32
      %mul3A_1721 = vector.broadcast %mul3A_1720 : i32 to vector<16xi32>
      %mul3A_1722 = arith.muli %get3A_1719, %mul3A_1721 : vector<16xi32>
      %add3A_1723 = arith.addi %mul3A_1722, %add3A_5 : vector<16xi32>
      %swap3A_1724 = arith.index_cast %add3A_1663 : i32 to index
      %swap3A_1725 = arith.constant 64 : index
      %swap3A_1726 = tpu.vector_load %arg6[%swap3A_1724, %swap3A_1725] {strides = array<i32>} : memref<250x80xi32, #tpu.memory_space<vmem>>, vector<1x16xi32>,
      %swap3A_1727 = vector.shape_cast %swap3A_1726 : vector<1x16xi32> to vector<16xi32>
      %swap3A_1728 = vector.shape_cast %add3A_1723 : vector<16xi32> to vector<1x16xi32>
      tpu.vector_store %arg6[%swap3A_1724, %swap3A_1725], %swap3A_1728 {strides = array<i32>} : memref<250x80xi32, #tpu.memory_space<vmem>>, vector<1x16xi32>,
      %dma_wait3A_1729 = arith.constant 0 : i32
      %dma_wait3A_1730 = tpu.memref_slice %arg6[%add3A_1661, %dma_wait3A_1729] : memref<250x80xi32, #tpu.memory_space<vmem>> -> memref<1x80xi32, #tpu.memory_space<vmem>>
      %dma_wait3A_1731 = tpu.memref_squeeze %dma_wait3A_1730 : memref<1x80xi32, #tpu.memory_space<vmem>> -> memref<80xi32, #tpu.memory_space<vmem>>
      %dma_wait3A_1732 = arith.constant 0 : i32
      %dma_wait3A_1733 = arith.constant 0 : i32
      %dma_wait3A_1734 = tpu.memref_slice %arg2[%dma_wait3A_1732, %dma_wait3A_1733] : memref<20000x64xf32, #tpu.memory_space<hbm>> -> memref<20000x64xf32, #tpu.memory_space<hbm>>
      tpu.wait_indirect_dma semaphore(%arg12 : memref<!tpu.dma_semaphore, #tpu.memory_space<semaphore_mem>>) src(%dma_wait3A_1734 : memref<20000x64xf32, #tpu.memory_space<hbm>>) dst(%arg19 : memref<80x64xf32, #tpu.memory_space<vmem>>)
      %dma_start3A_1735 = arith.constant 0 : i32
      %dma_start3A_1736 = tpu.memref_slice %arg7[%add3A_1661, %dma_start3A_1735] : memref<250x80xi32, #tpu.memory_space<vmem>> -> memref<1x80xi32, #tpu.memory_space<vmem>>
      %dma_start3A_1737 = tpu.memref_squeeze %dma_start3A_1736 : memref<1x80xi32, #tpu.memory_space<vmem>> -> memref<80xi32, #tpu.memory_space<vmem>>
      %dma_start3A_1738 = arith.constant 0 : i32
      %dma_start3A_1739 = arith.constant 0 : i32
      %dma_start3A_1740 = tpu.memref_slice %arg10[%dma_start3A_1738, %dma_start3A_1739] : memref<10240x64xf32, #tpu.memory_space<vmem_shared>> -> memref<10240x64xf32, #tpu.memory_space<vmem_shared>>
      tpu.enqueue_indirect_dma source(%arg19 : memref<80x64xf32, #tpu.memory_space<vmem>>) target(%dma_start3A_1740 : memref<10240x64xf32, #tpu.memory_space<vmem_shared>>) offsets(%dma_start3A_1737 : memref<80xi32, #tpu.memory_space<vmem>>) semaphore(%arg13 : memref<!tpu.dma_semaphore, #tpu.memory_space<semaphore_mem>>) {add = true}
      %dma_wait3A_1741 = arith.constant 0 : i32
      %dma_wait3A_1742 = arith.constant 0 : i32
      %dma_wait3A_1743 = tpu.memref_slice %arg7[%dma_wait3A_1741, %dma_wait3A_1742] : memref<250x80xi32, #tpu.memory_space<vmem>> -> memref<1x80xi32, #tpu.memory_space<vmem>>
      %dma_wait3A_1744 = tpu.memref_squeeze %dma_wait3A_1743 : memref<1x80xi32, #tpu.memory_space<vmem>> -> memref<80xi32, #tpu.memory_space<vmem>>
      %dma_wait3A_1745 = arith.constant 0 : i32
      %dma_wait3A_1746 = arith.constant 0 : i32
      %dma_wait3A_1747 = tpu.memref_slice %arg10[%dma_wait3A_1745, %dma_wait3A_1746] : memref<10240x64xf32, #tpu.memory_space<vmem_shared>> -> memref<10240x64xf32, #tpu.memory_space<vmem_shared>>
      tpu.wait_indirect_dma semaphore(%arg13 : memref<!tpu.dma_semaphore, #tpu.memory_space<semaphore_mem>>) src(%arg15 : memref<80x64xf32, #tpu.memory_space<vmem>>) dst(%dma_wait3A_1747 : memref<10240x64xf32, #tpu.memory_space<vmem_shared>>)
      %add3A_1748 = arith.constant 5 : i32
      %add3A_1749 = arith.addi %add3A_1661, %add3A_1748 : i32
      %dma_start3A_1750 = arith.constant 0 : i32
      %dma_start3A_1751 = tpu.memref_slice %arg6[%add3A_1749, %dma_start3A_1750] : memref<250x80xi32, #tpu.memory_space<vmem>> -> memref<1x80xi32, #tpu.memory_space<vmem>>
      %dma_start3A_1752 = tpu.memref_squeeze %dma_start3A_1751 : memref<1x80xi32, #tpu.memory_space<vmem>> -> memref<80xi32, #tpu.memory_space<vmem>>
      %dma_start3A_1753 = arith.constant 0 : i32
      %dma_start3A_1754 = arith.constant 0 : i32
      %dma_start3A_1755 = tpu.memref_slice %arg2[%dma_start3A_1753, %dma_start3A_1754] : memref<20000x64xf32, #tpu.memory_space<hbm>> -> memref<20000x64xf32, #tpu.memory_space<hbm>>
      tpu.enqueue_indirect_dma source(%dma_start3A_1755 : memref<20000x64xf32, #tpu.memory_space<hbm>>) target(%arg17 : memref<80x64xf32, #tpu.memory_space<vmem>>) offsets(%dma_start3A_1752 : memref<80xi32, #tpu.memory_space<vmem>>) semaphore(%arg12 : memref<!tpu.dma_semaphore, #tpu.memory_space<semaphore_mem>>)
      %add3A_1756 = arith.constant 5 : i32
      %add3A_1757 = arith.addi %add3A_1275, %add3A_1756 : i32
      %add3A_1758 = arith.constant 5 : i32
      %add3A_1759 = arith.addi %add3A_1757, %add3A_1758 : i32
      %get3A_1760 = arith.index_cast %add3A_1759 : i32 to index
      %get3A_1761 = arith.constant 0 : index
      %get3A_1762 = tpu.vector_load %arg6[%get3A_1760, %get3A_1761] {strides = array<i32>} : memref<250x80xi32, #tpu.memory_space<vmem>>, vector<1x16xi32>,
      %get3A_1763 = vector.shape_cast %get3A_1762 : vector<1x16xi32> to vector<16xi32>
      %mul3A_1764 = arith.constant 2 : i32
      %mul3A_1765 = vector.broadcast %mul3A_1764 : i32 to vector<16xi32>
      %mul3A_1766 = arith.muli %get3A_1763, %mul3A_1765 : vector<16xi32>
      %add3A_1767 = arith.addi %mul3A_1766, %add3A_5 : vector<16xi32>
      %swap3A_1768 = arith.index_cast %add3A_1759 : i32 to index
      %swap3A_1769 = arith.constant 0 : index
      %swap3A_1770 = tpu.vector_load %arg6[%swap3A_1768, %swap3A_1769] {strides = array<i32>} : memref<250x80xi32, #tpu.memory_space<vmem>>, vector<1x16xi32>,
      %swap3A_1771 = vector.shape_cast %swap3A_1770 : vector<1x16xi32> to vector<16xi32>
      %swap3A_1772 = vector.shape_cast %add3A_1767 : vector<16xi32> to vector<1x16xi32>
      tpu.vector_store %arg6[%swap3A_1768, %swap3A_1769], %swap3A_1772 {strides = array<i32>} : memref<250x80xi32, #tpu.memory_space<vmem>>, vector<1x16xi32>,
      %get3A_1773 = arith.index_cast %add3A_1759 : i32 to index
      %get3A_1774 = arith.constant 16 : index
      %get3A_1775 = tpu.vector_load %arg6[%get3A_1773, %get3A_1774] {strides = array<i32>} : memref<250x80xi32, #tpu.memory_space<vmem>>, vector<1x16xi32>,
      %get3A_1776 = vector.shape_cast %get3A_1775 : vector<1x16xi32> to vector<16xi32>
      %mul3A_1777 = arith.constant 2 : i32
      %mul3A_1778 = vector.broadcast %mul3A_1777 : i32 to vector<16xi32>
      %mul3A_1779 = arith.muli %get3A_1776, %mul3A_1778 : vector<16xi32>
      %add3A_1780 = arith.addi %mul3A_1779, %add3A_5 : vector<16xi32>
      %swap3A_1781 = arith.index_cast %add3A_1759 : i32 to index
      %swap3A_1782 = arith.constant 16 : index
      %swap3A_1783 = tpu.vector_load %arg6[%swap3A_1781, %swap3A_1782] {strides = array<i32>} : memref<250x80xi32, #tpu.memory_space<vmem>>, vector<1x16xi32>,
      %swap3A_1784 = vector.shape_cast %swap3A_1783 : vector<1x16xi32> to vector<16xi32>
      %swap3A_1785 = vector.shape_cast %add3A_1780 : vector<16xi32> to vector<1x16xi32>
      tpu.vector_store %arg6[%swap3A_1781, %swap3A_1782], %swap3A_1785 {strides = array<i32>} : memref<250x80xi32, #tpu.memory_space<vmem>>, vector<1x16xi32>,
      %get3A_1786 = arith.index_cast %add3A_1759 : i32 to index
      %get3A_1787 = arith.constant 32 : index
      %get3A_1788 = tpu.vector_load %arg6[%get3A_1786, %get3A_1787] {strides = array<i32>} : memref<250x80xi32, #tpu.memory_space<vmem>>, vector<1x16xi32>,
      %get3A_1789 = vector.shape_cast %get3A_1788 : vector<1x16xi32> to vector<16xi32>
      %mul3A_1790 = arith.constant 2 : i32
      %mul3A_1791 = vector.broadcast %mul3A_1790 : i32 to vector<16xi32>
      %mul3A_1792 = arith.muli %get3A_1789, %mul3A_1791 : vector<16xi32>
      %add3A_1793 = arith.addi %mul3A_1792, %add3A_5 : vector<16xi32>
      %swap3A_1794 = arith.index_cast %add3A_1759 : i32 to index
      %swap3A_1795 = arith.constant 32 : index
      %swap3A_1796 = tpu.vector_load %arg6[%swap3A_1794, %swap3A_1795] {strides = array<i32>} : memref<250x80xi32, #tpu.memory_space<vmem>>, vector<1x16xi32>,
      %swap3A_1797 = vector.shape_cast %swap3A_1796 : vector<1x16xi32> to vector<16xi32>
      %swap3A_1798 = vector.shape_cast %add3A_1793 : vector<16xi32> to vector<1x16xi32>
      tpu.vector_store %arg6[%swap3A_1794, %swap3A_1795], %swap3A_1798 {strides = array<i32>} : memref<250x80xi32, #tpu.memory_space<vmem>>, vector<1x16xi32>,
      %get3A_1799 = arith.index_cast %add3A_1759 : i32 to index
      %get3A_1800 = arith.constant 48 : index
      %get3A_1801 = tpu.vector_load %arg6[%get3A_1799, %get3A_1800] {strides = array<i32>} : memref<250x80xi32, #tpu.memory_space<vmem>>, vector<1x16xi32>,
      %get3A_1802 = vector.shape_cast %get3A_1801 : vector<1x16xi32> to vector<16xi32>
      %mul3A_1803 = arith.constant 2 : i32
      %mul3A_1804 = vector.broadcast %mul3A_1803 : i32 to vector<16xi32>
      %mul3A_1805 = arith.muli %get3A_1802, %mul3A_1804 : vector<16xi32>
      %add3A_1806 = arith.addi %mul3A_1805, %add3A_5 : vector<16xi32>
      %swap3A_1807 = arith.index_cast %add3A_1759 : i32 to index
      %swap3A_1808 = arith.constant 48 : index
      %swap3A_1809 = tpu.vector_load %arg6[%swap3A_1807, %swap3A_1808] {strides = array<i32>} : memref<250x80xi32, #tpu.memory_space<vmem>>, vector<1x16xi32>,
      %swap3A_1810 = vector.shape_cast %swap3A_1809 : vector<1x16xi32> to vector<16xi32>
      %swap3A_1811 = vector.shape_cast %add3A_1806 : vector<16xi32> to vector<1x16xi32>
      tpu.vector_store %arg6[%swap3A_1807, %swap3A_1808], %swap3A_1811 {strides = array<i32>} : memref<250x80xi32, #tpu.memory_space<vmem>>, vector<1x16xi32>,
      %get3A_1812 = arith.index_cast %add3A_1759 : i32 to index
      %get3A_1813 = arith.constant 64 : index
      %get3A_1814 = tpu.vector_load %arg6[%get3A_1812, %get3A_1813] {strides = array<i32>} : memref<250x80xi32, #tpu.memory_space<vmem>>, vector<1x16xi32>,
      %get3A_1815 = vector.shape_cast %get3A_1814 : vector<1x16xi32> to vector<16xi32>
      %mul3A_1816 = arith.constant 2 : i32
      %mul3A_1817 = vector.broadcast %mul3A_1816 : i32 to vector<16xi32>
      %mul3A_1818 = arith.muli %get3A_1815, %mul3A_1817 : vector<16xi32>
      %add3A_1819 = arith.addi %mul3A_1818, %add3A_5 : vector<16xi32>
      %swap3A_1820 = arith.index_cast %add3A_1759 : i32 to index
      %swap3A_1821 = arith.constant 64 : index
      %swap3A_1822 = tpu.vector_load %arg6[%swap3A_1820, %swap3A_1821] {strides = array<i32>} : memref<250x80xi32, #tpu.memory_space<vmem>>, vector<1x16xi32>,
      %swap3A_1823 = vector.shape_cast %swap3A_1822 : vector<1x16xi32> to vector<16xi32>
      %swap3A_1824 = vector.shape_cast %add3A_1819 : vector<16xi32> to vector<1x16xi32>
      tpu.vector_store %arg6[%swap3A_1820, %swap3A_1821], %swap3A_1824 {strides = array<i32>} : memref<250x80xi32, #tpu.memory_space<vmem>>, vector<1x16xi32>,
      %dma_wait3A_1825 = arith.constant 0 : i32
      %dma_wait3A_1826 = tpu.memref_slice %arg6[%add3A_1757, %dma_wait3A_1825] : memref<250x80xi32, #tpu.memory_space<vmem>> -> memref<1x80xi32, #tpu.memory_space<vmem>>
      %dma_wait3A_1827 = tpu.memref_squeeze %dma_wait3A_1826 : memref<1x80xi32, #tpu.memory_space<vmem>> -> memref<80xi32, #tpu.memory_space<vmem>>
      %dma_wait3A_1828 = arith.constant 0 : i32
      %dma_wait3A_1829 = arith.constant 0 : i32
      %dma_wait3A_1830 = tpu.memref_slice %arg2[%dma_wait3A_1828, %dma_wait3A_1829] : memref<20000x64xf32, #tpu.memory_space<hbm>> -> memref<20000x64xf32, #tpu.memory_space<hbm>>
      tpu.wait_indirect_dma semaphore(%arg12 : memref<!tpu.dma_semaphore, #tpu.memory_space<semaphore_mem>>) src(%dma_wait3A_1830 : memref<20000x64xf32, #tpu.memory_space<hbm>>) dst(%arg20 : memref<80x64xf32, #tpu.memory_space<vmem>>)
      %dma_start3A_1831 = arith.constant 0 : i32
      %dma_start3A_1832 = tpu.memref_slice %arg7[%add3A_1757, %dma_start3A_1831] : memref<250x80xi32, #tpu.memory_space<vmem>> -> memref<1x80xi32, #tpu.memory_space<vmem>>
      %dma_start3A_1833 = tpu.memref_squeeze %dma_start3A_1832 : memref<1x80xi32, #tpu.memory_space<vmem>> -> memref<80xi32, #tpu.memory_space<vmem>>
      %dma_start3A_1834 = arith.constant 0 : i32
      %dma_start3A_1835 = arith.constant 0 : i32
      %dma_start3A_1836 = tpu.memref_slice %arg10[%dma_start3A_1834, %dma_start3A_1835] : memref<10240x64xf32, #tpu.memory_space<vmem_shared>> -> memref<10240x64xf32, #tpu.memory_space<vmem_shared>>
      tpu.enqueue_indirect_dma source(%arg20 : memref<80x64xf32, #tpu.memory_space<vmem>>) target(%dma_start3A_1836 : memref<10240x64xf32, #tpu.memory_space<vmem_shared>>) offsets(%dma_start3A_1833 : memref<80xi32, #tpu.memory_space<vmem>>) semaphore(%arg13 : memref<!tpu.dma_semaphore, #tpu.memory_space<semaphore_mem>>) {add = true}
      %dma_wait3A_1837 = arith.constant 0 : i32
      %dma_wait3A_1838 = arith.constant 0 : i32
      %dma_wait3A_1839 = tpu.memref_slice %arg7[%dma_wait3A_1837, %dma_wait3A_1838] : memref<250x80xi32, #tpu.memory_space<vmem>> -> memref<1x80xi32, #tpu.memory_space<vmem>>
      %dma_wait3A_1840 = tpu.memref_squeeze %dma_wait3A_1839 : memref<1x80xi32, #tpu.memory_space<vmem>> -> memref<80xi32, #tpu.memory_space<vmem>>
      %dma_wait3A_1841 = arith.constant 0 : i32
      %dma_wait3A_1842 = arith.constant 0 : i32
      %dma_wait3A_1843 = tpu.memref_slice %arg10[%dma_wait3A_1841, %dma_wait3A_1842] : memref<10240x64xf32, #tpu.memory_space<vmem_shared>> -> memref<10240x64xf32, #tpu.memory_space<vmem_shared>>
      tpu.wait_indirect_dma semaphore(%arg13 : memref<!tpu.dma_semaphore, #tpu.memory_space<semaphore_mem>>) src(%arg15 : memref<80x64xf32, #tpu.memory_space<vmem>>) dst(%dma_wait3A_1843 : memref<10240x64xf32, #tpu.memory_space<vmem_shared>>)
      %add3A_1844 = arith.constant 5 : i32
      %add3A_1845 = arith.addi %add3A_1757, %add3A_1844 : i32
      %dma_start3A_1846 = arith.constant 0 : i32
      %dma_start3A_1847 = tpu.memref_slice %arg6[%add3A_1845, %dma_start3A_1846] : memref<250x80xi32, #tpu.memory_space<vmem>> -> memref<1x80xi32, #tpu.memory_space<vmem>>
      %dma_start3A_1848 = tpu.memref_squeeze %dma_start3A_1847 : memref<1x80xi32, #tpu.memory_space<vmem>> -> memref<80xi32, #tpu.memory_space<vmem>>
      %dma_start3A_1849 = arith.constant 0 : i32
      %dma_start3A_1850 = arith.constant 0 : i32
      %dma_start3A_1851 = tpu.memref_slice %arg2[%dma_start3A_1849, %dma_start3A_1850] : memref<20000x64xf32, #tpu.memory_space<hbm>> -> memref<20000x64xf32, #tpu.memory_space<hbm>>
      tpu.enqueue_indirect_dma source(%dma_start3A_1851 : memref<20000x64xf32, #tpu.memory_space<hbm>>) target(%arg18 : memref<80x64xf32, #tpu.memory_space<vmem>>) offsets(%dma_start3A_1848 : memref<80xi32, #tpu.memory_space<vmem>>) semaphore(%arg12 : memref<!tpu.dma_semaphore, #tpu.memory_space<semaphore_mem>>)
      %add3A_1852 = arith.constant 6 : i32
      %add3A_1853 = arith.addi %add3A_1275, %add3A_1852 : i32
      %add3A_1854 = arith.constant 5 : i32
      %add3A_1855 = arith.addi %add3A_1853, %add3A_1854 : i32
      %get3A_1856 = arith.index_cast %add3A_1855 : i32 to index
      %get3A_1857 = arith.constant 0 : index
      %get3A_1858 = tpu.vector_load %arg6[%get3A_1856, %get3A_1857] {strides = array<i32>} : memref<250x80xi32, #tpu.memory_space<vmem>>, vector<1x16xi32>,
      %get3A_1859 = vector.shape_cast %get3A_1858 : vector<1x16xi32> to vector<16xi32>
      %mul3A_1860 = arith.constant 2 : i32
      %mul3A_1861 = vector.broadcast %mul3A_1860 : i32 to vector<16xi32>
      %mul3A_1862 = arith.muli %get3A_1859, %mul3A_1861 : vector<16xi32>
      %add3A_1863 = arith.addi %mul3A_1862, %add3A_5 : vector<16xi32>
      %swap3A_1864 = arith.index_cast %add3A_1855 : i32 to index
      %swap3A_1865 = arith.constant 0 : index
      %swap3A_1866 = tpu.vector_load %arg6[%swap3A_1864, %swap3A_1865] {strides = array<i32>} : memref<250x80xi32, #tpu.memory_space<vmem>>, vector<1x16xi32>,
      %swap3A_1867 = vector.shape_cast %swap3A_1866 : vector<1x16xi32> to vector<16xi32>
      %swap3A_1868 = vector.shape_cast %add3A_1863 : vector<16xi32> to vector<1x16xi32>
      tpu.vector_store %arg6[%swap3A_1864, %swap3A_1865], %swap3A_1868 {strides = array<i32>} : memref<250x80xi32, #tpu.memory_space<vmem>>, vector<1x16xi32>,
      %get3A_1869 = arith.index_cast %add3A_1855 : i32 to index
      %get3A_1870 = arith.constant 16 : index
      %get3A_1871 = tpu.vector_load %arg6[%get3A_1869, %get3A_1870] {strides = array<i32>} : memref<250x80xi32, #tpu.memory_space<vmem>>, vector<1x16xi32>,
      %get3A_1872 = vector.shape_cast %get3A_1871 : vector<1x16xi32> to vector<16xi32>
      %mul3A_1873 = arith.constant 2 : i32
      %mul3A_1874 = vector.broadcast %mul3A_1873 : i32 to vector<16xi32>
      %mul3A_1875 = arith.muli %get3A_1872, %mul3A_1874 : vector<16xi32>
      %add3A_1876 = arith.addi %mul3A_1875, %add3A_5 : vector<16xi32>
      %swap3A_1877 = arith.index_cast %add3A_1855 : i32 to index
      %swap3A_1878 = arith.constant 16 : index
      %swap3A_1879 = tpu.vector_load %arg6[%swap3A_1877, %swap3A_1878] {strides = array<i32>} : memref<250x80xi32, #tpu.memory_space<vmem>>, vector<1x16xi32>,
      %swap3A_1880 = vector.shape_cast %swap3A_1879 : vector<1x16xi32> to vector<16xi32>
      %swap3A_1881 = vector.shape_cast %add3A_1876 : vector<16xi32> to vector<1x16xi32>
      tpu.vector_store %arg6[%swap3A_1877, %swap3A_1878], %swap3A_1881 {strides = array<i32>} : memref<250x80xi32, #tpu.memory_space<vmem>>, vector<1x16xi32>,
      %get3A_1882 = arith.index_cast %add3A_1855 : i32 to index
      %get3A_1883 = arith.constant 32 : index
      %get3A_1884 = tpu.vector_load %arg6[%get3A_1882, %get3A_1883] {strides = array<i32>} : memref<250x80xi32, #tpu.memory_space<vmem>>, vector<1x16xi32>,
      %get3A_1885 = vector.shape_cast %get3A_1884 : vector<1x16xi32> to vector<16xi32>
      %mul3A_1886 = arith.constant 2 : i32
      %mul3A_1887 = vector.broadcast %mul3A_1886 : i32 to vector<16xi32>
      %mul3A_1888 = arith.muli %get3A_1885, %mul3A_1887 : vector<16xi32>
      %add3A_1889 = arith.addi %mul3A_1888, %add3A_5 : vector<16xi32>
      %swap3A_1890 = arith.index_cast %add3A_1855 : i32 to index
      %swap3A_1891 = arith.constant 32 : index
      %swap3A_1892 = tpu.vector_load %arg6[%swap3A_1890, %swap3A_1891] {strides = array<i32>} : memref<250x80xi32, #tpu.memory_space<vmem>>, vector<1x16xi32>,
      %swap3A_1893 = vector.shape_cast %swap3A_1892 : vector<1x16xi32> to vector<16xi32>
      %swap3A_1894 = vector.shape_cast %add3A_1889 : vector<16xi32> to vector<1x16xi32>
      tpu.vector_store %arg6[%swap3A_1890, %swap3A_1891], %swap3A_1894 {strides = array<i32>} : memref<250x80xi32, #tpu.memory_space<vmem>>, vector<1x16xi32>,
      %get3A_1895 = arith.index_cast %add3A_1855 : i32 to index
      %get3A_1896 = arith.constant 48 : index
      %get3A_1897 = tpu.vector_load %arg6[%get3A_1895, %get3A_1896] {strides = array<i32>} : memref<250x80xi32, #tpu.memory_space<vmem>>, vector<1x16xi32>,
      %get3A_1898 = vector.shape_cast %get3A_1897 : vector<1x16xi32> to vector<16xi32>
      %mul3A_1899 = arith.constant 2 : i32
      %mul3A_1900 = vector.broadcast %mul3A_1899 : i32 to vector<16xi32>
      %mul3A_1901 = arith.muli %get3A_1898, %mul3A_1900 : vector<16xi32>
      %add3A_1902 = arith.addi %mul3A_1901, %add3A_5 : vector<16xi32>
      %swap3A_1903 = arith.index_cast %add3A_1855 : i32 to index
      %swap3A_1904 = arith.constant 48 : index
      %swap3A_1905 = tpu.vector_load %arg6[%swap3A_1903, %swap3A_1904] {strides = array<i32>} : memref<250x80xi32, #tpu.memory_space<vmem>>, vector<1x16xi32>,
      %swap3A_1906 = vector.shape_cast %swap3A_1905 : vector<1x16xi32> to vector<16xi32>
      %swap3A_1907 = vector.shape_cast %add3A_1902 : vector<16xi32> to vector<1x16xi32>
      tpu.vector_store %arg6[%swap3A_1903, %swap3A_1904], %swap3A_1907 {strides = array<i32>} : memref<250x80xi32, #tpu.memory_space<vmem>>, vector<1x16xi32>,
      %get3A_1908 = arith.index_cast %add3A_1855 : i32 to index
      %get3A_1909 = arith.constant 64 : index
      %get3A_1910 = tpu.vector_load %arg6[%get3A_1908, %get3A_1909] {strides = array<i32>} : memref<250x80xi32, #tpu.memory_space<vmem>>, vector<1x16xi32>,
      %get3A_1911 = vector.shape_cast %get3A_1910 : vector<1x16xi32> to vector<16xi32>
      %mul3A_1912 = arith.constant 2 : i32
      %mul3A_1913 = vector.broadcast %mul3A_1912 : i32 to vector<16xi32>
      %mul3A_1914 = arith.muli %get3A_1911, %mul3A_1913 : vector<16xi32>
      %add3A_1915 = arith.addi %mul3A_1914, %add3A_5 : vector<16xi32>
      %swap3A_1916 = arith.index_cast %add3A_1855 : i32 to index
      %swap3A_1917 = arith.constant 64 : index
      %swap3A_1918 = tpu.vector_load %arg6[%swap3A_1916, %swap3A_1917] {strides = array<i32>} : memref<250x80xi32, #tpu.memory_space<vmem>>, vector<1x16xi32>,
      %swap3A_1919 = vector.shape_cast %swap3A_1918 : vector<1x16xi32> to vector<16xi32>
      %swap3A_1920 = vector.shape_cast %add3A_1915 : vector<16xi32> to vector<1x16xi32>
      tpu.vector_store %arg6[%swap3A_1916, %swap3A_1917], %swap3A_1920 {strides = array<i32>} : memref<250x80xi32, #tpu.memory_space<vmem>>, vector<1x16xi32>,
      %dma_wait3A_1921 = arith.constant 0 : i32
      %dma_wait3A_1922 = tpu.memref_slice %arg6[%add3A_1853, %dma_wait3A_1921] : memref<250x80xi32, #tpu.memory_space<vmem>> -> memref<1x80xi32, #tpu.memory_space<vmem>>
      %dma_wait3A_1923 = tpu.memref_squeeze %dma_wait3A_1922 : memref<1x80xi32, #tpu.memory_space<vmem>> -> memref<80xi32, #tpu.memory_space<vmem>>
      %dma_wait3A_1924 = arith.constant 0 : i32
      %dma_wait3A_1925 = arith.constant 0 : i32
      %dma_wait3A_1926 = tpu.memref_slice %arg2[%dma_wait3A_1924, %dma_wait3A_1925] : memref<20000x64xf32, #tpu.memory_space<hbm>> -> memref<20000x64xf32, #tpu.memory_space<hbm>>
      tpu.wait_indirect_dma semaphore(%arg12 : memref<!tpu.dma_semaphore, #tpu.memory_space<semaphore_mem>>) src(%dma_wait3A_1926 : memref<20000x64xf32, #tpu.memory_space<hbm>>) dst(%arg21 : memref<80x64xf32, #tpu.memory_space<vmem>>)
      %dma_start3A_1927 = arith.constant 0 : i32
      %dma_start3A_1928 = tpu.memref_slice %arg7[%add3A_1853, %dma_start3A_1927] : memref<250x80xi32, #tpu.memory_space<vmem>> -> memref<1x80xi32, #tpu.memory_space<vmem>>
      %dma_start3A_1929 = tpu.memref_squeeze %dma_start3A_1928 : memref<1x80xi32, #tpu.memory_space<vmem>> -> memref<80xi32, #tpu.memory_space<vmem>>
      %dma_start3A_1930 = arith.constant 0 : i32
      %dma_start3A_1931 = arith.constant 0 : i32
      %dma_start3A_1932 = tpu.memref_slice %arg10[%dma_start3A_1930, %dma_start3A_1931] : memref<10240x64xf32, #tpu.memory_space<vmem_shared>> -> memref<10240x64xf32, #tpu.memory_space<vmem_shared>>
      tpu.enqueue_indirect_dma source(%arg21 : memref<80x64xf32, #tpu.memory_space<vmem>>) target(%dma_start3A_1932 : memref<10240x64xf32, #tpu.memory_space<vmem_shared>>) offsets(%dma_start3A_1929 : memref<80xi32, #tpu.memory_space<vmem>>) semaphore(%arg13 : memref<!tpu.dma_semaphore, #tpu.memory_space<semaphore_mem>>) {add = true}
      %dma_wait3A_1933 = arith.constant 0 : i32
      %dma_wait3A_1934 = arith.constant 0 : i32
      %dma_wait3A_1935 = tpu.memref_slice %arg7[%dma_wait3A_1933, %dma_wait3A_1934] : memref<250x80xi32, #tpu.memory_space<vmem>> -> memref<1x80xi32, #tpu.memory_space<vmem>>
      %dma_wait3A_1936 = tpu.memref_squeeze %dma_wait3A_1935 : memref<1x80xi32, #tpu.memory_space<vmem>> -> memref<80xi32, #tpu.memory_space<vmem>>
      %dma_wait3A_1937 = arith.constant 0 : i32
      %dma_wait3A_1938 = arith.constant 0 : i32
      %dma_wait3A_1939 = tpu.memref_slice %arg10[%dma_wait3A_1937, %dma_wait3A_1938] : memref<10240x64xf32, #tpu.memory_space<vmem_shared>> -> memref<10240x64xf32, #tpu.memory_space<vmem_shared>>
      tpu.wait_indirect_dma semaphore(%arg13 : memref<!tpu.dma_semaphore, #tpu.memory_space<semaphore_mem>>) src(%arg15 : memref<80x64xf32, #tpu.memory_space<vmem>>) dst(%dma_wait3A_1939 : memref<10240x64xf32, #tpu.memory_space<vmem_shared>>)
      %add3A_1940 = arith.constant 5 : i32
      %add3A_1941 = arith.addi %add3A_1853, %add3A_1940 : i32
      %dma_start3A_1942 = arith.constant 0 : i32
      %dma_start3A_1943 = tpu.memref_slice %arg6[%add3A_1941, %dma_start3A_1942] : memref<250x80xi32, #tpu.memory_space<vmem>> -> memref<1x80xi32, #tpu.memory_space<vmem>>
      %dma_start3A_1944 = tpu.memref_squeeze %dma_start3A_1943 : memref<1x80xi32, #tpu.memory_space<vmem>> -> memref<80xi32, #tpu.memory_space<vmem>>
      %dma_start3A_1945 = arith.constant 0 : i32
      %dma_start3A_1946 = arith.constant 0 : i32
      %dma_start3A_1947 = tpu.memref_slice %arg2[%dma_start3A_1945, %dma_start3A_1946] : memref<20000x64xf32, #tpu.memory_space<hbm>> -> memref<20000x64xf32, #tpu.memory_space<hbm>>
      tpu.enqueue_indirect_dma source(%dma_start3A_1947 : memref<20000x64xf32, #tpu.memory_space<hbm>>) target(%arg19 : memref<80x64xf32, #tpu.memory_space<vmem>>) offsets(%dma_start3A_1944 : memref<80xi32, #tpu.memory_space<vmem>>) semaphore(%arg12 : memref<!tpu.dma_semaphore, #tpu.memory_space<semaphore_mem>>)
    }
    %scan3A_1172 = arith.constant 34 : i32
    %dma_wait3A_1173 = arith.constant 245 : i32
    %dma_wait3A_1174 = arith.constant 0 : i32
    %dma_wait3A_1175 = tpu.memref_slice %arg6[%dma_wait3A_1173, %dma_wait3A_1174] : memref<250x80xi32, #tpu.memory_space<vmem>> -> memref<1x80xi32, #tpu.memory_space<vmem>>
    %dma_wait3A_1176 = tpu.memref_squeeze %dma_wait3A_1175 : memref<1x80xi32, #tpu.memory_space<vmem>> -> memref<80xi32, #tpu.memory_space<vmem>>
    %dma_wait3A_1177 = arith.constant 0 : i32
    %dma_wait3A_1178 = arith.constant 0 : i32
    %dma_wait3A_1179 = tpu.memref_slice %arg2[%dma_wait3A_1177, %dma_wait3A_1178] : memref<20000x64xf32, #tpu.memory_space<hbm>> -> memref<20000x64xf32, #tpu.memory_space<hbm>>
    tpu.wait_indirect_dma semaphore(%arg12 : memref<!tpu.dma_semaphore, #tpu.memory_space<semaphore_mem>>) src(%dma_wait3A_1179 : memref<20000x64xf32, #tpu.memory_space<hbm>>) dst(%arg15 : memref<80x64xf32, #tpu.memory_space<vmem>>)
    %dma_start3A_1180 = arith.constant 245 : i32
    %dma_start3A_1181 = arith.constant 0 : i32
    %dma_start3A_1182 = tpu.memref_slice %arg7[%dma_start3A_1180, %dma_start3A_1181] : memref<250x80xi32, #tpu.memory_space<vmem>> -> memref<1x80xi32, #tpu.memory_space<vmem>>
    %dma_start3A_1183 = tpu.memref_squeeze %dma_start3A_1182 : memref<1x80xi32, #tpu.memory_space<vmem>> -> memref<80xi32, #tpu.memory_space<vmem>>
    %dma_start3A_1184 = arith.constant 0 : i32
    %dma_start3A_1185 = arith.constant 0 : i32
    %dma_start3A_1186 = tpu.memref_slice %arg10[%dma_start3A_1184, %dma_start3A_1185] : memref<10240x64xf32, #tpu.memory_space<vmem_shared>> -> memref<10240x64xf32, #tpu.memory_space<vmem_shared>>
    tpu.enqueue_indirect_dma source(%arg15 : memref<80x64xf32, #tpu.memory_space<vmem>>) target(%dma_start3A_1186 : memref<10240x64xf32, #tpu.memory_space<vmem_shared>>) offsets(%dma_start3A_1183 : memref<80xi32, #tpu.memory_space<vmem>>) semaphore(%arg13 : memref<!tpu.dma_semaphore, #tpu.memory_space<semaphore_mem>>) {add = true}
    %dma_wait3A_1187 = arith.constant 246 : i32
    %dma_wait3A_1188 = arith.constant 0 : i32
    %dma_wait3A_1189 = tpu.memref_slice %arg6[%dma_wait3A_1187, %dma_wait3A_1188] : memref<250x80xi32, #tpu.memory_space<vmem>> -> memref<1x80xi32, #tpu.memory_space<vmem>>
    %dma_wait3A_1190 = tpu.memref_squeeze %dma_wait3A_1189 : memref<1x80xi32, #tpu.memory_space<vmem>> -> memref<80xi32, #tpu.memory_space<vmem>>
    %dma_wait3A_1191 = arith.constant 0 : i32
    %dma_wait3A_1192 = arith.constant 0 : i32
    %dma_wait3A_1193 = tpu.memref_slice %arg2[%dma_wait3A_1191, %dma_wait3A_1192] : memref<20000x64xf32, #tpu.memory_space<hbm>> -> memref<20000x64xf32, #tpu.memory_space<hbm>>
    tpu.wait_indirect_dma semaphore(%arg12 : memref<!tpu.dma_semaphore, #tpu.memory_space<semaphore_mem>>) src(%dma_wait3A_1193 : memref<20000x64xf32, #tpu.memory_space<hbm>>) dst(%arg16 : memref<80x64xf32, #tpu.memory_space<vmem>>)
    %dma_start3A_1194 = arith.constant 246 : i32
    %dma_start3A_1195 = arith.constant 0 : i32
    %dma_start3A_1196 = tpu.memref_slice %arg7[%dma_start3A_1194, %dma_start3A_1195] : memref<250x80xi32, #tpu.memory_space<vmem>> -> memref<1x80xi32, #tpu.memory_space<vmem>>
    %dma_start3A_1197 = tpu.memref_squeeze %dma_start3A_1196 : memref<1x80xi32, #tpu.memory_space<vmem>> -> memref<80xi32, #tpu.memory_space<vmem>>
    %dma_start3A_1198 = arith.constant 0 : i32
    %dma_start3A_1199 = arith.constant 0 : i32
    %dma_start3A_1200 = tpu.memref_slice %arg10[%dma_start3A_1198, %dma_start3A_1199] : memref<10240x64xf32, #tpu.memory_space<vmem_shared>> -> memref<10240x64xf32, #tpu.memory_space<vmem_shared>>
    tpu.enqueue_indirect_dma source(%arg16 : memref<80x64xf32, #tpu.memory_space<vmem>>) target(%dma_start3A_1200 : memref<10240x64xf32, #tpu.memory_space<vmem_shared>>) offsets(%dma_start3A_1197 : memref<80xi32, #tpu.memory_space<vmem>>) semaphore(%arg13 : memref<!tpu.dma_semaphore, #tpu.memory_space<semaphore_mem>>) {add = true}
    %dma_wait3A_1201 = arith.constant 247 : i32
    %dma_wait3A_1202 = arith.constant 0 : i32
    %dma_wait3A_1203 = tpu.memref_slice %arg6[%dma_wait3A_1201, %dma_wait3A_1202] : memref<250x80xi32, #tpu.memory_space<vmem>> -> memref<1x80xi32, #tpu.memory_space<vmem>>
    %dma_wait3A_1204 = tpu.memref_squeeze %dma_wait3A_1203 : memref<1x80xi32, #tpu.memory_space<vmem>> -> memref<80xi32, #tpu.memory_space<vmem>>
    %dma_wait3A_1205 = arith.constant 0 : i32
    %dma_wait3A_1206 = arith.constant 0 : i32
    %dma_wait3A_1207 = tpu.memref_slice %arg2[%dma_wait3A_1205, %dma_wait3A_1206] : memref<20000x64xf32, #tpu.memory_space<hbm>> -> memref<20000x64xf32, #tpu.memory_space<hbm>>
    tpu.wait_indirect_dma semaphore(%arg12 : memref<!tpu.dma_semaphore, #tpu.memory_space<semaphore_mem>>) src(%dma_wait3A_1207 : memref<20000x64xf32, #tpu.memory_space<hbm>>) dst(%arg17 : memref<80x64xf32, #tpu.memory_space<vmem>>)
    %dma_start3A_1208 = arith.constant 247 : i32
    %dma_start3A_1209 = arith.constant 0 : i32
    %dma_start3A_1210 = tpu.memref_slice %arg7[%dma_start3A_1208, %dma_start3A_1209] : memref<250x80xi32, #tpu.memory_space<vmem>> -> memref<1x80xi32, #tpu.memory_space<vmem>>
    %dma_start3A_1211 = tpu.memref_squeeze %dma_start3A_1210 : memref<1x80xi32, #tpu.memory_space<vmem>> -> memref<80xi32, #tpu.memory_space<vmem>>
    %dma_start3A_1212 = arith.constant 0 : i32
    %dma_start3A_1213 = arith.constant 0 : i32
    %dma_start3A_1214 = tpu.memref_slice %arg10[%dma_start3A_1212, %dma_start3A_1213] : memref<10240x64xf32, #tpu.memory_space<vmem_shared>> -> memref<10240x64xf32, #tpu.memory_space<vmem_shared>>
    tpu.enqueue_indirect_dma source(%arg17 : memref<80x64xf32, #tpu.memory_space<vmem>>) target(%dma_start3A_1214 : memref<10240x64xf32, #tpu.memory_space<vmem_shared>>) offsets(%dma_start3A_1211 : memref<80xi32, #tpu.memory_space<vmem>>) semaphore(%arg13 : memref<!tpu.dma_semaphore, #tpu.memory_space<semaphore_mem>>) {add = true}
    %dma_wait3A_1215 = arith.constant 248 : i32
    %dma_wait3A_1216 = arith.constant 0 : i32
    %dma_wait3A_1217 = tpu.memref_slice %arg6[%dma_wait3A_1215, %dma_wait3A_1216] : memref<250x80xi32, #tpu.memory_space<vmem>> -> memref<1x80xi32, #tpu.memory_space<vmem>>
    %dma_wait3A_1218 = tpu.memref_squeeze %dma_wait3A_1217 : memref<1x80xi32, #tpu.memory_space<vmem>> -> memref<80xi32, #tpu.memory_space<vmem>>
    %dma_wait3A_1219 = arith.constant 0 : i32
    %dma_wait3A_1220 = arith.constant 0 : i32
    %dma_wait3A_1221 = tpu.memref_slice %arg2[%dma_wait3A_1219, %dma_wait3A_1220] : memref<20000x64xf32, #tpu.memory_space<hbm>> -> memref<20000x64xf32, #tpu.memory_space<hbm>>
    tpu.wait_indirect_dma semaphore(%arg12 : memref<!tpu.dma_semaphore, #tpu.memory_space<semaphore_mem>>) src(%dma_wait3A_1221 : memref<20000x64xf32, #tpu.memory_space<hbm>>) dst(%arg18 : memref<80x64xf32, #tpu.memory_space<vmem>>)
    %dma_start3A_1222 = arith.constant 248 : i32
    %dma_start3A_1223 = arith.constant 0 : i32
    %dma_start3A_1224 = tpu.memref_slice %arg7[%dma_start3A_1222, %dma_start3A_1223] : memref<250x80xi32, #tpu.memory_space<vmem>> -> memref<1x80xi32, #tpu.memory_space<vmem>>
    %dma_start3A_1225 = tpu.memref_squeeze %dma_start3A_1224 : memref<1x80xi32, #tpu.memory_space<vmem>> -> memref<80xi32, #tpu.memory_space<vmem>>
    %dma_start3A_1226 = arith.constant 0 : i32
    %dma_start3A_1227 = arith.constant 0 : i32
    %dma_start3A_1228 = tpu.memref_slice %arg10[%dma_start3A_1226, %dma_start3A_1227] : memref<10240x64xf32, #tpu.memory_space<vmem_shared>> -> memref<10240x64xf32, #tpu.memory_space<vmem_shared>>
    tpu.enqueue_indirect_dma source(%arg18 : memref<80x64xf32, #tpu.memory_space<vmem>>) target(%dma_start3A_1228 : memref<10240x64xf32, #tpu.memory_space<vmem_shared>>) offsets(%dma_start3A_1225 : memref<80xi32, #tpu.memory_space<vmem>>) semaphore(%arg13 : memref<!tpu.dma_semaphore, #tpu.memory_space<semaphore_mem>>) {add = true}
    %dma_wait3A_1229 = arith.constant 249 : i32
    %dma_wait3A_1230 = arith.constant 0 : i32
    %dma_wait3A_1231 = tpu.memref_slice %arg6[%dma_wait3A_1229, %dma_wait3A_1230] : memref<250x80xi32, #tpu.memory_space<vmem>> -> memref<1x80xi32, #tpu.memory_space<vmem>>
    %dma_wait3A_1232 = tpu.memref_squeeze %dma_wait3A_1231 : memref<1x80xi32, #tpu.memory_space<vmem>> -> memref<80xi32, #tpu.memory_space<vmem>>
    %dma_wait3A_1233 = arith.constant 0 : i32
    %dma_wait3A_1234 = arith.constant 0 : i32
    %dma_wait3A_1235 = tpu.memref_slice %arg2[%dma_wait3A_1233, %dma_wait3A_1234] : memref<20000x64xf32, #tpu.memory_space<hbm>> -> memref<20000x64xf32, #tpu.memory_space<hbm>>
    tpu.wait_indirect_dma semaphore(%arg12 : memref<!tpu.dma_semaphore, #tpu.memory_space<semaphore_mem>>) src(%dma_wait3A_1235 : memref<20000x64xf32, #tpu.memory_space<hbm>>) dst(%arg19 : memref<80x64xf32, #tpu.memory_space<vmem>>)
    %dma_start3A_1236 = arith.constant 249 : i32
    %dma_start3A_1237 = arith.constant 0 : i32
    %dma_start3A_1238 = tpu.memref_slice %arg7[%dma_start3A_1236, %dma_start3A_1237] : memref<250x80xi32, #tpu.memory_space<vmem>> -> memref<1x80xi32, #tpu.memory_space<vmem>>
    %dma_start3A_1239 = tpu.memref_squeeze %dma_start3A_1238 : memref<1x80xi32, #tpu.memory_space<vmem>> -> memref<80xi32, #tpu.memory_space<vmem>>
    %dma_start3A_1240 = arith.constant 0 : i32
    %dma_start3A_1241 = arith.constant 0 : i32
    %dma_start3A_1242 = tpu.memref_slice %arg10[%dma_start3A_1240, %dma_start3A_1241] : memref<10240x64xf32, #tpu.memory_space<vmem_shared>> -> memref<10240x64xf32, #tpu.memory_space<vmem_shared>>
    tpu.enqueue_indirect_dma source(%arg19 : memref<80x64xf32, #tpu.memory_space<vmem>>) target(%dma_start3A_1242 : memref<10240x64xf32, #tpu.memory_space<vmem_shared>>) offsets(%dma_start3A_1239 : memref<80xi32, #tpu.memory_space<vmem>>) semaphore(%arg13 : memref<!tpu.dma_semaphore, #tpu.memory_space<semaphore_mem>>) {add = true}
    %scan3A_1243 = arith.constant 0 : i32
    %scan3A_1244 = arith.constant 7 : i32
    %scan3A_1245 = arith.addi %scan3A_1243, %scan3A_1244 : i32
    %scan3A_1246 = arith.constant 1 : i32
    scf.for %scan3A_1271 = %scan3A_1243 to %scan3A_1245 step %scan3A_1246  : i32 {
      %mul3A_1272 = arith.constant 1 : i32
      %mul3A_1273 = arith.muli %scan3A_1271, %mul3A_1272 : i32
      %add3A_1274 = arith.constant 0 : i32
      %add3A_1275 = arith.addi %add3A_1274, %mul3A_1273 : i32
      %dma_wait3A_1276 = arith.constant 0 : i32
      %dma_wait3A_1277 = arith.constant 0 : i32
      %dma_wait3A_1278 = tpu.memref_slice %arg7[%dma_wait3A_1276, %dma_wait3A_1277] : memref<250x80xi32, #tpu.memory_space<vmem>> -> memref<1x80xi32, #tpu.memory_space<vmem>>
      %dma_wait3A_1279 = tpu.memref_squeeze %dma_wait3A_1278 : memref<1x80xi32, #tpu.memory_space<vmem>> -> memref<80xi32, #tpu.memory_space<vmem>>
      %dma_wait3A_1280 = arith.constant 0 : i32
      %dma_wait3A_1281 = arith.constant 0 : i32
      %dma_wait3A_1282 = tpu.memref_slice %arg10[%dma_wait3A_1280, %dma_wait3A_1281] : memref<10240x64xf32, #tpu.memory_space<vmem_shared>> -> memref<10240x64xf32, #tpu.memory_space<vmem_shared>>
      tpu.wait_indirect_dma semaphore(%arg13 : memref<!tpu.dma_semaphore, #tpu.memory_space<semaphore_mem>>) src(%arg15 : memref<80x64xf32, #tpu.memory_space<vmem>>) dst(%dma_wait3A_1282 : memref<10240x64xf32, #tpu.memory_space<vmem_shared>>)
    }
    %scan3A_1247 = arith.constant 7 : i32
    %mul3A_1248 = arith.constant 125 : i32
    %mul3A_1249 = arith.muli %arg0, %mul3A_1248 : i32
    %scan3A_1250 = arith.constant 0 : i32
    %scan3A_1251 = arith.constant 125 : i32
    %scan3A_1252 = arith.addi %scan3A_1250, %scan3A_1251 : i32
    %scan3A_1253 = arith.constant 1 : i32
    scf.for %scan3A_1271 = %scan3A_1250 to %scan3A_1252 step %scan3A_1253  : i32 {
      %mul3A_1272 = arith.constant 1 : i32
      %mul3A_1273 = arith.muli %scan3A_1271, %mul3A_1272 : i32
      %add3A_1274 = arith.constant 0 : i32
      %add3A_1275 = arith.addi %add3A_1274, %mul3A_1273 : i32
      %add3A_1276 = arith.addi %mul3A_1249, %add3A_1275 : i32
      %dma_start3A_1277 = arith.constant 0 : i32
      %dma_start3A_1278 = tpu.memref_slice %arg7[%add3A_1276, %dma_start3A_1277] : memref<250x80xi32, #tpu.memory_space<vmem>> -> memref<1x80xi32, #tpu.memory_space<vmem>>
      %dma_start3A_1279 = tpu.memref_squeeze %dma_start3A_1278 : memref<1x80xi32, #tpu.memory_space<vmem>> -> memref<80xi32, #tpu.memory_space<vmem>>
      %dma_start3A_1280 = arith.constant 0 : i32
      %dma_start3A_1281 = arith.constant 0 : i32
      %dma_start3A_1282 = tpu.memref_slice %arg11[%dma_start3A_1280, %dma_start3A_1281] : memref<10240x16xf32, #tpu.memory_space<vmem_shared>> -> memref<10240x16xf32, #tpu.memory_space<vmem_shared>>
      tpu.enqueue_indirect_dma source(%arg8 : memref<80x16xf32, #tpu.memory_space<vmem>>) target(%dma_start3A_1282 : memref<10240x16xf32, #tpu.memory_space<vmem_shared>>) offsets(%dma_start3A_1279 : memref<80xi32, #tpu.memory_space<vmem>>) semaphore(%arg14 : memref<!tpu.dma_semaphore, #tpu.memory_space<semaphore_mem>>) {add = true}
    }
    %scan3A_1254 = arith.constant 125 : i32
    %scan3A_1255 = arith.constant 0 : i32
    %scan3A_1256 = arith.constant 125 : i32
    %scan3A_1257 = arith.addi %scan3A_1255, %scan3A_1256 : i32
    %scan3A_1258 = arith.constant 1 : i32
    scf.for %scan3A_1271 = %scan3A_1255 to %scan3A_1257 step %scan3A_1258  : i32 {
      %mul3A_1272 = arith.constant 1 : i32
      %mul3A_1273 = arith.muli %scan3A_1271, %mul3A_1272 : i32
      %add3A_1274 = arith.constant 0 : i32
      %add3A_1275 = arith.addi %add3A_1274, %mul3A_1273 : i32
      %dma_wait3A_1276 = arith.constant 0 : i32
      %dma_wait3A_1277 = arith.constant 0 : i32
      %dma_wait3A_1278 = tpu.memref_slice %arg7[%dma_wait3A_1276, %dma_wait3A_1277] : memref<250x80xi32, #tpu.memory_space<vmem>> -> memref<1x80xi32, #tpu.memory_space<vmem>>
      %dma_wait3A_1279 = tpu.memref_squeeze %dma_wait3A_1278 : memref<1x80xi32, #tpu.memory_space<vmem>> -> memref<80xi32, #tpu.memory_space<vmem>>
      %dma_wait3A_1280 = arith.constant 0 : i32
      %dma_wait3A_1281 = arith.constant 0 : i32
      %dma_wait3A_1282 = tpu.memref_slice %arg11[%dma_wait3A_1280, %dma_wait3A_1281] : memref<10240x16xf32, #tpu.memory_space<vmem_shared>> -> memref<10240x16xf32, #tpu.memory_space<vmem_shared>>
      tpu.wait_indirect_dma semaphore(%arg14 : memref<!tpu.dma_semaphore, #tpu.memory_space<semaphore_mem>>) src(%arg8 : memref<80x16xf32, #tpu.memory_space<vmem>>) dst(%dma_wait3A_1282 : memref<10240x16xf32, #tpu.memory_space<vmem_shared>>)
    }
    %scan3A_1259 = arith.constant 125 : i32
    %barrier3A_1260 = arith.constant 0 : index
    tpu.barrier barrier_id(%barrier3A_1260)
    %mul3A_1261 = arith.constant 640 : i32
    %mul3A_1262 = arith.muli %arg1, %mul3A_1261 : i32
    %mul3A_1263 = arith.constant 640 : i32
    %mul3A_1264 = arith.muli %arg1, %mul3A_1263 : i32
    %mul3A_1265 = arith.constant 64 : i32
    %mul3A_1266 = arith.muli %arg0, %mul3A_1265 : i32
    "tpu.region"() ({
      %run_scoped3A = tpu.sem_alloc : memref<!tpu.dma_semaphore, #tpu.memory_space<semaphore_mem>>
      %dma_start3A_1271 = tpu.memref_slice %arg4[%mul3A_1264, %mul3A_1266] : memref<10240x128xf32, #tpu.memory_space<hbm>> -> memref<640x64xf32, #tpu.memory_space<hbm>>
      %dma_start3A_1272 = arith.constant 0 : i32
      %dma_start3A_1273 = tpu.memref_slice %arg10[%mul3A_1262, %dma_start3A_1272] : memref<10240x64xf32, #tpu.memory_space<vmem_shared>> -> memref<640x64xf32, #tpu.memory_space<vmem_shared>>
      tpu.enqueue_dma source(%dma_start3A_1273 : memref<640x64xf32, #tpu.memory_space<vmem_shared>>) target(%dma_start3A_1271 : memref<640x64xf32, #tpu.memory_space<hbm>>) target_semaphore(%run_scoped3A : memref<!tpu.dma_semaphore, #tpu.memory_space<semaphore_mem>>)
      %dma_wait3A_1274 = tpu.memref_slice %arg4[%mul3A_1264, %mul3A_1266] : memref<10240x128xf32, #tpu.memory_space<hbm>> -> memref<640x64xf32, #tpu.memory_space<hbm>>
      %dma_wait3A_1275 = arith.constant 0 : i32
      %dma_wait3A_1276 = tpu.memref_slice %arg10[%mul3A_1262, %dma_wait3A_1275] : memref<10240x64xf32, #tpu.memory_space<vmem_shared>> -> memref<640x64xf32, #tpu.memory_space<vmem_shared>>
      tpu.wait_dma2 semaphore(%run_scoped3A : memref<!tpu.dma_semaphore, #tpu.memory_space<semaphore_mem>>) src(%dma_wait3A_1276 : memref<640x64xf32, #tpu.memory_space<vmem_shared>>) dst(%dma_wait3A_1274 : memref<640x64xf32, #tpu.memory_space<hbm>>)
      tpu.yield
    }) : () -> ()
    %mul3A_1267 = arith.constant 640 : i32
    %mul3A_1268 = arith.muli %arg1, %mul3A_1267 : i32
    %mul3A_1269 = arith.constant 640 : i32
    %mul3A_1270 = arith.muli %arg1, %mul3A_1269 : i32
    "tpu.region"() ({
      %run_scoped3A = tpu.sem_alloc : memref<!tpu.dma_semaphore, #tpu.memory_space<semaphore_mem>>
      %dma_start3A_1271 = arith.constant 0 : i32
      %dma_start3A_1272 = tpu.memref_slice %arg5[%arg0, %mul3A_1270, %dma_start3A_1271] : memref<2x10240x16xf32, #tpu.memory_space<hbm>> -> memref<1x640x16xf32, #tpu.memory_space<hbm>>
      %dma_start3A_1273 = tpu.memref_squeeze %dma_start3A_1272 : memref<1x640x16xf32, #tpu.memory_space<hbm>> -> memref<640x16xf32, #tpu.memory_space<hbm>>
      %dma_start3A_1274 = arith.constant 0 : i32
      %dma_start3A_1275 = tpu.memref_slice %arg11[%mul3A_1268, %dma_start3A_1274] : memref<10240x16xf32, #tpu.memory_space<vmem_shared>> -> memref<640x16xf32, #tpu.memory_space<vmem_shared>>
      tpu.enqueue_dma source(%dma_start3A_1275 : memref<640x16xf32, #tpu.memory_space<vmem_shared>>) target(%dma_start3A_1273 : memref<640x16xf32, #tpu.memory_space<hbm>>) target_semaphore(%run_scoped3A : memref<!tpu.dma_semaphore, #tpu.memory_space<semaphore_mem>>)
      %dma_wait3A_1276 = arith.constant 0 : i32
      %dma_wait3A_1277 = tpu.memref_slice %arg5[%arg0, %mul3A_1270, %dma_wait3A_1276] : memref<2x10240x16xf32, #tpu.memory_space<hbm>> -> memref<1x640x16xf32, #tpu.memory_space<hbm>>
      %dma_wait3A_1278 = tpu.memref_squeeze %dma_wait3A_1277 : memref<1x640x16xf32, #tpu.memory_space<hbm>> -> memref<640x16xf32, #tpu.memory_space<hbm>>
      %dma_wait3A_1279 = arith.constant 0 : i32
      %dma_wait3A_1280 = tpu.memref_slice %arg11[%mul3A_1268, %dma_wait3A_1279] : memref<10240x16xf32, #tpu.memory_space<vmem_shared>> -> memref<640x16xf32, #tpu.memory_space<vmem_shared>>
      tpu.wait_dma2 semaphore(%run_scoped3A : memref<!tpu.dma_semaphore, #tpu.memory_space<semaphore_mem>>) src(%dma_wait3A_1280 : memref<640x16xf32, #tpu.memory_space<vmem_shared>>) dst(%dma_wait3A_1278 : memref<640x16xf32, #tpu.memory_space<hbm>>)
      tpu.yield
    }) : () -> ()
    return
  }
}

module attributes {stable_mosaic.version = 14 : i64} {
  func.func @body(%arg0: i32, %arg1: memref<2000x128xf32, #tpu.memory_space<vmem>>, %arg2: memref<2000x128xf32, #tpu.memory_space<vmem>>, %arg3: memref<2x2000x16xf32, #tpu.memory_space<vmem>>, %arg4: memref<128x128xf32, #tpu.memory_space<vmem>>, %arg5: memref<128x128xf32, #tpu.memory_space<vmem>>, %arg6: memref<1x128xf32, #tpu.memory_space<vmem>>, %arg7: memref<2000x128xf32, #tpu.memory_space<vmem>>) attributes {dimension_semantics = [#tpu.dimension_semantics<arbitrary>], iteration_bounds = array<i64: 5>, scalar_prefetch = 0 : i64, scratch_operands = 0 : i64, tpu.core_type = #tpu.core_type<tc>, window_params = [{transform_indices = @transform_0, window_bounds = array<i64: 2000, 128>}, {transform_indices = @transform_1, window_bounds = array<i64: 2000, 128>}, {transform_indices = @transform_2, window_bounds = array<i64: 2, 2000, 16>}, {pipeline_mode = #tpu.pipeline_mode<synchronous>, transform_indices = @transform_3, window_bounds = array<i64: 128, 128>}, {pipeline_mode = #tpu.pipeline_mode<synchronous>, transform_indices = @transform_4, window_bounds = array<i64: 128, 128>}, {pipeline_mode = #tpu.pipeline_mode<synchronous>, transform_indices = @transform_5, window_bounds = array<i64: 1, 128>}, {transform_indices = @transform_6, window_bounds = array<i64: 2000, 128>}]} {
    %get3A = arith.constant 0 : index
    %get3A_0 = arith.constant 0 : index
    %get3A_1 = arith.constant 0 : index
    %get3A_2 = vector.load %arg3[%get3A, %get3A_0, %get3A_1] : memref<2x2000x16xf32, #tpu.memory_space<vmem>>, vector<1x2000x16xf32>
    %get3A_3 = vector.shape_cast %get3A_2 : vector<1x2000x16xf32> to vector<2000x16xf32>
    %get3A_4 = arith.constant 1 : index
    %get3A_5 = arith.constant 0 : index
    %get3A_6 = arith.constant 0 : index
    %get3A_7 = vector.load %arg3[%get3A_4, %get3A_5, %get3A_6] : memref<2x2000x16xf32, #tpu.memory_space<vmem>>, vector<1x2000x16xf32>
    %get3A_8 = vector.shape_cast %get3A_7 : vector<1x2000x16xf32> to vector<2000x16xf32>
    %add3A = arith.addf %get3A_3, %get3A_8 : vector<2000x16xf32>
    %slice3A = vector.extract_strided_slice %add3A {offsets = [0, 0], sizes = [2000, 1], strides = [1, 1]} : vector<2000x16xf32> to vector<2000x1xf32>
    %max3A = arith.constant 1.000000e+00 : f32
    %max3A_9 = vector.broadcast %max3A : f32 to vector<2000x1xf32>
    %max3A_10 = arith.maximumf %slice3A, %max3A_9 : vector<2000x1xf32>
    %get3A_11 = arith.constant 0 : index
    %get3A_12 = arith.constant 0 : index
    %get3A_13 = vector.load %arg2[%get3A_11, %get3A_12] : memref<2000x128xf32, #tpu.memory_space<vmem>>, vector<2000x128xf32>
    %div3A = vector.broadcast %max3A_10 : vector<2000x1xf32> to vector<2000x128xf32>
    %div3A_14 = arith.divf %get3A_13, %div3A : vector<2000x128xf32>
    %get3A_15 = arith.constant 0 : index
    %get3A_16 = arith.constant 0 : index
    %get3A_17 = vector.load %arg1[%get3A_15, %get3A_16] : memref<2000x128xf32, #tpu.memory_space<vmem>>, vector<2000x128xf32>
    %get3A_18 = arith.constant 0 : index
    %get3A_19 = arith.constant 0 : index
    %get3A_20 = vector.load %arg4[%get3A_18, %get3A_19] : memref<128x128xf32, #tpu.memory_space<vmem>>, vector<128x128xf32>
    %dot_general3A = arith.constant dense<0.000000e+00> : vector<2000x128xf32>
    %dot_general3A_21 = tpu.matmul %get3A_17, %get3A_20, %dot_general3A {dimension_numbers = #tpu.dot_dimension_numbers<[1], [0], [0], [1], [0, 0, 1, 1], [], []>, transpose_lhs_hint = false} : vector<2000x128xf32>, vector<128x128xf32>, vector<2000x128xf32> -> vector<2000x128xf32>
    %get3A_22 = arith.constant 0 : index
    %get3A_23 = arith.constant 0 : index
    %get3A_24 = vector.load %arg5[%get3A_22, %get3A_23] : memref<128x128xf32, #tpu.memory_space<vmem>>, vector<128x128xf32>
    %dot_general3A_25 = arith.constant dense<0.000000e+00> : vector<2000x128xf32>
    %dot_general3A_26 = tpu.matmul %div3A_14, %get3A_24, %dot_general3A_25 {dimension_numbers = #tpu.dot_dimension_numbers<[1], [0], [0], [1], [0, 0, 1, 1], [], []>, transpose_lhs_hint = false} : vector<2000x128xf32>, vector<128x128xf32>, vector<2000x128xf32> -> vector<2000x128xf32>
    %add3A_27 = arith.addf %dot_general3A_21, %dot_general3A_26 : vector<2000x128xf32>
    %get3A_28 = arith.constant 0 : index
    %get3A_29 = arith.constant 0 : index
    %get3A_30 = vector.load %arg6[%get3A_28, %get3A_29] : memref<1x128xf32, #tpu.memory_space<vmem>>, vector<1x128xf32>
    %add3A_31 = vector.broadcast %get3A_30 : vector<1x128xf32> to vector<2000x128xf32>
    %add3A_32 = arith.addf %add3A_27, %add3A_31 : vector<2000x128xf32>
    %swap3A = arith.constant 0 : index
    %swap3A_33 = arith.constant 0 : index
    %swap3A_34 = vector.load %arg7[%swap3A, %swap3A_33] : memref<2000x128xf32, #tpu.memory_space<vmem>>, vector<2000x128xf32>
    tpu.vector_store %arg7[%swap3A, %swap3A_33], %add3A_32 {strides = array<i32>} : memref<2000x128xf32, #tpu.memory_space<vmem>>, vector<2000x128xf32>,
    return
  }
  func.func @transform_0(%arg0: i32) -> (i32, i32) {
    %c0_i32 = arith.constant 0 : i32
    %c0_i32_0 = arith.constant 0 : i32
    return %arg0, %c0_i32 : i32, i32
  }
  func.func @transform_1(%arg0: i32) -> (i32, i32) {
    %c0_i32 = arith.constant 0 : i32
    %c0_i32_0 = arith.constant 0 : i32
    return %arg0, %c0_i32 : i32, i32
  }
  func.func @transform_2(%arg0: i32) -> (i32, i32, i32) {
    %c0_i32 = arith.constant 0 : i32
    %c0_i32_0 = arith.constant 0 : i32
    %c0_i32_1 = arith.constant 0 : i32
    return %c0_i32, %arg0, %c0_i32_0 : i32, i32, i32
  }
  func.func @transform_3(%arg0: i32) -> (i32, i32) {
    %c0_i32 = arith.constant 0 : i32
    %c0_i32_0 = arith.constant 0 : i32
    %c0_i32_1 = arith.constant 0 : i32
    return %c0_i32, %c0_i32_0 : i32, i32
  }
  func.func @transform_4(%arg0: i32) -> (i32, i32) {
    %c0_i32 = arith.constant 0 : i32
    %c0_i32_0 = arith.constant 0 : i32
    %c0_i32_1 = arith.constant 0 : i32
    return %c0_i32, %c0_i32_0 : i32, i32
  }
  func.func @transform_5(%arg0: i32) -> (i32, i32) {
    %c0_i32 = arith.constant 0 : i32
    %c0_i32_0 = arith.constant 0 : i32
    %c0_i32_1 = arith.constant 0 : i32
    return %c0_i32, %c0_i32_0 : i32, i32
  }
  func.func @transform_6(%arg0: i32) -> (i32, i32) {
    %c0_i32 = arith.constant 0 : i32
    %c0_i32_0 = arith.constant 0 : i32
    return %arg0, %c0_i32 : i32, i32
  }
}

</mosaic_0001>

<sc_bundles>
// kernel: kernel.4.cloned.1.call-start
scs
__scs_entry_jumppad:
0x0: {  	(pc) =	sbr.rel $0x88, $3  }
0x1: {  	(tag) =	ssettag $0x0;
	lr =	simm.s32 $0x1  }
0x2: {  	[smem:$0x3F9C] =	sst lr;
	_ =	strace $0xD0000000  }
0x3: {  	_ = 	snop  }
0x4: {  	_ = 	snop  }
0x5: {  	_ = 	snop  }
0x6: {  	_ = 	snop  }
0x7: {  	_ = 	snop  }
__scs_overlays_trampoline_lowered:
0x8: {  	[smem:$0x3FAB] =	sst s0  }
0x9: {  	[smem:$0x3FAC] =	sst s1  }
0xa: {  	[smem:$0x3FAD] =	sst s2  }
0xb: {  	[smem:$0x3FAE] =	sst s3  }
0xc: {  	[smem:$0x3FAF] =	sst s4  }
0xd: {  	[smem:$0x3FB0] =	sst s5  }
0xe: {  	[smem:$0x3FB1] =	sst s6  }
0xf: {  	[smem:$0x3FB2] =	sst s7  }
0x10: {  	[smem:$0x3FB3] =	sst s8  }
0x11: {  	[smem:$0x3FB4] =	sst s9;
	s0 =	simm.s32 @!p0 $0x0  }
0x12: {  	s1 =	sld [smem:$0x3F9A];
	s0 =	simm.s32 @p0 $0x1  }
0x13: {  	[smem:$0x3FB5] =	sst s0;
	s0 =	simm.s32 @!p1 $0x0  }
0x14: {  	s2 =	sld [smem:$0x3F99];
	s0 =	simm.s32 @p1 $0x1  }
0x15: {  	[smem:$0x3FB6] =	sst s0;
	s0 =	simm.s32 @!p2 $0x0  }
0x16: {  	s3 =	sld [smem:$0x3FDB];
	s0 =	simm.s32 @p2 $0x1  }
0x17: {  	s4 =	simm.s32 $0x1BF5;
	[smem:$0x3FB8] =	sst s0  }
0x18: {  	s0 =	sld [smem:$0x3F9B];
	_ =	swait.ge [sflag:s4], $0x0  }
0x19: {  	s7 =	sld [smem:$0x3F9C]  }
0x1a: {  	s8 =	sadd.s32 $0xFFFFE003, lr  }
0x1b: {  	s9 =	sadd.s32 $0xFFFFFEF7, lr;
	s5 =	simm.s32 $0xFFFFFFFF;
	p2 =	slt.u32 s8, $0xFFFFF086  }
0x1c: {  	p1 =	slt.u32 s9, $0xF7A;
	s5 =	simm.s32 @!p2 $0x0  }
0x1d: {  	s5 =	simm.s32 @p1 $0x1;
	p0 =	seq.s32 s7, s2  }
0x1e: {  	s7 =	smul.u32 @!p0 $0xF7A, s2;
	p2 =	seq.s32 @!p0 s5, $0x0  }
0x1f: {  	s9 =	smul.u32 $0xF7A, s1;
	s8 =	simm.s32 @!p0 $0x1BF5;
	p2 =	por !p2, p0  }
0x20: {  	[sflag:s8] =	ssyncset.s32 @!p0 $0xFFFFF086;
	s6 =	sadd.s32 @!p0 s3, s7;
	s7 =	simm.s32 @!p0 $0x108  }
0x21: {  	s3 =	sadd.s32 s3, s9;
	s6 =	sadd.s32 @!p0 $0x88, s6;
	s7 =	simm.s32 @p2 $0x1082  }
0x22: {  	[simem:s7], [sflag:s8] =	dma.local @!p0 [hbm:s6], $0xF7A  }
0x23: {  	s9 =	sor.u32 $0xD0000000, s2;
	s6 =	simm.s32 $0x108;
	_ =	swait.ge @!p0 [sflag:s8], $0x0  }
0x24: {  	s3 =	sadd.s32 $0x88, s3;
	s6 =	simm.s32 @!p1 $0x1082;
	[sflag:s4] =	ssyncset.s32 $0xFFFFF086  }
0x25: {  	[simem:s6], [sflag:s4] =	dma.local [hbm:s3], $0xF7A  }
0x26: {  	[smem:$0x3F9C] =	sst s1;
	(tag) =	ssettag s2;
	_ =	strace s9  }
0x27: {  	s1 =	sld [smem:$0x3FAC]  }
0x28: {  	s2 =	sld [smem:$0x3FAD]  }
0x29: {  	s4 =	sld [smem:$0x3FAF]  }
0x2a: {  	p0 =	seq.s32 s5, $0x0;
	s5 =	sld [smem:$0x3FB0]  }
0x2b: {  	s6 =	sld [smem:$0x3FB1]  }
0x2c: {  	s7 =	sld [smem:$0x3FB2]  }
0x2d: {  	s3 =	simm.s32 $0x108;
	s8 =	sld [smem:$0x3FB3]  }
0x2e: {  	s3 =	simm.s32 @!p0 $0x1082;
	s9 =	sld [smem:$0x3FB4]  }
0x2f: {  	lr =	sadd.s32 s0, s3;
	s0 =	sld [smem:$0x3FAB]  }
0x30: {  	s3 =	sld [smem:$0x3FAE]  }
0x31: {  	[smem:$0x3FB7] =	sst s10  }
0x32: {  	s10 =	sld [smem:$0x3FB5];
	_ =	sdelay $0x3  }
0x33: {  	p0 =	seq.s32 s10, $0x1;
	s10 =	sld [smem:$0x3FB7];
	_ =	sdelay $0x3  }
0x34: {  	[smem:$0x3FB7] =	sst s10  }
0x35: {  	s10 =	sld [smem:$0x3FB6];
	_ =	sdelay $0x3  }
0x36: {  	p1 =	seq.s32 s10, $0x1;
	s10 =	sld [smem:$0x3FB7];
	_ =	sdelay $0x3  }
0x37: {  	[smem:$0x3FB7] =	sst s10  }
0x38: {  	s10 =	sld [smem:$0x3FB8]  }
0x39: {  	_ = 	snop;
	(pc) =	sbr.ind lr, $3  }
0x3a: {  	_ = 	snop  }
0x3b: {  	_ = 	snop  }
0x3c: {  	p2 =	seq.s32 s10, $0x1;
	s10 =	sld [smem:$0x3FB7]  }
0x3d: {  	_ =	shalt  }
0x3e: {  	_ =	shalt  }
0x3f: {  	_ =	shalt  }
0x40: {  	_ =	shalt  }
0x41: {  	_ =	shalt  }
0x42: {  	_ =	shalt  }
0x43: {  	_ =	shalt  }
0x44: {  	_ =	shalt  }
0x45: {  	_ =	shalt  }
0x46: {  	_ =	shalt  }
0x47: {  	_ =	shalt  }
0x48: {  	_ =	shalt  }
0x49: {  	_ =	shalt  }
0x4a: {  	_ =	shalt  }
0x4b: {  	_ =	shalt  }
0x4c: {  	_ =	shalt  }
0x4d: {  	_ =	shalt  }
0x4e: {  	_ =	shalt  }
0x4f: {  	_ =	shalt  }
0x50: {  	_ =	shalt  }
0x51: {  	_ =	shalt  }
0x52: {  	_ =	shalt  }
0x53: {  	_ =	shalt  }
0x54: {  	_ =	shalt  }
0x55: {  	_ =	shalt  }
0x56: {  	_ =	shalt  }
0x57: {  	_ =	shalt  }
0x58: {  	_ =	shalt  }
0x59: {  	_ =	shalt  }
0x5a: {  	_ =	shalt  }
0x5b: {  	_ =	shalt  }
0x5c: {  	_ =	shalt  }
0x5d: {  	_ =	shalt  }
0x5e: {  	_ =	shalt  }
0x5f: {  	_ =	shalt  }
0x60: {  	_ =	shalt  }
0x61: {  	_ =	shalt  }
0x62: {  	_ =	shalt  }
0x63: {  	_ =	shalt  }
0x64: {  	_ =	shalt  }
0x65: {  	_ =	shalt  }
0x66: {  	_ =	shalt  }
0x67: {  	_ =	shalt  }
0x68: {  	_ =	shalt  }
0x69: {  	_ =	shalt  }
0x6a: {  	_ =	shalt  }
0x6b: {  	_ =	shalt  }
0x6c: {  	_ =	shalt  }
0x6d: {  	_ =	shalt  }
0x6e: {  	_ =	shalt  }
0x6f: {  	_ =	shalt  }
0x70: {  	_ =	shalt  }
0x71: {  	_ =	shalt  }
0x72: {  	_ =	shalt  }
0x73: {  	_ =	shalt  }
0x74: {  	_ =	shalt  }
0x75: {  	_ =	shalt  }
0x76: {  	_ =	shalt  }
0x77: {  	_ =	shalt  }
0x78: {  	_ =	shalt  }
0x79: {  	_ =	shalt  }
0x7a: {  	_ =	shalt  }
0x7b: {  	_ =	shalt  }
0x7c: {  	_ =	shalt  }
0x7d: {  	_ =	shalt  }
0x7e: {  	_ =	shalt  }
0x7f: {  	_ =	shalt  }
0x80: {  	_ =	shalt  }
0x81: {  	_ =	shalt  }
0x82: {  	_ =	shalt  }
0x83: {  	_ =	shalt  }
0x84: {  	_ =	shalt  }
0x85: {  	_ =	shalt  }
0x86: {  	_ =	shalt  }
0x87: {  	_ =	shalt  }
.Lfunc_end0:
.L_simem_size_0:
called_computation_lowered:
.L_overlay_start_0:
0x88: {  	s2 =	sld [smem:$0x3FD9]  }
0x89: {  	s3 =	sld [smem:$0x3FFE];
	_ =	sdelay $0x1  }
0x8a: {  	s1 =	srdreg.scid  }
0x8b: {  	s0 =	sand.u32 $0x1, s1  }
0x8c: {  	s17 =	sshll.u32 s0, $0xA;
	s2 =	sadd.s32 s3, s2  }
0x8d: {  	s2 =	sadd.s32 s2, s17  }
0x8e: {  	[smem:$0x3FC3] =	sst s2  }
0x8f: {  	_ = 	snop  }
0x90: {  	s2 =	sld [smem:$0x3FC9]  }
0x91: {  	s18 =	sld [smem:$0x3FD0];
	(tm) =	ssettm $0x1  }
0x92: {  	s4 =	sld [smem:$0x3FFB];
	_ =	sdelay $0x3  }
0x93: {  	_ =	strace s4  }
0x94: {  	s4 =	sld [smem:$0x3FFC];
	_ =	sdelay $0x3  }
0x95: {  	_ =	strace s4  }
0x96: {  	s4 =	sld [smem:$0x3FFD];
	_ =	sdelay $0x3  }
0x97: {  	_ =	strace s4  }
0x98: {  	_ =	strace $0x8FFFFFFF  }
0x99: {  	s19 =	sld [smem:$0x3FDB];
	_ =	sdelay $0x1  }
0x9a: {  	s5 =	simm.s32 $_scs_section_size  }
0x9b: {  	s6 =	simm.s32 $_size__tile_overlayer_lowered;
	s7 =	simm.s32 $_tile_overlayer_lowered  }
0x9c: {  	s22 =	simm.s32 $0x1BFF;
	s21 =	sshll.u32 s7, $0x1;
	s4 =	sadd.s32 s5, s19  }
0x9d: {  	s8 =	simm.s32 $0x0;
	s20 =	sshll.u32 s6, $0x1;
	s6 =	sadd.s32 s21, s4  }
0x9e: {  	[timem:s8], [sflag:s22] =	dma.local [hbm:s6], s20  }
0x9f: {  	_ =	swait.ge [sflag:s22], s20  }
0xa0: {  	s5 =	ssub.s32 $0x0, s20;
	[sflag:s22] =	ssyncset.done $0x0  }
0xa1: {  	[sflag:s22] =	ssyncadd.s32 s5;
	_ =	sdelay $0x1  }
0xa2: {  	s23 =	simm.s32 $0x1B8B  }
0xa3: {  	_ =	swait.ge [sflag:s23], $0x1  }
0xa4: {  	[sflag:s23] =	ssyncset.done $0x0  }
0xa5: {  	s25 =	simm.s32 $0x1B8E;
	s24 =	sld [smem:$0x3FFE];
	[sflag:s23] =	ssyncadd.s32 $0xFFFFFFFF  }
0xa6: {  	s26 =	simm.s32 $execute0_lowered;
	[smem:$0x3FD2] =	sst s25  }
0xa7: {  	s6 =	sshll.u32 s26, $0x1;
	_ =	strace $0x80000046;
	[dreg:$0x1] =	wrdreg $0xFFFFFFFF  }
0xa8: {  	s28 =	simm.s32 $_size_execute0_lowered;
	s4 =	sadd.s32 s4, s6;
	[dreg:$0x0] =	wrdreg $0x0  }
0xa9: {  	s6 =	sshll.u32 s28, $0x1;
	[dreg:$0x2] =	wrdreg s4  }
0xaa: {  	[dreg:$0x3] =	wrdreg s6  }
0xab: {  	[dreg:$0x4] =	wrdreg $0xC0  }
0xac: {  	_ =	task [dreg:s8], $0x5FFFF  }
0xad: {  	[dreg:$0x1] =	wrdreg $0xFFFFFFFF  }
0xae: {  	[dreg:$0x0] =	wrdreg $0x60  }
0xaf: {  	[dreg:$0x2] =	wrdreg s2  }
0xb0: {  	[dreg:$0x3] =	wrdreg s18  }
0xb1: {  	[dreg:$0x4] =	wrdreg s24  }
0xb2: {  	[dreg:$0x5] =	wrdreg $0xA6400  }
0xb3: {  	[dreg:$0x6] =	wrdreg $0x146400  }
0xb4: {  	[dreg:$0x7] =	wrdreg $0x9  }
0xb5: {  	_ =	task.clear_ibuf [dreg:s8], $0x8FFFF;
	_ =	strace $0x90000046  }
0xb6: {  	s29 =	simm.s32 $0x9;
	_ =	strace $0x80000048  }
0xb7: {  	_ =	swait.ge [sflag:s29], $0x1  }
0xb8: {  	[sflag:s29] =	ssyncadd.s32 $0xFFFFFFFF  }
0xb9: {  	_ =	strace $0x90000048  }
0xba: {  	_ =	sfence  }
0xbb: {  	s30 =	sld [smem:$0x0];
	_ =	sdelay $0x2  }
0xbc: {  	s31 =	sshll.u32 s1, $0xD;
	s1 =	sshrl.u32 s1, $0x2  }
0xbd: {  	s3 =	sand.u32 $0x4000, s31;
	s1 =	sadd.s32 s1, s30  }
0xbe: {  	s0 =	sor.u32 s3, s0;
	s1 =	sshll.u32 s1, $0x11  }
0xbf: {  	s0 =	sor.u32 s1, s0  }
0xc0: {  	s0 =	sadd.s32 $0x8F2B, s0  }
0xc1: {  	[sflag:s0] =	ssyncadd.remote.s32 $0x1  }
0xc2: {  	_ =	sfence.sel $0xFFFF  }
0xc3: {  	[dreg:$0x0] =	wrdreg $0xFFFFFFFF;
	(pc) =	sbr.abs _section_cstart, $3  }
0xc4: {  	[dreg:$0x1] =	wrdreg $0xFFFFFFFF  }
0xc5: {  	_ =	task.clear_ibuf [dreg:s8], $0x2FFFF;
	_ =	strace $0x9FFFFFFF  }
0xc6: {  	(tm) =	ssettm $0x7FFFFFFF  }
0xc7: {  	_ =	shalt  }
tec
execute0_lowered:
.L_overlay_start_1:
0x0: {  	(tag) =	ssettag $0x1  }
0x1: {  	s1 =	rddreg [dreg:$0x0]  }
0x2: {  	s0 =	rddreg [dreg:$0x1]  }
0x3: {  	s2 =	rddreg [dreg:$0x2]  }
0x4: {  	s4 =	srdreg.scid;
	s12 =	stileid.u32  }
0x5: {  	s3 =	rddreg [dreg:$0x3];
	s6 =	smul.u32 $0x14000, s12  }
0x6: {  	s5 =	simm.s32 $0x0;
	s30 =	simm.s32 $0x16E40;
	s9 =	smul.u32 $0x2800, s12  }
0x7: {  	s18 =	sand.u32 $0x1, s4;
	s4 =	rddreg [dreg:$0x4];
	s11 =	smul.u32 $0x4E20, s12  }
0x8: {  	s31 =	simm.s32 $0xA140;
	[smem:$0x7FF] =	sst s5;
	s16 =	smul.u32 $0xA000, s12  }
0x9: {  	s7 =	smul.u32 $0x28000, s18;
	s8 =	sshll.u32 s18, $0x6;
	s13 =	ssub.s32 $0x2, s18  }
0xa: {  	_ =	strace $0x80000047;
	s6 =	sor.u32 s8, s6;
	s10 =	sshrl.u32 s13, $0x1  }
0xb: {  	s8 =	sshrl.u32 s11, $0x3;
	s11 =	smul.u32 $0x28000, s12;
	s7 =	sadd.s32 s9, s7  }
0xc: {  	s20 =	sshrl.u32 s16, $0x2;
	s6 =	sshrl.u32 s6, $0x3;
	s7 =	sshrl.u32 s7, $0x3  }
0xd: {  	s6 =	sadd.s32 s6, s2;
	s15 =	sshrl.u32 s11, $0x2;
	s2 =	sadd.s32 s7, s2  }
0xe: {  	s7 =	ssub.s32 s13, s10;
	s10 =	smul.u32 $0x280, s12;
	s13 =	sadd.s32 s0, s8  }
0xf: {  	s14 =	sadd.s32 $0xB800, s6;
	s8 =	sadd.s32 s15, s3;
	s0 =	sadd.s32 s9, s4  }
0x10: {  	[dreg:$0x6] =	wrdreg s14;
	s17 =	sadd.s32 $0x1800, s2;
	s19 =	smax.u32 s7, $0x1  }
0x11: {  	s2 =	sadd.s32 s20, s4;
	s28 =	sshrl.u32 s0, $0x3;
	[dreg:$0x7] =	wrdreg s17  }
0x12: {  	s29 =	sadd.s32 $0x9C40, s13;
	s0 =	simm.s32 $0x1;
	[dreg:$0x8] =	wrdreg s19  }
0x13: {  	s7 =	simm.s32 $0x2;
	s21 =	sor.u32 $0x50, s10;
	[dreg:$0x9] =	wrdreg s2  }
0x14: {  	s24 =	sadd.s32 $0xA0, s10;
	s26 =	sadd.s32 $0xF0, s10;
	s11 =	sadd.s32 $0x140, s10  }
0x15: {  	s15 =	sadd.s32 $0x190, s10;
	s17 =	sadd.s32 $0x1E0, s10;
	s22 =	sshll.u32 s21, $0x6  }
0x16: {  	s6 =	sshll.u32 s21, $0x4;
	s25 =	sshll.u32 s24, $0x6;
	s9 =	sshll.u32 s26, $0x4  }
0x17: {  	s12 =	sshll.u32 s11, $0x6;
	s16 =	sshll.u32 s15, $0x6;
	s19 =	sshll.u32 s17, $0x6  }
0x18: {  	s20 =	sshll.u32 s17, $0x4;
	s21 =	sadd.s32 $0x230, s10;
	s10 =	simm.s32 $0x18240  }
0x19: {  	s17 =	simm.s32 $0x3;
	s2 =	sadd.s32 s22, s3;
	s23 =	sadd.s32 s6, s4  }
0x1a: {  	s6 =	sadd.s32 s25, s3;
	s22 =	smul.u32 $0x9C40, s18;
	[dreg:$0xa] =	wrdreg s2  }
0x1b: {  	v0 =	vmov s18;
	s25 =	sshll.u32 s21, $0x4;
	s18 =	simm.s32 $0x4;
	[dreg:$0xb] =	wrdreg s23  }
0x1c: {  	s2 =	sshll.u32 s24, $0x4;
	[dreg:$0xc] =	wrdreg s6;
	s6 =	sshll.u32 s26, $0x6  }
0x1d: {  	s23 =	sadd.s32 s20, s4;
	s24 =	sshll.u32 s21, $0x6;
	s25 =	sadd.s32 s25, s4  }
0x1e: {  	s21 =	smov.u32 s13;
	s13 =	simm.s32 $0x1BE40;
	s2 =	sadd.s32 s2, s4  }
0x1f: {  	s24 =	sadd.s32 s24, s3;
	s26 =	sshrl.u32 s22, $0x2;
	s22 =	simm.s32 $0x8  }
0x20: {  	[dreg:$0xd] =	wrdreg s2;
	s2 =	sadd.s32 s6, s3;
	s6 =	sshll.u32 s11, $0x4  }
0x21: {  	s26 =	sadd.s32 $0x4E20, s26;
	[dreg:$0xe] =	wrdreg s2;
	s2 =	sadd.s32 s9, s4  }
0x22: {  	s11 =	simm.s32 $0x19640;
	s14 =	sadd.s32 s6, s4;
	[dreg:$0xf] =	wrdreg s2  }
0x23: {  	s6 =	sadd.s32 s16, s3;
	s2 =	sadd.s32 s12, s3;
	[dreg:$0x11] =	wrdreg s14  }
0x24: {  	s9 =	simm.s32 $0x50;
	[dreg:$0x10] =	wrdreg s2;
	s2 =	sshll.u32 s15, $0x4  }
0x25: {  	s16 =	simm.s32 $0x9C40;
	[dreg:$0x12] =	wrdreg s6;
	s2 =	sadd.s32 s2, s4  }
0x26: {  	s12 =	simm.s32 $0x1AA40;
	[dreg:$0x13] =	wrdreg s2;
	s2 =	sadd.s32 s19, s3  }
0x27: {  	v1 =	vimm.f32 $0.0e+00;
	v2 =	vimm.f32 $1.000000000e+00;
	s14 =	simm.s32 $0x1D240;
	s15 =	simm.s32 $0x1E640;
	[dreg:$0x14] =	wrdreg s2  }
.LBB2_1:
0x28: {  	s19 =	simm.s32 $0x0  }
0x29: {  	[tilespmem:s19+$0xA140] =	vst v1  }
0x2a: {  	s6 =	simm.s32 $0x16E60;
	[tilespmem:s19+$0x9C40] =	vst v2  }
0x2b: {  	[tilespmem:s6+$0xFFFFFFF0] =	vst v1  }
0x2c: {  	[tilespmem:s6+$0xFFFFFFE0] =	vst v1  }
0x2d: {  	s19 =	simm.s32 $0x40;
	[tilespmem:s6+$0x0] =	vst v1  }
.LBB2_2:
0x2e: {  	s20 =	sshra.s32 s19, $0x2;
	[tilespmem:s6+$0x10] =	vst v1;
	p0 =	sne.s32 s19, $0x13C0  }
.Ltmp0:
0x2f: {  	[tilespmem:s20+$0xA140] =	vst v1;
	(pc) =	sbr.rel @p0 .LBB2_2-.Ltmp0, $4  }
0x30: {  	s19 =	sadd.s32 $0x40, s19;
	s6 =	sadd.s32 $0x40, s6;
	[tilespmem:s20+$0x9C40] =	vst v2  }
0x31: {  	[tilespmem:s6+$0xFFFFFFF0] =	vst v1  }
0x32: {  	[tilespmem:s6+$0xFFFFFFE0] =	vst v1  }
0x33: {  	[tilespmem:s6+$0x0] =	vst v1  }
0x34: {  	[tilespmem:s6+$0x10] =	vst v1  }
0x35: {  	[spmem:s8] =	stream.linear.scatter [tilespmem:s30], [sflag:$0x2], $0x1400, $0x38;
	[tilespmem:$0x1FA40] =	vst v63  }
0x36: {  	s2 =	rddreg [dreg:$0x9]  }
0x37: {  	[spmem:s2] =	stream.linear.scatter [tilespmem:s31], [sflag:$0x2], $0x500, $0x38;
	[tilespmem:$0x1FA40] =	vst v63  }
0x38: {  	s20 =	rddreg [dreg:$0xa]  }
0x39: {  	[spmem:s20] =	stream.linear.scatter [tilespmem:s30], [sflag:$0x2], $0x1400, $0x38;
	[tilespmem:$0x1FA40] =	vst v63  }
0x3a: {  	s6 =	rddreg [dreg:$0xb]  }
0x3b: {  	[spmem:s6] =	stream.linear.scatter [tilespmem:s31], [sflag:$0x2], $0x500, $0x38;
	[tilespmem:$0x1FA40] =	vst v63  }
0x3c: {  	s19 =	rddreg [dreg:$0xc]  }
0x3d: {  	[spmem:s19] =	stream.linear.scatter [tilespmem:s30], [sflag:$0x2], $0x1400, $0x38;
	[tilespmem:$0x1FA40] =	vst v63  }
0x3e: {  	s20 =	rddreg [dreg:$0xd]  }
0x3f: {  	[spmem:s20] =	stream.linear.scatter [tilespmem:s31], [sflag:$0x2], $0x500, $0x38;
	[tilespmem:$0x1FA40] =	vst v63  }
0x40: {  	s6 =	rddreg [dreg:$0xe]  }
0x41: {  	[spmem:s6] =	stream.linear.scatter [tilespmem:s30], [sflag:$0x2], $0x1400, $0x38;
	[tilespmem:$0x1FA40] =	vst v63  }
0x42: {  	s19 =	rddreg [dreg:$0xf]  }
0x43: {  	[spmem:s19] =	stream.linear.scatter [tilespmem:s31], [sflag:$0x2], $0x500, $0x38;
	[tilespmem:$0x1FA40] =	vst v63  }
0x44: {  	s20 =	rddreg [dreg:$0x10]  }
0x45: {  	[spmem:s20] =	stream.linear.scatter [tilespmem:s30], [sflag:$0x2], $0x1400, $0x38;
	[tilespmem:$0x1FA40] =	vst v63  }
0x46: {  	s6 =	rddreg [dreg:$0x11]  }
0x47: {  	[spmem:s6] =	stream.linear.scatter [tilespmem:s31], [sflag:$0x2], $0x500, $0x38;
	[tilespmem:$0x1FA40] =	vst v63  }
0x48: {  	s19 =	rddreg [dreg:$0x12]  }
0x49: {  	[spmem:s19] =	stream.linear.scatter [tilespmem:s30], [sflag:$0x2], $0x1400, $0x38;
	[tilespmem:$0x1FA40] =	vst v63  }
0x4a: {  	s20 =	rddreg [dreg:$0x13]  }
0x4b: {  	[spmem:s20] =	stream.linear.scatter [tilespmem:s31], [sflag:$0x2], $0x500, $0x38;
	[tilespmem:$0x1FA40] =	vst v63  }
0x4c: {  	s6 =	rddreg [dreg:$0x14]  }
0x4d: {  	[spmem:s6] =	stream.linear.scatter [tilespmem:s30], [sflag:$0x2], $0x1400, $0x38;
	[tilespmem:$0x1FA40] =	vst v63  }
0x4e: {  	_ = 	snop  }
0x4f: {  	[spmem:s23] =	stream.linear.scatter [tilespmem:s31], [sflag:$0x2], $0x500, $0x38;
	[tilespmem:$0x1FA40] =	vst v63  }
0x50: {  	_ = 	snop  }
0x51: {  	[spmem:s24] =	stream.linear.scatter [tilespmem:s30], [sflag:$0x2], $0x1400, $0x38;
	[tilespmem:$0x1FA40] =	vst v63  }
0x52: {  	_ = 	snop  }
0x53: {  	[spmem:s25] =	stream.linear.scatter [tilespmem:s31], [sflag:$0x2], $0x500, $0x38;
	[tilespmem:$0x1FA40] =	vst v63  }
0x54: {  	s19 =	simm.s32 $0x0  }
0x55: {  	[tilespmem:s19], [sflag:$0x1] =	stream.linear.gather [hbm4b:s21+s19], $0x4E20, $0x38;
	[tilespmem:$0x1FA40] =	vst v63  }
0x56: {  	s2 =	simm.s32 $0x4E20  }
0x57: {  	[tilespmem:s2], [sflag:$0x1] =	stream.linear.gather [hbm4b:s29+s19], $0x4E20, $0x38;
	[tilespmem:$0x1FA40] =	vst v63  }
0x58: {  	_ =	swait.ge [sflag:s0], $0x4E20  }
0x59: {  	[sflag:s0] =	ssyncset.done $0x0  }
0x5a: {  	[sflag:s0] =	ssyncadd.s32 $0xFFFFB1E0  }
0x5b: {  	_ =	swait.ge [sflag:s0], $0x4E20  }
0x5c: {  	[sflag:s0] =	ssyncset.done $0x0  }
0x5d: {  	[sflag:s0] =	ssyncadd.s32 $0xFFFFB1E0  }
0x5e: {  	v3 =	vld [tilespmem:$0x0]  }
0x5f: {  	v4 =	vld [tilespmem:$0x10]  }
0x60: {  	v5 =	vld [tilespmem:$0x20]  }
0x61: {  	v6 =	vld [tilespmem:$0x30]  }
0x62: {  	v7 =	vld [tilespmem:$0x40]  }
0x63: {  	v8 =	vld [tilespmem:$0x50];
	v3 =	vshll.u32 v3, $0x1  }
0x64: {  	v9 =	vld [tilespmem:$0x60];
	v4 =	vshll.u32 v4, $0x1;
	v3 =	vor.u32 v0, v3  }
0x65: {  	[tilespmem:$0x0] =	vst v3;
	v3 =	vor.u32 v0, v4;
	v4 =	vshll.u32 v5, $0x1;
	v5 =	vld [tilespmem:$0x70]  }
0x66: {  	[tilespmem:$0x10] =	vst v3;
	v3 =	vor.u32 v0, v4;
	v4 =	vshll.u32 v6, $0x1;
	v6 =	vld [tilespmem:$0x80]  }
0x67: {  	[tilespmem:$0x20] =	vst v3;
	v3 =	vor.u32 v0, v4;
	v4 =	vshll.u32 v7, $0x1;
	v7 =	vld [tilespmem:$0x90]  }
0x68: {  	v58 =	vld [tilespmem:$0xA0];
	[tilespmem:$0x30] =	vst v3;
	v3 =	vor.u32 v0, v4;
	v4 =	vshll.u32 v8, $0x1  }
0x69: {  	v59 =	vld [tilespmem:$0xB0];
	[tilespmem:$0x40] =	vst v3;
	v3 =	vor.u32 v0, v4;
	v4 =	vshll.u32 v9, $0x1  }
0x6a: {  	[tilespmem:$0x50] =	vst v3;
	v3 =	vor.u32 v0, v4;
	v4 =	vshll.u32 v5, $0x1;
	v5 =	vld [tilespmem:$0xC0]  }
0x6b: {  	[tilespmem:$0x60] =	vst v3;
	v3 =	vor.u32 v0, v4;
	v4 =	vshll.u32 v6, $0x1;
	v6 =	vld [tilespmem:$0xD0]  }
0x6c: {  	[tilespmem:$0x70] =	vst v3;
	v3 =	vor.u32 v0, v4;
	v4 =	vshll.u32 v7, $0x1;
	v7 =	vld [tilespmem:$0xE0]  }
0x6d: {  	v60 =	vld [tilespmem:$0xF0];
	[tilespmem:$0x80] =	vst v3;
	v3 =	vor.u32 v0, v4;
	v4 =	vshll.u32 v58, $0x1  }
0x6e: {  	v61 =	vld [tilespmem:$0x100];
	[tilespmem:$0x90] =	vst v3;
	v3 =	vor.u32 v0, v4;
	v4 =	vshll.u32 v59, $0x1  }
0x6f: {  	[tilespmem:$0xA0] =	vst v3;
	v3 =	vor.u32 v0, v4;
	v4 =	vshll.u32 v5, $0x1;
	v5 =	vld [tilespmem:$0x110]  }
0x70: {  	[tilespmem:$0xB0] =	vst v3;
	v3 =	vor.u32 v0, v4;
	v4 =	vshll.u32 v6, $0x1;
	v6 =	vld [tilespmem:$0x120]  }
0x71: {  	[tilespmem:$0xC0] =	vst v3;
	v3 =	vor.u32 v0, v4;
	v4 =	vshll.u32 v7, $0x1;
	v7 =	vld [tilespmem:$0x130]  }
0x72: {  	v62 =	vld [tilespmem:$0x140];
	[tilespmem:$0xD0] =	vst v3;
	v3 =	vor.u32 v0, v4;
	v4 =	vshll.u32 v60, $0x1  }
0x73: {  	v63 =	vld [tilespmem:$0x150];
	[tilespmem:$0xE0] =	vst v3;
	v3 =	vor.u32 v0, v4;
	v4 =	vshll.u32 v61, $0x1  }
0x74: {  	[tilespmem:$0xF0] =	vst v3;
	v3 =	vor.u32 v0, v4;
	v4 =	vshll.u32 v5, $0x1;
	v5 =	vld [tilespmem:$0x160]  }
0x75: {  	[tilespmem:$0x100] =	vst v3;
	v3 =	vor.u32 v0, v4;
	v4 =	vshll.u32 v6, $0x1;
	v6 =	vld [tilespmem:$0x170]  }
0x76: {  	[tilespmem:$0x110] =	vst v3;
	v3 =	vor.u32 v0, v4;
	v4 =	vshll.u32 v7, $0x1;
	v7 =	vld [tilespmem:$0x180]  }
0x77: {  	[tilespmem:$0x120] =	vst v3;
	v3 =	vor.u32 v0, v4;
	v4 =	vshll.u32 v62, $0x1  }
0x78: {  	[tilespmem:$0x130] =	vst v3;
	v3 =	vor.u32 v0, v4;
	v4 =	vshll.u32 v63, $0x1  }
0x79: {  	[tilespmem:$0x140] =	vst v3;
	v3 =	vor.u32 v0, v4;
	v4 =	vshll.u32 v5, $0x1  }
0x7a: {  	[tilespmem:$0x150] =	vst v3;
	v3 =	vor.u32 v0, v4;
	v4 =	vshll.u32 v6, $0x1  }
0x7b: {  	[tilespmem:$0x160] =	vst v3;
	v3 =	vor.u32 v0, v4;
	v4 =	vshll.u32 v7, $0x1  }
0x7c: {  	[tilespmem:$0x170] =	vst v3;
	v3 =	vor.u32 v0, v4  }
0x7d: {  	[tilespmem:$0x180] =	vst v3  }
0x7e: {  	_ =	swait.ge [sflag:s7], $0x1400  }
0x7f: {  	[sflag:s7] =	ssyncset.done $0x0  }
0x80: {  	[sflag:s7] =	ssyncadd.s32 $0xFFFFEC00  }
0x81: {  	_ =	swait.ge [sflag:s7], $0x500  }
0x82: {  	[sflag:s7] =	ssyncset.done $0x0  }
0x83: {  	[sflag:s7] =	ssyncadd.s32 $0xFFFFFB00  }
0x84: {  	_ =	swait.ge [sflag:s7], $0x1400  }
0x85: {  	[sflag:s7] =	ssyncset.done $0x0  }
0x86: {  	[sflag:s7] =	ssyncadd.s32 $0xFFFFEC00  }
0x87: {  	_ =	swait.ge [sflag:s7], $0x500  }
0x88: {  	[sflag:s7] =	ssyncset.done $0x0  }
0x89: {  	[sflag:s7] =	ssyncadd.s32 $0xFFFFFB00  }
0x8a: {  	_ =	swait.ge [sflag:s7], $0x1400  }
0x8b: {  	[sflag:s7] =	ssyncset.done $0x0  }
0x8c: {  	[sflag:s7] =	ssyncadd.s32 $0xFFFFEC00  }
0x8d: {  	_ =	swait.ge [sflag:s7], $0x500  }
0x8e: {  	[sflag:s7] =	ssyncset.done $0x0  }
0x8f: {  	[sflag:s7] =	ssyncadd.s32 $0xFFFFFB00  }
0x90: {  	_ =	swait.ge [sflag:s7], $0x1400  }
0x91: {  	[sflag:s7] =	ssyncset.done $0x0  }
0x92: {  	[sflag:s7] =	ssyncadd.s32 $0xFFFFEC00  }
0x93: {  	_ =	swait.ge [sflag:s7], $0x500  }
0x94: {  	[sflag:s7] =	ssyncset.done $0x0  }
0x95: {  	[sflag:s7] =	ssyncadd.s32 $0xFFFFFB00  }
0x96: {  	_ =	swait.ge [sflag:s7], $0x1400  }
0x97: {  	[sflag:s7] =	ssyncset.done $0x0  }
0x98: {  	[sflag:s7] =	ssyncadd.s32 $0xFFFFEC00  }
0x99: {  	_ =	swait.ge [sflag:s7], $0x500  }
0x9a: {  	[sflag:s7] =	ssyncset.done $0x0  }
0x9b: {  	[sflag:s7] =	ssyncadd.s32 $0xFFFFFB00  }
0x9c: {  	_ =	swait.ge [sflag:s7], $0x1400  }
0x9d: {  	[sflag:s7] =	ssyncset.done $0x0  }
0x9e: {  	[sflag:s7] =	ssyncadd.s32 $0xFFFFEC00  }
0x9f: {  	_ =	swait.ge [sflag:s7], $0x500  }
0xa0: {  	[sflag:s7] =	ssyncset.done $0x0  }
0xa1: {  	[sflag:s7] =	ssyncadd.s32 $0xFFFFFB00  }
0xa2: {  	_ =	swait.ge [sflag:s7], $0x1400  }
0xa3: {  	[sflag:s7] =	ssyncset.done $0x0  }
0xa4: {  	[sflag:s7] =	ssyncadd.s32 $0xFFFFEC00  }
0xa5: {  	_ =	swait.ge [sflag:s7], $0x500  }
0xa6: {  	[sflag:s7] =	ssyncset.done $0x0  }
0xa7: {  	[sflag:s7] =	ssyncadd.s32 $0xFFFFFB00  }
0xa8: {  	_ =	swait.ge [sflag:s7], $0x1400  }
0xa9: {  	[sflag:s7] =	ssyncset.done $0x0  }
0xaa: {  	[sflag:s7] =	ssyncadd.s32 $0xFFFFEC00  }
0xab: {  	_ =	swait.ge [sflag:s7], $0x500  }
0xac: {  	[sflag:s7] =	ssyncset.done $0x0  }
0xad: {  	[sflag:s7] =	ssyncadd.s32 $0xFFFFFB00  }
0xae: {  	[tilespmem:s30], [sflag:$0x1] =	stream.indirect.gather [hbm4b:s1+s9], $0x40, s19, s9, $0xb8;
	[tilespmem:$0x1FA40] =	vst v63  }
0xaf: {  	_ = 	snop  }
0xb0: {  	[tilespmem:s10], [sflag:$0x1] =	stream.indirect.gather [hbm4b:s1+s9], $0x40, s9, s9, $0xb8;
	[tilespmem:$0x1FA40] =	vst v63  }
0xb1: {  	s19 =	simm.s32 $0xA0  }
0xb2: {  	[tilespmem:s11], [sflag:$0x1] =	stream.indirect.gather [hbm4b:s1+s9], $0x40, s19, s9, $0xb8;
	[tilespmem:$0x1FA40] =	vst v63  }
0xb3: {  	s20 =	simm.s32 $0xF0  }
0xb4: {  	[tilespmem:s12], [sflag:$0x1] =	stream.indirect.gather [hbm4b:s1+s9], $0x40, s20, s9, $0xb8;
	[tilespmem:$0x1FA40] =	vst v63  }
0xb5: {  	s19 =	simm.s32 $0x140  }
0xb6: {  	[tilespmem:s13], [sflag:$0x1] =	stream.indirect.gather [hbm4b:s1+s9], $0x40, s19, s9, $0xb8;
	[tilespmem:$0x1FA40] =	vst v63  }
0xb7: {  	[bflag:$0x0] =	sbarrier.arrive $0xFFFF  }
0xb8: {  	v3 =	vld [tilespmem:$0x190]  }
0xb9: {  	v4 =	vld [tilespmem:$0x1A0]  }
0xba: {  	v5 =	vld [tilespmem:$0x1B0]  }
0xbb: {  	v6 =	vld [tilespmem:$0x1C0]  }
0xbc: {  	v7 =	vld [tilespmem:$0x1D0]  }
0xbd: {  	v3 =	vshll.u32 v3, $0x1  }
0xbe: {  	v4 =	vshll.u32 v4, $0x1;
	v3 =	vor.u32 v0, v3  }
0xbf: {  	[tilespmem:$0x190] =	vst v3;
	v3 =	vor.u32 v0, v4;
	v4 =	vshll.u32 v5, $0x1  }
0xc0: {  	[tilespmem:$0x1A0] =	vst v3;
	v3 =	vor.u32 v0, v4;
	v4 =	vshll.u32 v6, $0x1  }
0xc1: {  	[tilespmem:$0x1B0] =	vst v3;
	v3 =	vor.u32 v0, v4;
	v4 =	vshll.u32 v7, $0x1  }
0xc2: {  	[tilespmem:$0x1C0] =	vst v3;
	v3 =	vor.u32 v0, v4  }
0xc3: {  	[tilespmem:$0x1D0] =	vst v3  }
0xc4: {  	_ =	swait.ge [sflag:s0], $0x1400  }
0xc5: {  	[sflag:s0] =	ssyncset.done $0x0  }
0xc6: {  	[sflag:s0] =	ssyncadd.s32 $0xFFFFEC00  }
0xc7: {  	[spmem:s3] =	stream.indirect.scatter.add.f32 [tilespmem:s30], [sflag:$0x2], $0x40, s2, s9, $0xb8;
	[tilespmem:$0x1FA40] =	vst v63  }
0xc8: {  	s20 =	simm.s32 $0x190  }
0xc9: {  	[tilespmem:s14], [sflag:$0x1] =	stream.indirect.gather [hbm4b:s1+s9], $0x40, s20, s9, $0xb8;
	[tilespmem:$0x1FA40] =	vst v63  }
0xca: {  	v3 =	vld [tilespmem:$0x1E0]  }
0xcb: {  	v4 =	vld [tilespmem:$0x1F0]  }
0xcc: {  	v5 =	vld [tilespmem:$0x200]  }
0xcd: {  	v6 =	vld [tilespmem:$0x210]  }
0xce: {  	v7 =	vld [tilespmem:$0x220]  }
0xcf: {  	v3 =	vshll.u32 v3, $0x1  }
0xd0: {  	v4 =	vshll.u32 v4, $0x1;
	v3 =	vor.u32 v0, v3  }
0xd1: {  	[tilespmem:$0x1E0] =	vst v3;
	v3 =	vor.u32 v0, v4;
	v4 =	vshll.u32 v5, $0x1  }
0xd2: {  	[tilespmem:$0x1F0] =	vst v3;
	v3 =	vor.u32 v0, v4;
	v4 =	vshll.u32 v6, $0x1  }
0xd3: {  	[tilespmem:$0x200] =	vst v3;
	v3 =	vor.u32 v0, v4;
	v4 =	vshll.u32 v7, $0x1  }
0xd4: {  	[tilespmem:$0x210] =	vst v3;
	v3 =	vor.u32 v0, v4  }
0xd5: {  	[tilespmem:$0x220] =	vst v3  }
0xd6: {  	_ =	swait.ge [sflag:s0], $0x1400  }
0xd7: {  	[sflag:s0] =	ssyncset.done $0x0  }
0xd8: {  	s6 =	simm.s32 $0x4E70;
	[sflag:s0] =	ssyncadd.s32 $0xFFFFEC00  }
0xd9: {  	[spmem:s3] =	stream.indirect.scatter.add.f32 [tilespmem:s10], [sflag:$0x2], $0x40, s6, s9, $0xb8;
	[tilespmem:$0x1FA40] =	vst v63  }
0xda: {  	s19 =	simm.s32 $0x1E0  }
0xdb: {  	[tilespmem:s15], [sflag:$0x1] =	stream.indirect.gather [hbm4b:s1+s9], $0x40, s19, s9, $0xb8;
	[tilespmem:$0x1FA40] =	vst v63  }
0xdc: {  	v3 =	vld [tilespmem:$0x230]  }
0xdd: {  	v4 =	vld [tilespmem:$0x240]  }
0xde: {  	v5 =	vld [tilespmem:$0x250]  }
0xdf: {  	v6 =	vld [tilespmem:$0x260]  }
0xe0: {  	v7 =	vld [tilespmem:$0x270]  }
0xe1: {  	v3 =	vshll.u32 v3, $0x1  }
0xe2: {  	v4 =	vshll.u32 v4, $0x1;
	v3 =	vor.u32 v0, v3  }
0xe3: {  	[tilespmem:$0x230] =	vst v3;
	v3 =	vor.u32 v0, v4;
	v4 =	vshll.u32 v5, $0x1  }
0xe4: {  	[tilespmem:$0x240] =	vst v3;
	v3 =	vor.u32 v0, v4;
	v4 =	vshll.u32 v6, $0x1  }
0xe5: {  	[tilespmem:$0x250] =	vst v3;
	v3 =	vor.u32 v0, v4;
	v4 =	vshll.u32 v7, $0x1  }
0xe6: {  	[tilespmem:$0x260] =	vst v3;
	v3 =	vor.u32 v0, v4  }
0xe7: {  	[tilespmem:$0x270] =	vst v3  }
0xe8: {  	_ =	swait.ge [sflag:s0], $0x1400  }
0xe9: {  	[sflag:s0] =	ssyncset.done $0x0  }
0xea: {  	s20 =	simm.s32 $0x4EC0;
	[sflag:s0] =	ssyncadd.s32 $0xFFFFEC00  }
0xeb: {  	[spmem:s3] =	stream.indirect.scatter.add.f32 [tilespmem:s11], [sflag:$0x2], $0x40, s20, s9, $0xb8;
	[tilespmem:$0x1FA40] =	vst v63  }
0xec: {  	_ =	swait.ge [sflag:s7], $0x1400  }
0xed: {  	[sflag:s7] =	ssyncset.done $0x0  }
0xee: {  	s6 =	simm.s32 $0x230;
	[sflag:s7] =	ssyncadd.s32 $0xFFFFEC00  }
0xef: {  	[tilespmem:s30], [sflag:$0x1] =	stream.indirect.gather [hbm4b:s1+s9], $0x40, s6, s9, $0xb8;
	[tilespmem:$0x1FA40] =	vst v63  }
0xf0: {  	v3 =	vld [tilespmem:$0x280]  }
0xf1: {  	v4 =	vld [tilespmem:$0x290]  }
0xf2: {  	v5 =	vld [tilespmem:$0x2A0]  }
0xf3: {  	v6 =	vld [tilespmem:$0x2B0]  }
0xf4: {  	v7 =	vld [tilespmem:$0x2C0]  }
0xf5: {  	v3 =	vshll.u32 v3, $0x1  }
0xf6: {  	v4 =	vshll.u32 v4, $0x1;
	v3 =	vor.u32 v0, v3  }
0xf7: {  	[tilespmem:$0x280] =	vst v3;
	v3 =	vor.u32 v0, v4;
	v4 =	vshll.u32 v5, $0x1  }
0xf8: {  	[tilespmem:$0x290] =	vst v3;
	v3 =	vor.u32 v0, v4;
	v4 =	vshll.u32 v6, $0x1  }
0xf9: {  	[tilespmem:$0x2A0] =	vst v3;
	v3 =	vor.u32 v0, v4;
	v4 =	vshll.u32 v7, $0x1  }
0xfa: {  	[tilespmem:$0x2B0] =	vst v3;
	v3 =	vor.u32 v0, v4  }
0xfb: {  	[tilespmem:$0x2C0] =	vst v3  }
0xfc: {  	_ =	swait.ge [sflag:s0], $0x1400  }
0xfd: {  	[sflag:s0] =	ssyncset.done $0x0  }
0xfe: {  	s19 =	simm.s32 $0x4F10;
	[sflag:s0] =	ssyncadd.s32 $0xFFFFEC00  }
0xff: {  	[spmem:s3] =	stream.indirect.scatter.add.f32 [tilespmem:s12], [sflag:$0x2], $0x40, s19, s9, $0xb8;
	[tilespmem:$0x1FA40] =	vst v63  }
0x100: {  	_ =	swait.ge [sflag:s7], $0x1400  }
0x101: {  	[sflag:s7] =	ssyncset.done $0x0  }
0x102: {  	s20 =	simm.s32 $0x280;
	[sflag:s7] =	ssyncadd.s32 $0xFFFFEC00  }
0x103: {  	[tilespmem:s10], [sflag:$0x1] =	stream.indirect.gather [hbm4b:s1+s9], $0x40, s20, s9, $0xb8;
	[tilespmem:$0x1FA40] =	vst v63  }
0x104: {  	v3 =	vld [tilespmem:$0x2D0]  }
0x105: {  	v4 =	vld [tilespmem:$0x2E0]  }
0x106: {  	v5 =	vld [tilespmem:$0x2F0]  }
0x107: {  	v6 =	vld [tilespmem:$0x300]  }
0x108: {  	v7 =	vld [tilespmem:$0x310]  }
0x109: {  	v3 =	vshll.u32 v3, $0x1  }
0x10a: {  	v4 =	vshll.u32 v4, $0x1;
	v3 =	vor.u32 v0, v3  }
0x10b: {  	[tilespmem:$0x2D0] =	vst v3;
	v3 =	vor.u32 v0, v4;
	v4 =	vshll.u32 v5, $0x1  }
0x10c: {  	[tilespmem:$0x2E0] =	vst v3;
	v3 =	vor.u32 v0, v4;
	v4 =	vshll.u32 v6, $0x1  }
0x10d: {  	[tilespmem:$0x2F0] =	vst v3;
	v3 =	vor.u32 v0, v4;
	v4 =	vshll.u32 v7, $0x1  }
0x10e: {  	[tilespmem:$0x300] =	vst v3;
	v3 =	vor.u32 v0, v4  }
0x10f: {  	[tilespmem:$0x310] =	vst v3  }
0x110: {  	_ =	swait.ge [sflag:s0], $0x1400  }
0x111: {  	[sflag:s0] =	ssyncset.done $0x0  }
0x112: {  	s6 =	simm.s32 $0x4F60;
	[sflag:s0] =	ssyncadd.s32 $0xFFFFEC00  }
0x113: {  	[spmem:s3] =	stream.indirect.scatter.add.f32 [tilespmem:s13], [sflag:$0x2], $0x40, s6, s9, $0xb8;
	[tilespmem:$0x1FA40] =	vst v63  }
0x114: {  	_ =	swait.ge [sflag:s7], $0x1400  }
0x115: {  	[sflag:s7] =	ssyncset.done $0x0  }
0x116: {  	s19 =	simm.s32 $0x2D0;
	[sflag:s7] =	ssyncadd.s32 $0xFFFFEC00  }
0x117: {  	[tilespmem:s11], [sflag:$0x1] =	stream.indirect.gather [hbm4b:s1+s9], $0x40, s19, s9, $0xb8;
	[tilespmem:$0x1FA40] =	vst v63  }
0x118: {  	v3 =	vld [tilespmem:$0x320]  }
0x119: {  	v4 =	vld [tilespmem:$0x330]  }
0x11a: {  	v5 =	vld [tilespmem:$0x340]  }
0x11b: {  	v6 =	vld [tilespmem:$0x350]  }
0x11c: {  	v7 =	vld [tilespmem:$0x360]  }
0x11d: {  	v3 =	vshll.u32 v3, $0x1  }
0x11e: {  	v4 =	vshll.u32 v4, $0x1;
	v3 =	vor.u32 v0, v3  }
0x11f: {  	[tilespmem:$0x320] =	vst v3;
	v3 =	vor.u32 v0, v4;
	v4 =	vshll.u32 v5, $0x1  }
0x120: {  	[tilespmem:$0x330] =	vst v3;
	v3 =	vor.u32 v0, v4;
	v4 =	vshll.u32 v6, $0x1  }
0x121: {  	[tilespmem:$0x340] =	vst v3;
	v3 =	vor.u32 v0, v4;
	v4 =	vshll.u32 v7, $0x1  }
0x122: {  	[tilespmem:$0x350] =	vst v3;
	v3 =	vor.u32 v0, v4  }
0x123: {  	[tilespmem:$0x360] =	vst v3  }
0x124: {  	_ =	swait.ge [sflag:s0], $0x1400  }
0x125: {  	[sflag:s0] =	ssyncset.done $0x0  }
0x126: {  	s20 =	simm.s32 $0x4FB0;
	[sflag:s0] =	ssyncadd.s32 $0xFFFFEC00  }
0x127: {  	[spmem:s3] =	stream.indirect.scatter.add.f32 [tilespmem:s14], [sflag:$0x2], $0x40, s20, s9, $0xb8;
	[tilespmem:$0x1FA40] =	vst v63  }
0x128: {  	_ =	swait.ge [sflag:s7], $0x1400  }
0x129: {  	[sflag:s7] =	ssyncset.done $0x0  }
0x12a: {  	s6 =	simm.s32 $0x320;
	[sflag:s7] =	ssyncadd.s32 $0xFFFFEC00  }
0x12b: {  	[tilespmem:s12], [sflag:$0x1] =	stream.indirect.gather [hbm4b:s1+s9], $0x40, s6, s9, $0xb8;
	[tilespmem:$0x1FA40] =	vst v63  }
0x12c: {  	v3 =	vld [tilespmem:$0x370]  }
0x12d: {  	v4 =	vld [tilespmem:$0x380]  }
0x12e: {  	v5 =	vld [tilespmem:$0x390]  }
0x12f: {  	v6 =	vld [tilespmem:$0x3A0]  }
0x130: {  	v7 =	vld [tilespmem:$0x3B0]  }
0x131: {  	v3 =	vshll.u32 v3, $0x1  }
0x132: {  	v4 =	vshll.u32 v4, $0x1;
	v3 =	vor.u32 v0, v3  }
0x133: {  	[tilespmem:$0x370] =	vst v3;
	v3 =	vor.u32 v0, v4;
	v4 =	vshll.u32 v5, $0x1  }
0x134: {  	[tilespmem:$0x380] =	vst v3;
	v3 =	vor.u32 v0, v4;
	v4 =	vshll.u32 v6, $0x1  }
0x135: {  	[tilespmem:$0x390] =	vst v3;
	v3 =	vor.u32 v0, v4;
	v4 =	vshll.u32 v7, $0x1  }
0x136: {  	[tilespmem:$0x3A0] =	vst v3;
	v3 =	vor.u32 v0, v4  }
0x137: {  	[tilespmem:$0x3B0] =	vst v3  }
0x138: {  	_ =	swait.ge [sflag:s0], $0x1400  }
0x139: {  	[sflag:s0] =	ssyncset.done $0x0  }
0x13a: {  	s19 =	simm.s32 $0x5000;
	[sflag:s0] =	ssyncadd.s32 $0xFFFFEC00  }
0x13b: {  	[spmem:s3] =	stream.indirect.scatter.add.f32 [tilespmem:s15], [sflag:$0x2], $0x40, s19, s9, $0xb8;
	[tilespmem:$0x1FA40] =	vst v63  }
0x13c: {  	_ =	swait.ge [sflag:s7], $0x1400  }
0x13d: {  	[sflag:s7] =	ssyncset.done $0x0  }
0x13e: {  	s20 =	simm.s32 $0x370;
	s19 =	simm.s32 $0x0;
	[sflag:s7] =	ssyncadd.s32 $0xFFFFEC00  }
0x13f: {  	[tilespmem:s13], [sflag:$0x1] =	stream.indirect.gather [hbm4b:s1+s9], $0x40, s20, s9, $0xb8;
	[tilespmem:$0x1FA40] =	vst v63  }
0x140: {  	v3 =	vld [tilespmem:s19+$0x3F0]  }
0x141: {  	v4 =	vld [tilespmem:s19+$0x3C0]  }
0x142: {  	v5 =	vld [tilespmem:s19+$0x3D0]  }
0x143: {  	v6 =	vld [tilespmem:s19+$0x3E0]  }
0x144: {  	v7 =	vld [tilespmem:s19+$0x400]  }
0x145: {  	v3 =	vshll.u32 v3, $0x1  }
0x146: {  	v4 =	vshll.u32 v4, $0x1;
	v3 =	vor.u32 v0, v3  }
0x147: {  	v5 =	vshll.u32 v5, $0x1;
	v4 =	vor.u32 v0, v4;
	[tilespmem:s19+$0x3F0] =	vst v3  }
0x148: {  	v3 =	vshll.u32 v6, $0x1;
	[tilespmem:s19+$0x3C0] =	vst v4;
	v4 =	vor.u32 v0, v5  }
0x149: {  	v5 =	vshll.u32 v7, $0x1;
	v3 =	vor.u32 v0, v3;
	[tilespmem:s19+$0x3D0] =	vst v4  }
0x14a: {  	v4 =	vor.u32 v0, v5;
	[tilespmem:s19+$0x3E0] =	vst v3  }
0x14b: {  	[tilespmem:s19+$0x400] =	vst v4  }
0x14c: {  	_ =	swait.ge [sflag:s0], $0x1400  }
0x14d: {  	[sflag:s0] =	ssyncset.done $0x0  }
0x14e: {  	s2 =	simm.s32 $0x5050;
	[sflag:s0] =	ssyncadd.s32 $0xFFFFEC00  }
0x14f: {  	[spmem:s3] =	stream.indirect.scatter.add.f32 [tilespmem:s30], [sflag:$0x2], $0x40, s2, s9, $0xb8;
	[tilespmem:$0x1FA40] =	vst v63  }
0x150: {  	_ =	swait.ge [sflag:s7], $0x1400  }
0x151: {  	[sflag:s7] =	ssyncset.done $0x0  }
0x152: {  	s20 =	simm.s32 $0x3C0;
	[sflag:s7] =	ssyncadd.s32 $0xFFFFEC00  }
0x153: {  	[tilespmem:s14], [sflag:$0x1] =	stream.indirect.gather [hbm4b:s1+s9], $0x40, s20, s9, $0xb8;
	[tilespmem:$0x1FA40] =	vst v63  }
0x154: {  	v3 =	vld [tilespmem:s19+$0x410]  }
0x155: {  	v4 =	vld [tilespmem:s19+$0x420]  }
0x156: {  	v5 =	vld [tilespmem:s19+$0x430]  }
0x157: {  	v6 =	vld [tilespmem:s19+$0x450]  }
0x158: {  	v7 =	vld [tilespmem:s19+$0x440]  }
0x159: {  	v3 =	vshll.u32 v3, $0x1  }
0x15a: {  	v4 =	vshll.u32 v4, $0x1;
	v3 =	vor.u32 v0, v3  }
0x15b: {  	[tilespmem:s19+$0x410] =	vst v3;
	v3 =	vor.u32 v0, v4;
	v4 =	vshll.u32 v5, $0x1  }
0x15c: {  	[tilespmem:s19+$0x420] =	vst v3;
	v3 =	vor.u32 v0, v4;
	v4 =	vshll.u32 v6, $0x1  }
0x15d: {  	[tilespmem:s19+$0x430] =	vst v3;
	v3 =	vshll.u32 v7, $0x1;
	v4 =	vor.u32 v0, v4  }
0x15e: {  	v3 =	vor.u32 v0, v3;
	[tilespmem:s19+$0x450] =	vst v4  }
0x15f: {  	[tilespmem:s19+$0x440] =	vst v3  }
0x160: {  	_ =	swait.ge [sflag:s0], $0x1400  }
0x161: {  	[sflag:s0] =	ssyncset.done $0x0  }
0x162: {  	s2 =	simm.s32 $0x50A0;
	[sflag:s0] =	ssyncadd.s32 $0xFFFFEC00  }
0x163: {  	[spmem:s3] =	stream.indirect.scatter.add.f32 [tilespmem:s10], [sflag:$0x2], $0x40, s2, s9, $0xb8;
	[tilespmem:$0x1FA40] =	vst v63  }
0x164: {  	_ =	swait.ge [sflag:s7], $0x1400  }
0x165: {  	[sflag:s7] =	ssyncset.done $0x0  }
0x166: {  	s20 =	simm.s32 $0x410;
	[sflag:s7] =	ssyncadd.s32 $0xFFFFEC00  }
0x167: {  	[tilespmem:s15], [sflag:$0x1] =	stream.indirect.gather [hbm4b:s1+s9], $0x40, s20, s9, $0xb8;
	[tilespmem:$0x1FA40] =	vst v63  }
0x168: {  	v3 =	vld [tilespmem:s19+$0x490]  }
0x169: {  	v4 =	vld [tilespmem:s19+$0x460]  }
0x16a: {  	v5 =	vld [tilespmem:s19+$0x470]  }
0x16b: {  	v6 =	vld [tilespmem:s19+$0x480]  }
0x16c: {  	v7 =	vld [tilespmem:s19+$0x4A0]  }
0x16d: {  	v3 =	vshll.u32 v3, $0x1  }
0x16e: {  	v4 =	vshll.u32 v4, $0x1;
	v3 =	vor.u32 v0, v3  }
0x16f: {  	v5 =	vshll.u32 v5, $0x1;
	v4 =	vor.u32 v0, v4;
	[tilespmem:s19+$0x490] =	vst v3  }
0x170: {  	[tilespmem:s19+$0x460] =	vst v4;
	v3 =	vor.u32 v0, v5;
	v4 =	vshll.u32 v6, $0x1  }
0x171: {  	[tilespmem:s19+$0x470] =	vst v3;
	v3 =	vor.u32 v0, v4;
	v4 =	vshll.u32 v7, $0x1  }
0x172: {  	[tilespmem:s19+$0x480] =	vst v3;
	v3 =	vor.u32 v0, v4  }
0x173: {  	[tilespmem:s19+$0x4A0] =	vst v3  }
0x174: {  	_ =	swait.ge [sflag:s0], $0x1400  }
0x175: {  	[sflag:s0] =	ssyncset.done $0x0  }
0x176: {  	s2 =	simm.s32 $0x50F0;
	[sflag:s0] =	ssyncadd.s32 $0xFFFFEC00  }
0x177: {  	[spmem:s3] =	stream.indirect.scatter.add.f32 [tilespmem:s11], [sflag:$0x2], $0x40, s2, s9, $0xb8;
	[tilespmem:$0x1FA40] =	vst v63  }
0x178: {  	_ =	swait.ge [sflag:s7], $0x1400  }
0x179: {  	[sflag:s7] =	ssyncset.done $0x0  }
0x17a: {  	s20 =	simm.s32 $0x460;
	[sflag:s7] =	ssyncadd.s32 $0xFFFFEC00  }
0x17b: {  	[tilespmem:s30], [sflag:$0x1] =	stream.indirect.gather [hbm4b:s1+s9], $0x40, s20, s9, $0xb8;
	[tilespmem:$0x1FA40] =	vst v63  }
0x17c: {  	v3 =	vld [tilespmem:s19+$0x4B0]  }
0x17d: {  	v4 =	vld [tilespmem:s19+$0x4C0]  }
0x17e: {  	v5 =	vld [tilespmem:s19+$0x4D0]  }
0x17f: {  	v6 =	vld [tilespmem:s19+$0x4F0]  }
0x180: {  	v7 =	vld [tilespmem:s19+$0x4E0]  }
0x181: {  	v3 =	vshll.u32 v3, $0x1  }
0x182: {  	v4 =	vshll.u32 v4, $0x1;
	v3 =	vor.u32 v0, v3  }
0x183: {  	[tilespmem:s19+$0x4B0] =	vst v3;
	v3 =	vor.u32 v0, v4;
	v4 =	vshll.u32 v5, $0x1  }
0x184: {  	[tilespmem:s19+$0x4C0] =	vst v3;
	v3 =	vor.u32 v0, v4;
	v4 =	vshll.u32 v6, $0x1  }
0x185: {  	[tilespmem:s19+$0x4D0] =	vst v3;
	v3 =	vshll.u32 v7, $0x1;
	v4 =	vor.u32 v0, v4  }
0x186: {  	v3 =	vor.u32 v0, v3;
	[tilespmem:s19+$0x4F0] =	vst v4  }
0x187: {  	[tilespmem:s19+$0x4E0] =	vst v3  }
0x188: {  	_ =	swait.ge [sflag:s0], $0x1400  }
0x189: {  	[sflag:s0] =	ssyncset.done $0x0  }
0x18a: {  	s2 =	simm.s32 $0x5140;
	[sflag:s0] =	ssyncadd.s32 $0xFFFFEC00  }
0x18b: {  	[spmem:s3] =	stream.indirect.scatter.add.f32 [tilespmem:s12], [sflag:$0x2], $0x40, s2, s9, $0xb8;
	[tilespmem:$0x1FA40] =	vst v63  }
0x18c: {  	_ =	swait.ge [sflag:s7], $0x1400  }
0x18d: {  	[sflag:s7] =	ssyncset.done $0x0  }
0x18e: {  	s20 =	simm.s32 $0x4B0;
	[sflag:s7] =	ssyncadd.s32 $0xFFFFEC00  }
0x18f: {  	[tilespmem:s10], [sflag:$0x1] =	stream.indirect.gather [hbm4b:s1+s9], $0x40, s20, s9, $0xb8;
	[tilespmem:$0x1FA40] =	vst v63  }
0x190: {  	v3 =	vld [tilespmem:s19+$0x510]  }
0x191: {  	v4 =	vld [tilespmem:s19+$0x500]  }
0x192: {  	v5 =	vld [tilespmem:s19+$0x530]  }
0x193: {  	v6 =	vld [tilespmem:s19+$0x540]  }
0x194: {  	v7 =	vld [tilespmem:s19+$0x520]  }
0x195: {  	v3 =	vshll.u32 v3, $0x1  }
0x196: {  	v4 =	vshll.u32 v4, $0x1;
	v3 =	vor.u32 v0, v3  }
0x197: {  	v4 =	vor.u32 v0, v4;
	[tilespmem:s19+$0x510] =	vst v3;
	v3 =	vshll.u32 v5, $0x1  }
0x198: {  	[tilespmem:s19+$0x500] =	vst v4;
	v4 =	vshll.u32 v6, $0x1;
	v3 =	vor.u32 v0, v3  }
0x199: {  	v5 =	vshll.u32 v7, $0x1;
	[tilespmem:s19+$0x530] =	vst v3;
	v3 =	vor.u32 v0, v4  }
0x19a: {  	v4 =	vor.u32 v0, v5;
	[tilespmem:s19+$0x540] =	vst v3  }
0x19b: {  	[tilespmem:s19+$0x520] =	vst v4  }
0x19c: {  	_ =	swait.ge [sflag:s0], $0x1400  }
0x19d: {  	[sflag:s0] =	ssyncset.done $0x0  }
0x19e: {  	s2 =	simm.s32 $0x5190;
	[sflag:s0] =	ssyncadd.s32 $0xFFFFEC00  }
0x19f: {  	[spmem:s3] =	stream.indirect.scatter.add.f32 [tilespmem:s13], [sflag:$0x2], $0x40, s2, s9, $0xb8;
	[tilespmem:$0x1FA40] =	vst v63  }
0x1a0: {  	_ =	swait.ge [sflag:s7], $0x1400  }
0x1a1: {  	[sflag:s7] =	ssyncset.done $0x0  }
0x1a2: {  	s20 =	simm.s32 $0x500;
	[sflag:s7] =	ssyncadd.s32 $0xFFFFEC00  }
0x1a3: {  	[tilespmem:s11], [sflag:$0x1] =	stream.indirect.gather [hbm4b:s1+s9], $0x40, s20, s9, $0xb8;
	[tilespmem:$0x1FA40] =	vst v63  }
0x1a4: {  	v5 =	vld [tilespmem:s19+$0x550]  }
0x1a5: {  	v4 =	vld [tilespmem:s19+$0x570]  }
0x1a6: {  	s20 =	simm.s32 $0x8C0;
	v3 =	vld [tilespmem:s19+$0x590]  }
.LBB2_4:
0x1a7: {  	p0 =	sne.s32 s20, $0x120C0;
	v6 =	vld [tilespmem:s19+$0x580];
	s6 =	smov.u32 s20;
	s20 =	sadd.s32 $0x8C0, s20  }
0x1a8: {  	v7 =	vld [tilespmem:s19+$0x560]  }
0x1a9: {  	v5 =	vshll.u32 v5, $0x1  }
0x1aa: {  	v5 =	vor.u32 v0, v5;
	v4 =	vshll.u32 v4, $0x1  }
0x1ab: {  	[tilespmem:s19+$0x550] =	vst v5;
	v4 =	vor.u32 v0, v4;
	v3 =	vshll.u32 v3, $0x1  }
0x1ac: {  	[tilespmem:s19+$0x570] =	vst v4;
	v4 =	vshll.u32 v6, $0x1;
	v3 =	vor.u32 v0, v3  }
0x1ad: {  	v5 =	vshll.u32 v7, $0x1;
	v4 =	vor.u32 v0, v4;
	[tilespmem:s19+$0x590] =	vst v3  }
0x1ae: {  	v3 =	vor.u32 v0, v5;
	[tilespmem:s19+$0x580] =	vst v4  }
0x1af: {  	[tilespmem:s19+$0x560] =	vst v3  }
0x1b0: {  	_ =	swait.ge [sflag:s0], $0x1400  }
0x1b1: {  	[sflag:s0] =	ssyncset.done $0x0  }
0x1b2: {  	s2 =	sadd.s32 $0x51E0, s19;
	[sflag:s0] =	ssyncadd.s32 $0xFFFFEC00  }
0x1b3: {  	[spmem:s3] =	stream.indirect.scatter.add.f32 [tilespmem:s14], [sflag:$0x2], $0x40, s2, s9, $0xb8;
	[tilespmem:$0x1FA40] =	vst v63  }
0x1b4: {  	_ =	swait.ge [sflag:s7], $0x1400  }
0x1b5: {  	[sflag:s7] =	ssyncset.done $0x0  }
0x1b6: {  	s2 =	sadd.s32 $0x550, s19;
	[sflag:s7] =	ssyncadd.s32 $0xFFFFEC00  }
0x1b7: {  	[tilespmem:s12], [sflag:$0x1] =	stream.indirect.gather [hbm4b:s1+s9], $0x40, s2, s9, $0xb8;
	[tilespmem:$0x1FA40] =	vst v63  }
0x1b8: {  	v3 =	vld [tilespmem:s19+$0x5A0]  }
0x1b9: {  	v4 =	vld [tilespmem:s19+$0x5B0]  }
0x1ba: {  	v5 =	vld [tilespmem:s19+$0x5C0]  }
0x1bb: {  	v6 =	vld [tilespmem:s19+$0x5E0];
	_ =	sdelay $0x1  }
0x1bc: {  	v3 =	vshll.u32 v3, $0x1  }
0x1bd: {  	v3 =	vor.u32 v0, v3;
	v4 =	vshll.u32 v4, $0x1  }
0x1be: {  	[tilespmem:s19+$0x5A0] =	vst v3;
	v3 =	vor.u32 v0, v4;
	v4 =	vshll.u32 v5, $0x1;
	v5 =	vld [tilespmem:s19+$0x5D0]  }
0x1bf: {  	[tilespmem:s19+$0x5B0] =	vst v3;
	v3 =	vor.u32 v0, v4;
	v4 =	vshll.u32 v6, $0x1  }
0x1c0: {  	[tilespmem:s19+$0x5C0] =	vst v3;
	v3 =	vor.u32 v0, v4  }
0x1c1: {  	[tilespmem:s19+$0x5E0] =	vst v3;
	_ =	sdelay $0x1  }
0x1c2: {  	v3 =	vshll.u32 v5, $0x1  }
0x1c3: {  	v3 =	vor.u32 v0, v3  }
0x1c4: {  	[tilespmem:s19+$0x5D0] =	vst v3  }
0x1c5: {  	_ =	swait.ge [sflag:s0], $0x1400  }
0x1c6: {  	[sflag:s0] =	ssyncset.done $0x0  }
0x1c7: {  	s2 =	sadd.s32 $0x5A0, s19;
	s19 =	sadd.s32 $0x5230, s19;
	[sflag:s0] =	ssyncadd.s32 $0xFFFFEC00  }
0x1c8: {  	[spmem:s3] =	stream.indirect.scatter.add.f32 [tilespmem:s15], [sflag:$0x2], $0x40, s19, s9, $0xb8;
	[tilespmem:$0x1FA40] =	vst v63  }
0x1c9: {  	_ =	swait.ge [sflag:s7], $0x1400  }
0x1ca: {  	[sflag:s7] =	ssyncset.done $0x0  }
0x1cb: {  	s19 =	sshra.s32 s6, $0x2;
	[sflag:s7] =	ssyncadd.s32 $0xFFFFEC00  }
0x1cc: {  	[tilespmem:s13], [sflag:$0x1] =	stream.indirect.gather [hbm4b:s1+s9], $0x40, s2, s9, $0xb8;
	[tilespmem:$0x1FA40] =	vst v63  }
0x1cd: {  	v3 =	vld [tilespmem:s19+$0x3E0]  }
0x1ce: {  	v4 =	vld [tilespmem:s19+$0x3F0]  }
0x1cf: {  	v5 =	vld [tilespmem:s19+$0x3C0]  }
0x1d0: {  	v6 =	vld [tilespmem:s19+$0x3D0]  }
0x1d1: {  	v7 =	vld [tilespmem:s19+$0x400];
	_ =	sdelay $0x1  }
0x1d2: {  	v4 =	vshll.u32 v4, $0x1  }
0x1d3: {  	v3 =	vshll.u32 v3, $0x1;
	v5 =	vshll.u32 v5, $0x1;
	v4 =	vor.u32 v0, v4  }
0x1d4: {  	v3 =	vor.u32 v0, v3;
	v5 =	vor.u32 v0, v5;
	v6 =	vshll.u32 v6, $0x1;
	[tilespmem:s19+$0x3F0] =	vst v4  }
0x1d5: {  	[tilespmem:s19+$0x3C0] =	vst v5;
	v4 =	vor.u32 v0, v6;
	v5 =	vshll.u32 v7, $0x1  }
0x1d6: {  	[tilespmem:s19+$0x3D0] =	vst v4;
	v4 =	vor.u32 v0, v5  }
0x1d7: {  	[tilespmem:s19+$0x3E0] =	vst v3  }
0x1d8: {  	[tilespmem:s19+$0x400] =	vst v4  }
0x1d9: {  	_ =	swait.ge [sflag:s0], $0x1400  }
0x1da: {  	[sflag:s0] =	ssyncset.done $0x0  }
0x1db: {  	s2 =	sadd.s32 $0x5050, s19;
	[sflag:s0] =	ssyncadd.s32 $0xFFFFEC00  }
0x1dc: {  	[spmem:s3] =	stream.indirect.scatter.add.f32 [tilespmem:s30], [sflag:$0x2], $0x40, s2, s9, $0xb8;
	[tilespmem:$0x1FA40] =	vst v63  }
0x1dd: {  	_ =	swait.ge [sflag:s7], $0x1400  }
0x1de: {  	[sflag:s7] =	ssyncset.done $0x0  }
0x1df: {  	s2 =	sadd.s32 $0x3C0, s19;
	[sflag:s7] =	ssyncadd.s32 $0xFFFFEC00  }
0x1e0: {  	[tilespmem:s14], [sflag:$0x1] =	stream.indirect.gather [hbm4b:s1+s9], $0x40, s2, s9, $0xb8;
	[tilespmem:$0x1FA40] =	vst v63  }
0x1e1: {  	v3 =	vld [tilespmem:s19+$0x410]  }
0x1e2: {  	v4 =	vld [tilespmem:s19+$0x420]  }
0x1e3: {  	v5 =	vld [tilespmem:s19+$0x430]  }
0x1e4: {  	v6 =	vld [tilespmem:s19+$0x450]  }
0x1e5: {  	v7 =	vld [tilespmem:s19+$0x440]  }
0x1e6: {  	v3 =	vshll.u32 v3, $0x1  }
0x1e7: {  	v3 =	vor.u32 v0, v3;
	v4 =	vshll.u32 v4, $0x1  }
0x1e8: {  	[tilespmem:s19+$0x410] =	vst v3;
	v3 =	vor.u32 v0, v4;
	v4 =	vshll.u32 v5, $0x1  }
0x1e9: {  	[tilespmem:s19+$0x420] =	vst v3;
	v3 =	vor.u32 v0, v4;
	v4 =	vshll.u32 v6, $0x1  }
0x1ea: {  	[tilespmem:s19+$0x430] =	vst v3;
	v3 =	vshll.u32 v7, $0x1;
	v4 =	vor.u32 v0, v4  }
0x1eb: {  	v3 =	vor.u32 v0, v3;
	[tilespmem:s19+$0x450] =	vst v4  }
0x1ec: {  	[tilespmem:s19+$0x440] =	vst v3  }
0x1ed: {  	_ =	swait.ge [sflag:s0], $0x1400  }
0x1ee: {  	[sflag:s0] =	ssyncset.done $0x0  }
0x1ef: {  	s2 =	sadd.s32 $0x50A0, s19;
	[sflag:s0] =	ssyncadd.s32 $0xFFFFEC00  }
0x1f0: {  	[spmem:s3] =	stream.indirect.scatter.add.f32 [tilespmem:s10], [sflag:$0x2], $0x40, s2, s9, $0xb8;
	[tilespmem:$0x1FA40] =	vst v63  }
0x1f1: {  	_ =	swait.ge [sflag:s7], $0x1400  }
0x1f2: {  	[sflag:s7] =	ssyncset.done $0x0  }
0x1f3: {  	s2 =	sadd.s32 $0x410, s19;
	[sflag:s7] =	ssyncadd.s32 $0xFFFFEC00  }
0x1f4: {  	[tilespmem:s15], [sflag:$0x1] =	stream.indirect.gather [hbm4b:s1+s9], $0x40, s2, s9, $0xb8;
	[tilespmem:$0x1FA40] =	vst v63  }
0x1f5: {  	v3 =	vld [tilespmem:s19+$0x490]  }
0x1f6: {  	v4 =	vld [tilespmem:s19+$0x460]  }
0x1f7: {  	v5 =	vld [tilespmem:s19+$0x470]  }
0x1f8: {  	v6 =	vld [tilespmem:s19+$0x480];
	_ =	sdelay $0x1  }
0x1f9: {  	v3 =	vshll.u32 v3, $0x1  }
0x1fa: {  	v4 =	vshll.u32 v4, $0x1;
	v3 =	vor.u32 v0, v3;
	v7 =	vld [tilespmem:s19+$0x4A0]  }
0x1fb: {  	v4 =	vor.u32 v0, v4;
	v5 =	vshll.u32 v5, $0x1;
	[tilespmem:s19+$0x490] =	vst v3  }
0x1fc: {  	[tilespmem:s19+$0x460] =	vst v4;
	v3 =	vor.u32 v0, v5;
	v4 =	vshll.u32 v6, $0x1  }
0x1fd: {  	[tilespmem:s19+$0x470] =	vst v3;
	v3 =	vor.u32 v0, v4  }
0x1fe: {  	[tilespmem:s19+$0x480] =	vst v3  }
0x1ff: {  	v3 =	vshll.u32 v7, $0x1  }
0x200: {  	v3 =	vor.u32 v0, v3  }
0x201: {  	[tilespmem:s19+$0x4A0] =	vst v3  }
0x202: {  	_ =	swait.ge [sflag:s0], $0x1400  }
0x203: {  	[sflag:s0] =	ssyncset.done $0x0  }
0x204: {  	s2 =	sadd.s32 $0x50F0, s19;
	[sflag:s0] =	ssyncadd.s32 $0xFFFFEC00  }
0x205: {  	[spmem:s3] =	stream.indirect.scatter.add.f32 [tilespmem:s11], [sflag:$0x2], $0x40, s2, s9, $0xb8;
	[tilespmem:$0x1FA40] =	vst v63  }
0x206: {  	_ =	swait.ge [sflag:s7], $0x1400  }
0x207: {  	[sflag:s7] =	ssyncset.done $0x0  }
0x208: {  	s2 =	sadd.s32 $0x460, s19;
	[sflag:s7] =	ssyncadd.s32 $0xFFFFEC00  }
0x209: {  	[tilespmem:s30], [sflag:$0x1] =	stream.indirect.gather [hbm4b:s1+s9], $0x40, s2, s9, $0xb8;
	[tilespmem:$0x1FA40] =	vst v63  }
0x20a: {  	v3 =	vld [tilespmem:s19+$0x4B0]  }
0x20b: {  	v4 =	vld [tilespmem:s19+$0x4C0]  }
0x20c: {  	v5 =	vld [tilespmem:s19+$0x4D0]  }
0x20d: {  	v6 =	vld [tilespmem:s19+$0x4F0]  }
0x20e: {  	v7 =	vld [tilespmem:s19+$0x4E0]  }
0x20f: {  	v3 =	vshll.u32 v3, $0x1  }
0x210: {  	v3 =	vor.u32 v0, v3;
	v4 =	vshll.u32 v4, $0x1  }
0x211: {  	[tilespmem:s19+$0x4B0] =	vst v3;
	v3 =	vor.u32 v0, v4;
	v4 =	vshll.u32 v5, $0x1  }
0x212: {  	[tilespmem:s19+$0x4C0] =	vst v3;
	v3 =	vor.u32 v0, v4;
	v4 =	vshll.u32 v6, $0x1  }
0x213: {  	[tilespmem:s19+$0x4D0] =	vst v3;
	v3 =	vshll.u32 v7, $0x1;
	v4 =	vor.u32 v0, v4  }
0x214: {  	v3 =	vor.u32 v0, v3;
	[tilespmem:s19+$0x4F0] =	vst v4  }
0x215: {  	[tilespmem:s19+$0x4E0] =	vst v3  }
0x216: {  	_ =	swait.ge [sflag:s0], $0x1400  }
0x217: {  	[sflag:s0] =	ssyncset.done $0x0  }
0x218: {  	s2 =	sadd.s32 $0x5140, s19;
	[sflag:s0] =	ssyncadd.s32 $0xFFFFEC00  }
0x219: {  	[spmem:s3] =	stream.indirect.scatter.add.f32 [tilespmem:s12], [sflag:$0x2], $0x40, s2, s9, $0xb8;
	[tilespmem:$0x1FA40] =	vst v63  }
0x21a: {  	_ =	swait.ge [sflag:s7], $0x1400  }
0x21b: {  	[sflag:s7] =	ssyncset.done $0x0  }
0x21c: {  	s2 =	sadd.s32 $0x4B0, s19;
	[sflag:s7] =	ssyncadd.s32 $0xFFFFEC00  }
0x21d: {  	[tilespmem:s10], [sflag:$0x1] =	stream.indirect.gather [hbm4b:s1+s9], $0x40, s2, s9, $0xb8;
	[tilespmem:$0x1FA40] =	vst v63  }
0x21e: {  	v3 =	vld [tilespmem:s19+$0x510]  }
0x21f: {  	v4 =	vld [tilespmem:s19+$0x500]  }
0x220: {  	v5 =	vld [tilespmem:s19+$0x530]  }
0x221: {  	v6 =	vld [tilespmem:s19+$0x540]  }
0x222: {  	v7 =	vld [tilespmem:s19+$0x520]  }
0x223: {  	v3 =	vshll.u32 v3, $0x1  }
0x224: {  	v4 =	vshll.u32 v4, $0x1;
	v3 =	vor.u32 v0, v3  }
0x225: {  	v4 =	vor.u32 v0, v4;
	[tilespmem:s19+$0x510] =	vst v3;
	v3 =	vshll.u32 v5, $0x1  }
0x226: {  	[tilespmem:s19+$0x500] =	vst v4;
	v3 =	vor.u32 v0, v3;
	v4 =	vshll.u32 v6, $0x1  }
0x227: {  	v5 =	vshll.u32 v7, $0x1;
	[tilespmem:s19+$0x530] =	vst v3;
	v3 =	vor.u32 v0, v4  }
0x228: {  	v4 =	vor.u32 v0, v5;
	[tilespmem:s19+$0x540] =	vst v3  }
0x229: {  	[tilespmem:s19+$0x520] =	vst v4  }
0x22a: {  	_ =	swait.ge [sflag:s0], $0x1400  }
0x22b: {  	[sflag:s0] =	ssyncset.done $0x0  }
0x22c: {  	s2 =	sadd.s32 $0x5190, s19;
	[sflag:s0] =	ssyncadd.s32 $0xFFFFEC00  }
0x22d: {  	[spmem:s3] =	stream.indirect.scatter.add.f32 [tilespmem:s13], [sflag:$0x2], $0x40, s2, s9, $0xb8;
	[tilespmem:$0x1FA40] =	vst v63  }
0x22e: {  	_ =	swait.ge [sflag:s7], $0x1400  }
0x22f: {  	[sflag:s7] =	ssyncset.done $0x0  }
.Ltmp1:
0x230: {  	s2 =	sadd.s32 $0x500, s19;
	[sflag:s7] =	ssyncadd.s32 $0xFFFFEC00;
	(pc) =	sbr.rel @p0 .LBB2_4-.Ltmp1, $4  }
0x231: {  	[tilespmem:s11], [sflag:$0x1] =	stream.indirect.gather [hbm4b:s1+s9], $0x40, s2, s9, $0xb8;
	[tilespmem:$0x1FA40] =	vst v63  }
0x232: {  	v5 =	vld [tilespmem:s19+$0x550]  }
0x233: {  	v4 =	vld [tilespmem:s19+$0x570]  }
0x234: {  	v3 =	vld [tilespmem:s19+$0x590]  }
0x235: {  	v6 =	vld [tilespmem:s19+$0x580]  }
0x236: {  	v7 =	vld [tilespmem:s19+$0x560]  }
0x237: {  	v5 =	vshll.u32 v5, $0x1  }
0x238: {  	v5 =	vor.u32 v0, v5;
	v4 =	vshll.u32 v4, $0x1  }
0x239: {  	[tilespmem:s19+$0x550] =	vst v5;
	v4 =	vor.u32 v0, v4;
	v3 =	vshll.u32 v3, $0x1  }
0x23a: {  	[tilespmem:s19+$0x570] =	vst v4;
	v56 =	vshll.u32 v6, $0x1;
	v3 =	vor.u32 v0, v3  }
0x23b: {  	v57 =	vshll.u32 v7, $0x1;
	v4 =	vor.u32 v0, v56;
	[tilespmem:s19+$0x590] =	vst v3  }
0x23c: {  	v3 =	vor.u32 v0, v57;
	[tilespmem:s19+$0x580] =	vst v4  }
0x23d: {  	[tilespmem:s19+$0x560] =	vst v3  }
0x23e: {  	_ =	swait.ge [sflag:s0], $0x1400  }
0x23f: {  	[sflag:s0] =	ssyncset.done $0x0  }
0x240: {  	s2 =	sadd.s32 $0x51E0, s19;
	[sflag:s0] =	ssyncadd.s32 $0xFFFFEC00  }
0x241: {  	[spmem:s3] =	stream.indirect.scatter.add.f32 [tilespmem:s14], [sflag:$0x2], $0x40, s2, s9, $0xb8;
	[tilespmem:$0x1FA40] =	vst v63  }
0x242: {  	_ =	swait.ge [sflag:s7], $0x1400  }
0x243: {  	[sflag:s7] =	ssyncset.done $0x0  }
0x244: {  	s6 =	sadd.s32 $0x550, s19;
	[sflag:s7] =	ssyncadd.s32 $0xFFFFEC00  }
0x245: {  	[tilespmem:s12], [sflag:$0x1] =	stream.indirect.gather [hbm4b:s1+s9], $0x40, s6, s9, $0xb8;
	[tilespmem:$0x1FA40] =	vst v63  }
0x246: {  	v3 =	vld [tilespmem:s19+$0x5A0];
	_ =	sdelay $0x3  }
0x247: {  	v58 =	vld [tilespmem:s19+$0x5B0]  }
0x248: {  	v59 =	vld [tilespmem:s19+$0x5C0];
	v3 =	vshll.u32 v3, $0x1  }
0x249: {  	v60 =	vld [tilespmem:s19+$0x5E0];
	v3 =	vor.u32 v0, v3  }
0x24a: {  	[tilespmem:s19+$0x5A0] =	vst v3;
	v3 =	vld [tilespmem:s19+$0x5D0];
	_ =	sdelay $0x1  }
0x24b: {  	v4 =	vshll.u32 v58, $0x1  }
0x24c: {  	v5 =	vshll.u32 v59, $0x1;
	v4 =	vor.u32 v0, v4  }
0x24d: {  	v62 =	vshll.u32 v60, $0x1;
	v61 =	vor.u32 v0, v5;
	[tilespmem:s19+$0x5B0] =	vst v4  }
0x24e: {  	v63 =	vor.u32 v0, v62;
	[tilespmem:s19+$0x5C0] =	vst v61;
	v3 =	vshll.u32 v3, $0x1  }
0x24f: {  	[tilespmem:s19+$0x5E0] =	vst v63;
	v3 =	vor.u32 v0, v3  }
0x250: {  	[tilespmem:s19+$0x5D0] =	vst v3  }
0x251: {  	_ =	swait.ge [sflag:s0], $0x1400  }
0x252: {  	[sflag:s0] =	ssyncset.done $0x0  }
0x253: {  	s20 =	sadd.s32 $0x5230, s19;
	[sflag:s0] =	ssyncadd.s32 $0xFFFFEC00  }
0x254: {  	[spmem:s3] =	stream.indirect.scatter.add.f32 [tilespmem:s15], [sflag:$0x2], $0x40, s20, s9, $0xb8;
	[tilespmem:$0x1FA40] =	vst v63  }
0x255: {  	_ =	swait.ge [sflag:s7], $0x1400  }
0x256: {  	[sflag:s7] =	ssyncset.done $0x0  }
0x257: {  	s6 =	sadd.s32 $0x5A0, s19;
	[sflag:s7] =	ssyncadd.s32 $0xFFFFEC00  }
0x258: {  	[tilespmem:s13], [sflag:$0x1] =	stream.indirect.gather [hbm4b:s1+s9], $0x40, s6, s9, $0xb8;
	[tilespmem:$0x1FA40] =	vst v63  }
0x259: {  	_ =	swait.ge [sflag:s0], $0x1400  }
0x25a: {  	[sflag:s0] =	ssyncset.done $0x0  }
0x25b: {  	s19 =	simm.s32 $0x9AB0;
	[sflag:s0] =	ssyncadd.s32 $0xFFFFEC00  }
0x25c: {  	[spmem:s3] =	stream.indirect.scatter.add.f32 [tilespmem:s30], [sflag:$0x2], $0x40, s19, s9, $0xb8;
	[tilespmem:$0x1FA40] =	vst v63  }
0x25d: {  	_ =	swait.ge [sflag:s0], $0x1400  }
0x25e: {  	[sflag:s0] =	ssyncset.done $0x0  }
0x25f: {  	s20 =	simm.s32 $0x9B00;
	[sflag:s0] =	ssyncadd.s32 $0xFFFFEC00  }
0x260: {  	[spmem:s3] =	stream.indirect.scatter.add.f32 [tilespmem:s10], [sflag:$0x2], $0x40, s20, s9, $0xb8;
	[tilespmem:$0x1FA40] =	vst v63  }
0x261: {  	_ =	swait.ge [sflag:s0], $0x1400  }
0x262: {  	[sflag:s0] =	ssyncset.done $0x0  }
0x263: {  	s6 =	simm.s32 $0x9B50;
	[sflag:s0] =	ssyncadd.s32 $0xFFFFEC00  }
0x264: {  	[spmem:s3] =	stream.indirect.scatter.add.f32 [tilespmem:s11], [sflag:$0x2], $0x40, s6, s9, $0xb8;
	[tilespmem:$0x1FA40] =	vst v63  }
0x265: {  	_ =	swait.ge [sflag:s0], $0x1400  }
0x266: {  	[sflag:s0] =	ssyncset.done $0x0  }
0x267: {  	s19 =	simm.s32 $0x9BA0;
	[sflag:s0] =	ssyncadd.s32 $0xFFFFEC00  }
0x268: {  	[spmem:s3] =	stream.indirect.scatter.add.f32 [tilespmem:s12], [sflag:$0x2], $0x40, s19, s9, $0xb8;
	[tilespmem:$0x1FA40] =	vst v63  }
0x269: {  	_ =	swait.ge [sflag:s0], $0x1400  }
0x26a: {  	[sflag:s0] =	ssyncset.done $0x0  }
0x26b: {  	s20 =	simm.s32 $0x9BF0;
	[sflag:s0] =	ssyncadd.s32 $0xFFFFEC00  }
0x26c: {  	[spmem:s3] =	stream.indirect.scatter.add.f32 [tilespmem:s13], [sflag:$0x2], $0x40, s20, s9, $0xb8;
	[tilespmem:$0x1FA40] =	vst v63  }
0x26d: {  	_ =	swait.ge [sflag:s7], $0x1400  }
0x26e: {  	[sflag:s7] =	ssyncset.done $0x0  }
0x26f: {  	[sflag:s7] =	ssyncadd.s32 $0xFFFFEC00  }
0x270: {  	_ =	swait.ge [sflag:s7], $0x1400  }
0x271: {  	[sflag:s7] =	ssyncset.done $0x0  }
0x272: {  	[sflag:s7] =	ssyncadd.s32 $0xFFFFEC00  }
0x273: {  	_ =	swait.ge [sflag:s7], $0x1400  }
0x274: {  	[sflag:s7] =	ssyncset.done $0x0  }
0x275: {  	[sflag:s7] =	ssyncadd.s32 $0xFFFFEC00  }
0x276: {  	_ =	swait.ge [sflag:s7], $0x1400  }
0x277: {  	[sflag:s7] =	ssyncset.done $0x0  }
0x278: {  	[sflag:s7] =	ssyncadd.s32 $0xFFFFEC00  }
0x279: {  	_ =	swait.ge [sflag:s7], $0x1400  }
0x27a: {  	[sflag:s7] =	ssyncset.done $0x0  }
0x27b: {  	[sflag:s7] =	ssyncadd.s32 $0xFFFFEC00  }
0x27c: {  	_ =	swait.ge [sflag:s7], $0x1400  }
0x27d: {  	[sflag:s7] =	ssyncset.done $0x0  }
0x27e: {  	[sflag:s7] =	ssyncadd.s32 $0xFFFFEC00  }
0x27f: {  	_ =	swait.ge [sflag:s7], $0x1400  }
0x280: {  	[sflag:s7] =	ssyncset.done $0x0  }
0x281: {  	s6 =	simm.s32 $0x0;
	[sflag:s7] =	ssyncadd.s32 $0xFFFFEC00  }
.LBB2_6:
0x282: {  	p0 =	sne.s32 s6, $0x9B00  }
.Ltmp2:
0x283: {  	_ = 	snop;
	(pc) =	sbr.rel @p0 .LBB2_6-.Ltmp2, $4  }
0x284: {  	_ = 	snop  }
0x285: {  	s2 =	sshra.s32 s6, $0x2  }
0x286: {  	s6 =	sadd.s32 $0x140, s6;
	s2 =	sadd.s32 s2, s26  }
0x287: {  	[spmem:s4] =	stream.indirect.scatter.add.f32 [tilespmem:s16], [sflag:$0x3], $0x10, s2, s9, $0xb8;
	[tilespmem:$0x1FA40] =	vst v63  }
0x288: {  	_ =	swait.ge [sflag:s17], $0x500  }
0x289: {  	s6 =	simm.s32 $0x7C;
	[sflag:s17] =	ssyncset.done $0x0  }
.LBB2_8:
0x28a: {  	p0 =	sne.s32 s6, $0x1;
	s6 =	sadd.s32 $0xFFFFFFFF, s6;
	[sflag:s17] =	ssyncadd.s32 $0xFFFFFB00  }
.Ltmp3:
0x28b: {  	(pc) =	sbr.rel @p0 .LBB2_8-.Ltmp3, $3  }
0x28c: {  	_ =	sdelay $0x1  }
0x28d: {  	_ =	swait.ge [sflag:s17], $0x500  }
0x28e: {  	[sflag:s17] =	ssyncset.done $0x0  }
0x28f: {  	[sflag:s17] =	ssyncadd.s32 $0xFFFFFB00;
	s2 =	stileid.u32  }
0x290: {  	s6 =	sshrl.u32 s8, $0x3;
	s2 =	sshll.u32 s2, $0x6;
	[bflag:$0x0] =	sbarrier.arrive $0xFFFF  }
0x291: {  	s20 =	simm.s32 $0x10;
	s2 =	sor.u32 $0x1C04, s2;
	s19 =	rddreg [dreg:$0x6]  }
0x292: {  	[hbm:s19@s20], [sflag:s2] =	dma.strided [spmem:s6@s22], $0x1400, s0, $0x8   }
0x293: {  	_ =	swait.ge [sflag:s18], $0x1400  }
0x294: {  	[sflag:s18] =	ssyncset.done $0x0  }
0x295: {  	s19 =	rddreg [dreg:$0x7];
	[sflag:s18] =	ssyncadd.s32 $0xFFFFEC00  }
0x296: {  	[hbm:s19], [sflag:s2] =	dma.local [spmem:s28], $0x500  }
0x297: {  	_ =	swait.ge [sflag:s18], $0x500  }
0x298: {  	s5 =	sadd.s32 $0x1, s5;
	s20 =	rddreg [dreg:$0x8]  }
0x299: {  	p0 =	sne.s32 s5, s20  }
.Ltmp4:
0x29a: {  	_ = 	snop;
	(pc) =	sbr.rel @p0 .LBB2_1-.Ltmp4, $3  }
0x29b: {  	_ =	sdelay $0x1  }
0x29c: {  	[sflag:s18] =	ssyncset.done $0x0  }
0x29d: {  	[sflag:s18] =	ssyncadd.s32 $0xFFFFFB00  }
0x29e: {  	_ =	sfence.sel $0x180000  }
0x29f: {  	[bflag:$0x0] =	sbarrier.arrive $0xFFFF  }
0x2a0: {  	_ =	strace $0x90000047  }
0x2a1: {  	s0 =	stileid.u32;
	[bflag:$0x2] =	sbarrier.arrive $0xFFFF  }
0x2a2: {  	p0 =	sne.s32 s0, $0x0;
	s0 =	rddreg [dreg:$0x5]  }
0x2a3: {  	s0 =	sadd.s32 @!p0 $0x100000, s0  }
0x2a4: {  	[sflag:s0] =	ssyncadd.tile.s32 @!p0 $0x1;
	_ =	shalt  }
.Lfunc_end2:
_tile_overlayer_lowered:
.L_overlay_start_2:
0x2a5: {  	(tag) =	ssettag $0x2  }
0x2a6: {  	s0 =	rddreg [dreg:$0x0];
	s2 =	stileid.u32  }
0x2a7: {  	s1 =	rddreg [dreg:$0x1];
	p0 =	sne.s32 s2, $0x0  }
0x2a8: {  	s3 =	rddreg [dreg:$0x2];
	[bflag:$0x3] =	sbarrier.arrive $0xFFFF;
	s2 =	simm.s32 @!p0 $0x1C04  }
0x2a9: {  	[timem:s3], [sflag:s2] =	dma.local @!p0 [hbm:s0], s1  }
0x2aa: {  	s0 =	simm.s32 @!p0 $0x4  }
0x2ab: {  	_ =	swait.ge @!p0 [sflag:s0], s1  }
0x2ac: {  	s1 =	ssub.s32 @!p0 $0x0, s1;
	[sflag:s0] =	ssyncset.done @!p0 $0x0  }
0x2ad: {  	[sflag:s0] =	ssyncadd.s32 @!p0 s1  }
0x2ae: {  	[bflag:$0x3] =	sbarrier.arrive $0xFFFF  }
0x2af: {  	_ =	shalt  }

</sc_bundles>
